<compile_context>
chip_gen: v7x
topology: tpu7x:2x2x1
jax: 0.10.2.dev20260603
libtpu: 0.0.44.dev20260713+nightly
codegen_flags: <defaults>
</compile_context>

<pallas_src>
import functools

import jax
import jax.numpy as jnp
from jax import lax
from jax.experimental import pallas as pl
from jax.experimental.pallas import tpu as pltpu
from jax.experimental.pallas import tpu_sc as plsc

C = 128
N = 10000
E = 320000

NC = 2
NS = 16
L = 16
NW = NC * NS
CPT = C // NW
ECH = 2000
NCHUNK = E // ECH
STEPS = ECH // L
SENTINEL = 3.0e38


def _fc1_bn_relu_body(x_ref, w_ref, b_ref, g_ref, bb_ref, o_ref):
    z = jnp.dot(w_ref[...], x_ref[...], preferred_element_type=jnp.float32)
    z = z + b_ref[...]
    m = jnp.mean(z, axis=1, keepdims=True)
    v = jnp.mean((z - m) ** 2, axis=1, keepdims=True)
    h = g_ref[...] * (z - m) * lax.rsqrt(v + 1e-5) + bb_ref[...]
    o_ref[...] = jnp.maximum(h, 0.0)


def _stage_a(x2d, w, b, g, bb):
    return pl.pallas_call(
        _fc1_bn_relu_body,
        out_shape=jax.ShapeDtypeStruct((C, N), jnp.float32),
    )(x2d, w, b, g, bb)


def _segmin_body(h_hbm, src_hbm, dst_hbm, out_hbm, *refs):
    hlocs = refs[0:CPT]
    accs = refs[CPT:2 * CPT]
    sv0, dv0, sv1, dv1 = refs[2 * CPT:2 * CPT + 4]
    sem_s0, sem_d0, sem_s1, sem_d1 = refs[2 * CPT + 4:2 * CPT + 8]

    cid = lax.axis_index("c")
    sid = lax.axis_index("s")
    wid = sid * NC + cid
    c0 = wid * CPT

    pltpu.async_copy(src_hbm.at[pl.ds(0, ECH)], sv0, sem_s0)
    pltpu.async_copy(dst_hbm.at[pl.ds(0, ECH)], dv0, sem_d0)
    pltpu.async_copy(src_hbm.at[pl.ds(ECH, ECH)], sv1, sem_s1)
    pltpu.async_copy(dst_hbm.at[pl.ds(ECH, ECH)], dv1, sem_d1)

    for c in range(CPT):
        pltpu.sync_copy(h_hbm.at[pl.ds((c0 + c) * N, N)], hlocs[c])

    sent = jnp.full((L,), SENTINEL, jnp.float32)

    def init_row(i, _):
        for c in range(CPT):
            accs[c][pl.ds(i * L, L)] = sent
        return 0

    lax.fori_loop(0, N // L, init_row, 0)

    lanes = lax.iota(jnp.int32, L)

    def _vec_has_dup(d):
        srt = lax.sort(d)
        prev = lax.gather(
            srt, jnp.maximum(lanes - 1, 0)[:, None],
            dimension_numbers=lax.GatherDimensionNumbers(
                offset_dims=(), collapsed_slice_dims=(0,),
                start_index_map=(0,)),
            slice_sizes=(1,),
            mode=lax.GatherScatterMode.PROMISE_IN_BOUNDS)
        return jnp.any((srt == prev) & (lanes > 0))

    U = 5

    def process_chunk(svr, dvr):
        def group(g, _):
            base = g * U
            svecs, dvecs, dups = [], [], []
            for u in range(U):
                i = base + u
                s = svr[pl.ds(i * L, L)]
                d = dvr[pl.ds(i * L, L)]
                svecs.append(s)
                dvecs.append(d)
                dups.append(_vec_has_dup(d))
                for c in range(CPT):
                    hv = plsc.load_gather(hlocs[c], [s])
                    cur = plsc.load_gather(accs[c], [d])
                    plsc.store_scatter(accs[c], [d], jnp.minimum(hv, cur))

            any_dup = functools.reduce(jnp.logical_or, dups)

            @pl.when(any_dup)
            def _fixup():
                for u in range(U):
                    s, d = svecs[u], dvecs[u]

                    @pl.when(dups[u])
                    def _fix_step(s=s, d=d):
                        for c in range(CPT):
                            hv = plsc.load_gather(hlocs[c], [s])
                            chk = plsc.load_gather(accs[c], [d])
                            bad = chk > hv

                            def retry(b, d=d, hv=hv, c=c):
                                cur2 = plsc.load_gather(accs[c], [d])
                                plsc.store_scatter(accs[c], [d],
                                                   jnp.minimum(hv, cur2),
                                                   mask=b)
                                chk2 = plsc.load_gather(accs[c], [d])
                                return b & (chk2 > hv)

                            lax.while_loop(jnp.any, retry, bad)

            return 0

        lax.fori_loop(0, STEPS // U, group, 0)

    def outer(m, _):
        k0 = 2 * m
        pltpu.make_async_copy(src_hbm.at[pl.ds(0, ECH)], sv0, sem_s0).wait()
        pltpu.make_async_copy(dst_hbm.at[pl.ds(0, ECH)], dv0, sem_d0).wait()
        process_chunk(sv0, dv0)

        @pl.when(k0 + 2 < NCHUNK)
        def _prefetch0():
            off = (k0 + 2) * ECH
            pltpu.async_copy(src_hbm.at[pl.ds(off, ECH)], sv0, sem_s0)
            pltpu.async_copy(dst_hbm.at[pl.ds(off, ECH)], dv0, sem_d0)

        pltpu.make_async_copy(src_hbm.at[pl.ds(0, ECH)], sv1, sem_s1).wait()
        pltpu.make_async_copy(dst_hbm.at[pl.ds(0, ECH)], dv1, sem_d1).wait()
        process_chunk(sv1, dv1)

        @pl.when(k0 + 3 < NCHUNK)
        def _prefetch1():
            off = (k0 + 3) * ECH
            pltpu.async_copy(src_hbm.at[pl.ds(off, ECH)], sv1, sem_s1)
            pltpu.async_copy(dst_hbm.at[pl.ds(off, ECH)], dv1, sem_d1)

        return 0

    lax.fori_loop(0, NCHUNK // 2, outer, 0)

    for c in range(CPT):
        pltpu.sync_copy(accs[c], out_hbm.at[pl.ds((c0 + c) * N, N)])


_segmin = functools.partial(
    pl.kernel,
    out_type=jax.ShapeDtypeStruct((C * N,), jnp.float32),
    mesh=plsc.VectorSubcoreMesh(core_axis_name="c", subcore_axis_name="s",
                                num_cores=NC, num_subcores=NS),
    compiler_params=pltpu.CompilerParams(needs_layout_passes=False),
    scratch_types=(
        [pltpu.VMEM((N,), jnp.float32) for _ in range(CPT)]
        + [pltpu.VMEM((N,), jnp.float32) for _ in range(CPT)]
        + [pltpu.VMEM((ECH,), jnp.int32) for _ in range(4)]
        + [pltpu.SemaphoreType.DMA for _ in range(4)]
    ),
)(_segmin_body)


def _stage_c_body(ht_ref, sm_ref, x_ref, wa_ref, wb_ref, bmr_ref,
                  w2_ref, b2_ref, g2_ref, bb2_ref, o_ref):
    ht = ht_ref[...]
    sm = sm_ref[...]
    md = jnp.where(sm >= 1.5e38, 0.0, ht - sm)
    z = (jnp.dot(wa_ref[...], ht, preferred_element_type=jnp.float32)
         + jnp.dot(wb_ref[...], md, preferred_element_type=jnp.float32)
         + bmr_ref[...])
    z = jnp.maximum(z, 0.0)
    y = jnp.dot(w2_ref[...], z, preferred_element_type=jnp.float32)
    y = y + b2_ref[...]
    m = jnp.mean(y, axis=1, keepdims=True)
    v = jnp.mean((y - m) ** 2, axis=1, keepdims=True)
    y = g2_ref[...] * (y - m) * lax.rsqrt(v + 1e-5) + bb2_ref[...]
    o_ref[...] = jnp.maximum(y + x_ref[...], 0.0)


def _stage_c(ht, smin, x2d, wa, wb, bmr, w2, b2, g2, bb2):
    return pl.pallas_call(
        _stage_c_body,
        out_shape=jax.ShapeDtypeStruct((C, N), jnp.float32),
    )(ht, smin, x2d, wa, wb, bmr, w2, b2, g2, bb2)


def kernel(x, edge_index, W_fc1, b_fc1, bn1_g, bn1_b, W_mr, b_mr,
           W_fc2, b_fc2, bn2_g, bn2_b):
    x2d = x[0]
    src = edge_index[0]
    dst = edge_index[1]

    ht = _stage_a(x2d, W_fc1, b_fc1[:, None], bn1_g[:, None], bn1_b[:, None])
    smin = _segmin(ht.reshape(-1), src, dst).reshape(C, N)
    out = _stage_c(ht, smin, x2d,
                   W_mr[:, :C], W_mr[:, C:], b_mr[:, None],
                   W_fc2, b_fc2[:, None], bn2_g[:, None], bn2_b[:, None])
    return out[None]

# --- scband reference (transcript-rebuilt; emitter-appended) ---
"""Pipeline reference for scband-grapher-dgl-83777632076275 (READ-ONLY COPY).

The authoritative reference and input builder live on the scoring server;
editing this copy changes nothing except your own understanding.
"""

import jax, jax.numpy as jnp
import numpy as np

N_NODES = 10000
N_EDGES = 320000
C = 128


def setup_inputs(seed: int = 0) -> dict:
    key = jax.random.key(seed)
    ks = jax.random.split(key, 8)
    s = 0.05
    x = jax.random.normal(ks[0], (1, C, N_NODES), dtype=jnp.float32)
    edge_index = jax.random.randint(ks[1], (2, N_EDGES), 0, N_NODES, dtype=jnp.int32)
    # fc1: Conv1d(C, C, k=1) + BatchNorm1d(C)
    W_fc1 = jax.random.normal(ks[2], (C, C), dtype=jnp.float32) * s
    b_fc1 = jnp.zeros((C,), dtype=jnp.float32)
    bn1_g = jnp.ones((C,), dtype=jnp.float32)
    bn1_b = jnp.zeros((C,), dtype=jnp.float32)
    # MRConv(C, 2C): Linear(2C, 2C)
    W_mr = jax.random.normal(ks[3], (2 * C, 2 * C), dtype=jnp.float32) * s
    b_mr = jnp.zeros((2 * C,), dtype=jnp.float32)
    # fc2: Conv1d(2C, C, k=1) + BatchNorm1d(C)
    W_fc2 = jax.random.normal(ks[4], (C, 2 * C), dtype=jnp.float32) * s
    b_fc2 = jnp.zeros((C,), dtype=jnp.float32)
    bn2_g = jnp.ones((C,), dtype=jnp.float32)
    bn2_b = jnp.zeros((C,), dtype=jnp.float32)
    return {
        "x": x, "edge_index": edge_index,
        "W_fc1": W_fc1, "b_fc1": b_fc1, "bn1_g": bn1_g, "bn1_b": bn1_b,
        "W_mr": W_mr, "b_mr": b_mr,
        "W_fc2": W_fc2, "b_fc2": b_fc2, "bn2_g": bn2_g, "bn2_b": bn2_b,
    }


def _bn(x, g, b):
    # training-mode BatchNorm1d over (B, C, N): stats over dims (0, 2), biased var
    m = jnp.mean(x, axis=(0, 2), keepdims=True)
    v = jnp.var(x, axis=(0, 2), keepdims=True)
    return g[None, :, None] * (x - m) / jnp.sqrt(v + 1e-5) + b[None, :, None]


def _conv1x1(W, b, x):
    # Conv1d kernel_size=1 == per-position linear
    return jnp.einsum('oc,bcn->bon', W, x) + b[None, :, None]


def reference(x, edge_index, W_fc1, b_fc1, bn1_g, bn1_b, W_mr, b_mr, W_fc2, b_fc2, bn2_g, bn2_b):
    B, Cc, N = x.shape
    tmp = x
    h = jax.nn.relu(_bn(_conv1x1(W_fc1, b_fc1, x), bn1_g, bn1_b))
    xn = jnp.transpose(h, (0, 2, 1)).reshape(-1, Cc)  # [B*N, C]
    src = edge_index[0]
    dst = edge_index[1]
    # MRConv: max over incoming edges of (h[dst] - h[src])
    diff = xn[dst] - xn[src]
    max_diff = jax.ops.segment_max(diff, dst, num_segments=xn.shape[0])
    max_diff = jnp.where(jnp.isneginf(max_diff), 0.0, max_diff)  # nodes w/o in-edges -> 0
    cat = jnp.concatenate([xn, max_diff], axis=1)  # [B*N, 2C]
    conv_out = jax.nn.relu(cat @ W_mr.T + b_mr)  # [B*N, 2C]
    y = jnp.transpose(conv_out.reshape(B, N, -1), (0, 2, 1))  # [B, 2C, N]
    y = _bn(_conv1x1(W_fc2, b_fc2, y), bn2_g, bn2_b)  # [B, C, N]
    y = y + tmp  # residual (drop_path is Identity, relative_pos None)
    y = jax.nn.relu(y)  # norm=None -> skip, then act
    return y

if __name__ == "__main__":
    import jax
    _d = setup_inputs()
    print(jax.jit(kernel)(*tuple(_d.values())))

</pallas_src>

<mosaic_0001>
#map = affine_map<(d0, d1) -> (0)>
module attributes {stable_mosaic.version = 14 : i64} {
  func.func @_segmin_body(%arg0: i32, %arg1: i32, %arg2: memref<1280000xf32, #tpu.memory_space<hbm>>, %arg3: memref<320000xi32, #tpu.memory_space<hbm>>, %arg4: memref<320000xi32, #tpu.memory_space<hbm>>, %arg5: memref<1280000xf32, #tpu.memory_space<hbm>>, %arg6: memref<10000xf32, #tpu.memory_space<vmem>>, %arg7: memref<10000xf32, #tpu.memory_space<vmem>>, %arg8: memref<10000xf32, #tpu.memory_space<vmem>>, %arg9: memref<10000xf32, #tpu.memory_space<vmem>>, %arg10: memref<10000xf32, #tpu.memory_space<vmem>>, %arg11: memref<10000xf32, #tpu.memory_space<vmem>>, %arg12: memref<10000xf32, #tpu.memory_space<vmem>>, %arg13: memref<10000xf32, #tpu.memory_space<vmem>>, %arg14: memref<2000xi32, #tpu.memory_space<vmem>>, %arg15: memref<2000xi32, #tpu.memory_space<vmem>>, %arg16: memref<2000xi32, #tpu.memory_space<vmem>>, %arg17: memref<2000xi32, #tpu.memory_space<vmem>>, %arg18: memref<!tpu.dma_semaphore, #tpu.memory_space<semaphore_mem>>, %arg19: memref<!tpu.dma_semaphore, #tpu.memory_space<semaphore_mem>>, %arg20: memref<!tpu.dma_semaphore, #tpu.memory_space<semaphore_mem>>, %arg21: memref<!tpu.dma_semaphore, #tpu.memory_space<semaphore_mem>>) attributes {dimension_semantics = [#tpu.dimension_semantics<core_parallel>, #tpu.dimension_semantics<subcore_parallel>], iteration_bounds = array<i64: 2, 16>, scalar_prefetch = 0 : i64, scratch_operands = 16 : i64, tpu.core_type = #tpu.core_type<sc_vector_subcore>, window_params = [{transform_indices = #map}, {transform_indices = #map}, {transform_indices = #map}, {transform_indices = #map}]} {
    %mul3A = arith.constant 2 : i32
    %mul3A_0 = arith.muli %arg1, %mul3A : i32
    %add3A = arith.addi %mul3A_0, %arg0 : i32
    %mul3A_1 = arith.constant 4 : i32
    %mul3A_2 = arith.muli %add3A, %mul3A_1 : i32
    %dma_start3A = arith.constant 0 : i32
    %dma_start3A_3 = tpu.memref_slice %arg3[%dma_start3A] : memref<320000xi32, #tpu.memory_space<hbm>> -> memref<2000xi32, #tpu.memory_space<hbm>>
    %dma_start3A_4 = arith.constant 0 : i32
    %dma_start3A_5 = tpu.memref_slice %arg3[%dma_start3A_4] : memref<320000xi32, #tpu.memory_space<hbm>> -> memref<2000xi32, #tpu.memory_space<hbm>>
    tpu.enqueue_dma source(%dma_start3A_5 : memref<2000xi32, #tpu.memory_space<hbm>>) target(%arg14 : memref<2000xi32, #tpu.memory_space<vmem>>) target_semaphore(%arg18 : memref<!tpu.dma_semaphore, #tpu.memory_space<semaphore_mem>>)
    %dma_start3A_6 = arith.constant 0 : i32
    %dma_start3A_7 = tpu.memref_slice %arg4[%dma_start3A_6] : memref<320000xi32, #tpu.memory_space<hbm>> -> memref<2000xi32, #tpu.memory_space<hbm>>
    %dma_start3A_8 = arith.constant 0 : i32
    %dma_start3A_9 = tpu.memref_slice %arg4[%dma_start3A_8] : memref<320000xi32, #tpu.memory_space<hbm>> -> memref<2000xi32, #tpu.memory_space<hbm>>
    tpu.enqueue_dma source(%dma_start3A_9 : memref<2000xi32, #tpu.memory_space<hbm>>) target(%arg15 : memref<2000xi32, #tpu.memory_space<vmem>>) target_semaphore(%arg19 : memref<!tpu.dma_semaphore, #tpu.memory_space<semaphore_mem>>)
    %dma_start3A_10 = arith.constant 2000 : i32
    %dma_start3A_11 = tpu.memref_slice %arg3[%dma_start3A_10] : memref<320000xi32, #tpu.memory_space<hbm>> -> memref<2000xi32, #tpu.memory_space<hbm>>
    %dma_start3A_12 = arith.constant 2000 : i32
    %dma_start3A_13 = tpu.memref_slice %arg3[%dma_start3A_12] : memref<320000xi32, #tpu.memory_space<hbm>> -> memref<2000xi32, #tpu.memory_space<hbm>>
    tpu.enqueue_dma source(%dma_start3A_13 : memref<2000xi32, #tpu.memory_space<hbm>>) target(%arg16 : memref<2000xi32, #tpu.memory_space<vmem>>) target_semaphore(%arg20 : memref<!tpu.dma_semaphore, #tpu.memory_space<semaphore_mem>>)
    %dma_start3A_14 = arith.constant 2000 : i32
    %dma_start3A_15 = tpu.memref_slice %arg4[%dma_start3A_14] : memref<320000xi32, #tpu.memory_space<hbm>> -> memref<2000xi32, #tpu.memory_space<hbm>>
    %dma_start3A_16 = arith.constant 2000 : i32
    %dma_start3A_17 = tpu.memref_slice %arg4[%dma_start3A_16] : memref<320000xi32, #tpu.memory_space<hbm>> -> memref<2000xi32, #tpu.memory_space<hbm>>
    tpu.enqueue_dma source(%dma_start3A_17 : memref<2000xi32, #tpu.memory_space<hbm>>) target(%arg17 : memref<2000xi32, #tpu.memory_space<vmem>>) target_semaphore(%arg21 : memref<!tpu.dma_semaphore, #tpu.memory_space<semaphore_mem>>)
    %add3A_18 = arith.constant 0 : i32
    %add3A_19 = arith.addi %mul3A_2, %add3A_18 : i32
    %mul3A_20 = arith.constant 10000 : i32
    %mul3A_21 = arith.muli %add3A_19, %mul3A_20 : i32
    "tpu.region"() ({
      %run_scoped3A = tpu.sem_alloc : memref<!tpu.dma_semaphore, #tpu.memory_space<semaphore_mem>>
      %dma_start3A_64 = tpu.memref_slice %arg2[%mul3A_21] : memref<1280000xf32, #tpu.memory_space<hbm>> -> memref<10000xf32, #tpu.memory_space<hbm>>
      %dma_start3A_65 = tpu.memref_slice %arg2[%mul3A_21] : memref<1280000xf32, #tpu.memory_space<hbm>> -> memref<10000xf32, #tpu.memory_space<hbm>>
      tpu.enqueue_dma source(%dma_start3A_65 : memref<10000xf32, #tpu.memory_space<hbm>>) target(%arg6 : memref<10000xf32, #tpu.memory_space<vmem>>) target_semaphore(%run_scoped3A : memref<!tpu.dma_semaphore, #tpu.memory_space<semaphore_mem>>)
      %dma_wait3A = tpu.memref_slice %arg2[%mul3A_21] : memref<1280000xf32, #tpu.memory_space<hbm>> -> memref<10000xf32, #tpu.memory_space<hbm>>
      %dma_wait3A_66 = tpu.memref_slice %arg2[%mul3A_21] : memref<1280000xf32, #tpu.memory_space<hbm>> -> memref<10000xf32, #tpu.memory_space<hbm>>
      tpu.wait_dma2 semaphore(%run_scoped3A : memref<!tpu.dma_semaphore, #tpu.memory_space<semaphore_mem>>) src(%dma_wait3A_66 : memref<10000xf32, #tpu.memory_space<hbm>>) dst(%arg6 : memref<10000xf32, #tpu.memory_space<vmem>>)
      tpu.yield
    }) : () -> ()
    %add3A_22 = arith.constant 1 : i32
    %add3A_23 = arith.addi %mul3A_2, %add3A_22 : i32
    %mul3A_24 = arith.constant 10000 : i32
    %mul3A_25 = arith.muli %add3A_23, %mul3A_24 : i32
    "tpu.region"() ({
      %run_scoped3A = tpu.sem_alloc : memref<!tpu.dma_semaphore, #tpu.memory_space<semaphore_mem>>
      %dma_start3A_64 = tpu.memref_slice %arg2[%mul3A_25] : memref<1280000xf32, #tpu.memory_space<hbm>> -> memref<10000xf32, #tpu.memory_space<hbm>>
      %dma_start3A_65 = tpu.memref_slice %arg2[%mul3A_25] : memref<1280000xf32, #tpu.memory_space<hbm>> -> memref<10000xf32, #tpu.memory_space<hbm>>
      tpu.enqueue_dma source(%dma_start3A_65 : memref<10000xf32, #tpu.memory_space<hbm>>) target(%arg7 : memref<10000xf32, #tpu.memory_space<vmem>>) target_semaphore(%run_scoped3A : memref<!tpu.dma_semaphore, #tpu.memory_space<semaphore_mem>>)
      %dma_wait3A = tpu.memref_slice %arg2[%mul3A_25] : memref<1280000xf32, #tpu.memory_space<hbm>> -> memref<10000xf32, #tpu.memory_space<hbm>>
      %dma_wait3A_66 = tpu.memref_slice %arg2[%mul3A_25] : memref<1280000xf32, #tpu.memory_space<hbm>> -> memref<10000xf32, #tpu.memory_space<hbm>>
      tpu.wait_dma2 semaphore(%run_scoped3A : memref<!tpu.dma_semaphore, #tpu.memory_space<semaphore_mem>>) src(%dma_wait3A_66 : memref<10000xf32, #tpu.memory_space<hbm>>) dst(%arg7 : memref<10000xf32, #tpu.memory_space<vmem>>)
      tpu.yield
    }) : () -> ()
    %add3A_26 = arith.constant 2 : i32
    %add3A_27 = arith.addi %mul3A_2, %add3A_26 : i32
    %mul3A_28 = arith.constant 10000 : i32
    %mul3A_29 = arith.muli %add3A_27, %mul3A_28 : i32
    "tpu.region"() ({
      %run_scoped3A = tpu.sem_alloc : memref<!tpu.dma_semaphore, #tpu.memory_space<semaphore_mem>>
      %dma_start3A_64 = tpu.memref_slice %arg2[%mul3A_29] : memref<1280000xf32, #tpu.memory_space<hbm>> -> memref<10000xf32, #tpu.memory_space<hbm>>
      %dma_start3A_65 = tpu.memref_slice %arg2[%mul3A_29] : memref<1280000xf32, #tpu.memory_space<hbm>> -> memref<10000xf32, #tpu.memory_space<hbm>>
      tpu.enqueue_dma source(%dma_start3A_65 : memref<10000xf32, #tpu.memory_space<hbm>>) target(%arg8 : memref<10000xf32, #tpu.memory_space<vmem>>) target_semaphore(%run_scoped3A : memref<!tpu.dma_semaphore, #tpu.memory_space<semaphore_mem>>)
      %dma_wait3A = tpu.memref_slice %arg2[%mul3A_29] : memref<1280000xf32, #tpu.memory_space<hbm>> -> memref<10000xf32, #tpu.memory_space<hbm>>
      %dma_wait3A_66 = tpu.memref_slice %arg2[%mul3A_29] : memref<1280000xf32, #tpu.memory_space<hbm>> -> memref<10000xf32, #tpu.memory_space<hbm>>
      tpu.wait_dma2 semaphore(%run_scoped3A : memref<!tpu.dma_semaphore, #tpu.memory_space<semaphore_mem>>) src(%dma_wait3A_66 : memref<10000xf32, #tpu.memory_space<hbm>>) dst(%arg8 : memref<10000xf32, #tpu.memory_space<vmem>>)
      tpu.yield
    }) : () -> ()
    %add3A_30 = arith.constant 3 : i32
    %add3A_31 = arith.addi %mul3A_2, %add3A_30 : i32
    %mul3A_32 = arith.constant 10000 : i32
    %mul3A_33 = arith.muli %add3A_31, %mul3A_32 : i32
    "tpu.region"() ({
      %run_scoped3A = tpu.sem_alloc : memref<!tpu.dma_semaphore, #tpu.memory_space<semaphore_mem>>
      %dma_start3A_64 = tpu.memref_slice %arg2[%mul3A_33] : memref<1280000xf32, #tpu.memory_space<hbm>> -> memref<10000xf32, #tpu.memory_space<hbm>>
      %dma_start3A_65 = tpu.memref_slice %arg2[%mul3A_33] : memref<1280000xf32, #tpu.memory_space<hbm>> -> memref<10000xf32, #tpu.memory_space<hbm>>
      tpu.enqueue_dma source(%dma_start3A_65 : memref<10000xf32, #tpu.memory_space<hbm>>) target(%arg9 : memref<10000xf32, #tpu.memory_space<vmem>>) target_semaphore(%run_scoped3A : memref<!tpu.dma_semaphore, #tpu.memory_space<semaphore_mem>>)
      %dma_wait3A = tpu.memref_slice %arg2[%mul3A_33] : memref<1280000xf32, #tpu.memory_space<hbm>> -> memref<10000xf32, #tpu.memory_space<hbm>>
      %dma_wait3A_66 = tpu.memref_slice %arg2[%mul3A_33] : memref<1280000xf32, #tpu.memory_space<hbm>> -> memref<10000xf32, #tpu.memory_space<hbm>>
      tpu.wait_dma2 semaphore(%run_scoped3A : memref<!tpu.dma_semaphore, #tpu.memory_space<semaphore_mem>>) src(%dma_wait3A_66 : memref<10000xf32, #tpu.memory_space<hbm>>) dst(%arg9 : memref<10000xf32, #tpu.memory_space<vmem>>)
      tpu.yield
    }) : () -> ()
    %broadcast_in_dim3A = arith.constant 3.000000e+38 : f32
    %broadcast_in_dim3A_34 = vector.broadcast %broadcast_in_dim3A : f32 to vector<16xf32>
    %scan3A = arith.constant 0 : i32
    %scan3A_35 = arith.constant 0 : i32
    %scan3A_36 = arith.constant 625 : i32
    %scan3A_37 = arith.addi %scan3A_35, %scan3A_36 : i32
    %scan3A_38 = arith.constant 1 : i32
    %scan3A_39 = scf.for %scan3A_64 = %scan3A_35 to %scan3A_37 step %scan3A_38 iter_args(%scan3A_65 = %scan3A) -> (i32)  : i32 {
      %mul3A_66 = arith.constant 16 : i32
      %mul3A_67 = arith.muli %scan3A_64, %mul3A_66 : i32
      %swap3A = arith.index_cast %mul3A_67 : i32 to index
      %swap3A_68 = tpu.vector_load %arg10[%swap3A] {strides = array<i32>} : memref<10000xf32, #tpu.memory_space<vmem>>, vector<16xf32>,
      tpu.vector_store %arg10[%swap3A], %broadcast_in_dim3A_34 {strides = array<i32>} : memref<10000xf32, #tpu.memory_space<vmem>>, vector<16xf32>,
      %mul3A_69 = arith.constant 16 : i32
      %mul3A_70 = arith.muli %scan3A_64, %mul3A_69 : i32
      %swap3A_71 = arith.index_cast %mul3A_70 : i32 to index
      %swap3A_72 = tpu.vector_load %arg11[%swap3A_71] {strides = array<i32>} : memref<10000xf32, #tpu.memory_space<vmem>>, vector<16xf32>,
      tpu.vector_store %arg11[%swap3A_71], %broadcast_in_dim3A_34 {strides = array<i32>} : memref<10000xf32, #tpu.memory_space<vmem>>, vector<16xf32>,
      %mul3A_73 = arith.constant 16 : i32
      %mul3A_74 = arith.muli %scan3A_64, %mul3A_73 : i32
      %swap3A_75 = arith.index_cast %mul3A_74 : i32 to index
      %swap3A_76 = tpu.vector_load %arg12[%swap3A_75] {strides = array<i32>} : memref<10000xf32, #tpu.memory_space<vmem>>, vector<16xf32>,
      tpu.vector_store %arg12[%swap3A_75], %broadcast_in_dim3A_34 {strides = array<i32>} : memref<10000xf32, #tpu.memory_space<vmem>>, vector<16xf32>,
      %mul3A_77 = arith.constant 16 : i32
      %mul3A_78 = arith.muli %scan3A_64, %mul3A_77 : i32
      %swap3A_79 = arith.index_cast %mul3A_78 : i32 to index
      %swap3A_80 = tpu.vector_load %arg13[%swap3A_79] {strides = array<i32>} : memref<10000xf32, #tpu.memory_space<vmem>>, vector<16xf32>,
      tpu.vector_store %arg13[%swap3A_79], %broadcast_in_dim3A_34 {strides = array<i32>} : memref<10000xf32, #tpu.memory_space<vmem>>, vector<16xf32>,
      %scan3A_81 = arith.constant 0 : i32
      scf.yield %scan3A_81 : i32
    }
    %scan3A_40 = arith.constant 625 : i32
    %iota3A = tpu.iota {dimensions = array<i32: 0>} : vector<16xi32>
    %scan3A_41 = arith.constant 0 : i32
    %scan3A_42 = arith.constant 0 : i32
    %scan3A_43 = arith.constant 80 : i32
    %scan3A_44 = arith.addi %scan3A_42, %scan3A_43 : i32
    %scan3A_45 = arith.constant 1 : i32
    %scan3A_46 = scf.for %scan3A_64 = %scan3A_42 to %scan3A_44 step %scan3A_45 iter_args(%scan3A_65 = %scan3A_41) -> (i32)  : i32 {
      %mul3A_66 = arith.constant 2 : i32
      %mul3A_67 = arith.muli %mul3A_66, %scan3A_64 : i32
      %dma_wait3A = arith.constant 0 : i32
      %dma_wait3A_68 = tpu.memref_slice %arg3[%dma_wait3A] : memref<320000xi32, #tpu.memory_space<hbm>> -> memref<2000xi32, #tpu.memory_space<hbm>>
      %dma_wait3A_69 = arith.constant 0 : i32
      %dma_wait3A_70 = tpu.memref_slice %arg3[%dma_wait3A_69] : memref<320000xi32, #tpu.memory_space<hbm>> -> memref<2000xi32, #tpu.memory_space<hbm>>
      tpu.wait_dma2 semaphore(%arg18 : memref<!tpu.dma_semaphore, #tpu.memory_space<semaphore_mem>>) src(%dma_wait3A_70 : memref<2000xi32, #tpu.memory_space<hbm>>) dst(%arg14 : memref<2000xi32, #tpu.memory_space<vmem>>)
      %dma_wait3A_71 = arith.constant 0 : i32
      %dma_wait3A_72 = tpu.memref_slice %arg4[%dma_wait3A_71] : memref<320000xi32, #tpu.memory_space<hbm>> -> memref<2000xi32, #tpu.memory_space<hbm>>
      %dma_wait3A_73 = arith.constant 0 : i32
      %dma_wait3A_74 = tpu.memref_slice %arg4[%dma_wait3A_73] : memref<320000xi32, #tpu.memory_space<hbm>> -> memref<2000xi32, #tpu.memory_space<hbm>>
      tpu.wait_dma2 semaphore(%arg19 : memref<!tpu.dma_semaphore, #tpu.memory_space<semaphore_mem>>) src(%dma_wait3A_74 : memref<2000xi32, #tpu.memory_space<hbm>>) dst(%arg15 : memref<2000xi32, #tpu.memory_space<vmem>>)
      %scan3A_75 = arith.constant 0 : i32
      %scan3A_76 = arith.constant 0 : i32
      %scan3A_77 = arith.constant 25 : i32
      %scan3A_78 = arith.addi %scan3A_76, %scan3A_77 : i32
      %scan3A_79 = arith.constant 1 : i32
      %scan3A_80 = scf.for %scan3A_109 = %scan3A_76 to %scan3A_78 step %scan3A_79 iter_args(%scan3A_110 = %scan3A_75) -> (i32)  : i32 {
        %mul3A_111 = arith.constant 5 : i32
        %mul3A_112 = arith.muli %scan3A_109, %mul3A_111 : i32
        %add3A_113 = arith.constant 0 : i32
        %add3A_114 = arith.addi %mul3A_112, %add3A_113 : i32
        %mul3A_115 = arith.constant 16 : i32
        %mul3A_116 = arith.muli %add3A_114, %mul3A_115 : i32
        %get3A = arith.index_cast %mul3A_116 : i32 to index
        %get3A_117 = tpu.vector_load %arg14[%get3A] {strides = array<i32>} : memref<2000xi32, #tpu.memory_space<vmem>>, vector<16xi32>,
        %mul3A_118 = arith.constant 16 : i32
        %mul3A_119 = arith.muli %add3A_114, %mul3A_118 : i32
        %get3A_120 = arith.index_cast %mul3A_119 : i32 to index
        %get3A_121 = tpu.vector_load %arg15[%get3A_120] {strides = array<i32>} : memref<2000xi32, #tpu.memory_space<vmem>>, vector<16xi32>,
        %sort3A = arith.constant dense<true> : vector<16xi1>
        %sort3A_122, %sort3A_123, %sort3A_124 = tpu.sort %get3A_121, %get3A_121 masked %sort3A : (vector<16xi32>, vector<16xi32>, vector<16xi1>) -> (vector<16xi1>, vector<16xi32>, vector<16xi32>)
        %sub3A = arith.constant 1 : i32
        %sub3A_125 = vector.broadcast %sub3A : i32 to vector<16xi32>
        %sub3A_126 = arith.subi %iota3A, %sub3A_125 : vector<16xi32>
        %max3A = arith.constant 0 : i32
        %max3A_127 = vector.broadcast %max3A : i32 to vector<16xi32>
        %max3A_128 = arith.maxsi %sub3A_126, %max3A_127 : vector<16xi32>
        %broadcast_in_dim3A_129 = vector.shape_cast %max3A_128 : vector<16xi32> to vector<16x1xi32>
        %gather3A = vector.shape_cast %broadcast_in_dim3A_129 : vector<16x1xi32> to vector<16xi32>
        %gather3A_130 = tpu.dynamic_gather %sort3A_123[%gather3A] in [0] : vector<16xi32>, vector<16xi32> -> vector<16xi32>
        %eq3A = arith.cmpi eq, %sort3A_123, %gather3A_130 : vector<16xi32>
        %gt3A = arith.constant 0 : i32
        %gt3A_131 = vector.broadcast %gt3A : i32 to vector<16xi32>
        %gt3A_132 = arith.cmpi sgt, %iota3A, %gt3A_131 : vector<16xi32>
        %and3A = arith.andi %eq3A, %gt3A_132 : vector<16xi1>
        %reduce_or3A = arith.constant 1.000000e+00 : f32
        %reduce_or3A_133 = arith.constant 0.000000e+00 : f32
        %reduce_or3A_134 = vector.broadcast %reduce_or3A : f32 to vector<16xf32>
        %reduce_or3A_135 = vector.broadcast %reduce_or3A_133 : f32 to vector<16xf32>
        %reduce_or3A_136 = arith.select %and3A, %reduce_or3A_134, %reduce_or3A_135 : vector<16xi1>, vector<16xf32>
        %reduce_or3A_137 = arith.constant true
        %reduce_or3A_138 = vector.broadcast %reduce_or3A_137 : i1 to vector<16xi1>
        %reduce_or3A_139 = tpu.scan <max>, %reduce_or3A_136 masked %reduce_or3A_138 : vector<16xf32>, vector<16xi1> -> vector<16xf32>
        %reduce_or3A_140 = vector.extract %reduce_or3A_139[15] : f32 from vector<16xf32>
        %reduce_or3A_141 = arith.constant 0.000000e+00 : f32
        %reduce_or3A_142 = arith.cmpf ogt, %reduce_or3A_140, %reduce_or3A_141 : f32
        %gather3A_143 = tpu.vector_load_idx %arg6[%get3A_117] : memref<10000xf32, #tpu.memory_space<vmem>>[vector<16xi32>], vector<16xf32>,
        %gather3A_144 = tpu.vector_load_idx %arg10[%get3A_121] : memref<10000xf32, #tpu.memory_space<vmem>>[vector<16xi32>], vector<16xf32>,
        %min3A = arith.minimumf %gather3A_143, %gather3A_144 : vector<16xf32>
        tpu.vector_store_idx %arg10[%get3A_121], %min3A : memref<10000xf32, #tpu.memory_space<vmem>>[vector<16xi32>], vector<16xf32>,
        %gather3A_145 = tpu.vector_load_idx %arg7[%get3A_117] : memref<10000xf32, #tpu.memory_space<vmem>>[vector<16xi32>], vector<16xf32>,
        %gather3A_146 = tpu.vector_load_idx %arg11[%get3A_121] : memref<10000xf32, #tpu.memory_space<vmem>>[vector<16xi32>], vector<16xf32>,
        %min3A_147 = arith.minimumf %gather3A_145, %gather3A_146 : vector<16xf32>
        tpu.vector_store_idx %arg11[%get3A_121], %min3A_147 : memref<10000xf32, #tpu.memory_space<vmem>>[vector<16xi32>], vector<16xf32>,
        %gather3A_148 = tpu.vector_load_idx %arg8[%get3A_117] : memref<10000xf32, #tpu.memory_space<vmem>>[vector<16xi32>], vector<16xf32>,
        %gather3A_149 = tpu.vector_load_idx %arg12[%get3A_121] : memref<10000xf32, #tpu.memory_space<vmem>>[vector<16xi32>], vector<16xf32>,
        %min3A_150 = arith.minimumf %gather3A_148, %gather3A_149 : vector<16xf32>
        tpu.vector_store_idx %arg12[%get3A_121], %min3A_150 : memref<10000xf32, #tpu.memory_space<vmem>>[vector<16xi32>], vector<16xf32>,
        %gather3A_151 = tpu.vector_load_idx %arg9[%get3A_117] : memref<10000xf32, #tpu.memory_space<vmem>>[vector<16xi32>], vector<16xf32>,
        %gather3A_152 = tpu.vector_load_idx %arg13[%get3A_121] : memref<10000xf32, #tpu.memory_space<vmem>>[vector<16xi32>], vector<16xf32>,
        %min3A_153 = arith.minimumf %gather3A_151, %gather3A_152 : vector<16xf32>
        tpu.vector_store_idx %arg13[%get3A_121], %min3A_153 : memref<10000xf32, #tpu.memory_space<vmem>>[vector<16xi32>], vector<16xf32>,
        %add3A_154 = arith.constant 1 : i32
        %add3A_155 = arith.addi %mul3A_112, %add3A_154 : i32
        %mul3A_156 = arith.constant 16 : i32
        %mul3A_157 = arith.muli %add3A_155, %mul3A_156 : i32
        %get3A_158 = arith.index_cast %mul3A_157 : i32 to index
        %get3A_159 = tpu.vector_load %arg14[%get3A_158] {strides = array<i32>} : memref<2000xi32, #tpu.memory_space<vmem>>, vector<16xi32>,
        %mul3A_160 = arith.constant 16 : i32
        %mul3A_161 = arith.muli %add3A_155, %mul3A_160 : i32
        %get3A_162 = arith.index_cast %mul3A_161 : i32 to index
        %get3A_163 = tpu.vector_load %arg15[%get3A_162] {strides = array<i32>} : memref<2000xi32, #tpu.memory_space<vmem>>, vector<16xi32>,
        %sort3A_164 = arith.constant dense<true> : vector<16xi1>
        %sort3A_165, %sort3A_166, %sort3A_167 = tpu.sort %get3A_163, %get3A_163 masked %sort3A_164 : (vector<16xi32>, vector<16xi32>, vector<16xi1>) -> (vector<16xi1>, vector<16xi32>, vector<16xi32>)
        %sub3A_168 = arith.constant 1 : i32
        %sub3A_169 = vector.broadcast %sub3A_168 : i32 to vector<16xi32>
        %sub3A_170 = arith.subi %iota3A, %sub3A_169 : vector<16xi32>
        %max3A_171 = arith.constant 0 : i32
        %max3A_172 = vector.broadcast %max3A_171 : i32 to vector<16xi32>
        %max3A_173 = arith.maxsi %sub3A_170, %max3A_172 : vector<16xi32>
        %broadcast_in_dim3A_174 = vector.shape_cast %max3A_173 : vector<16xi32> to vector<16x1xi32>
        %gather3A_175 = vector.shape_cast %broadcast_in_dim3A_174 : vector<16x1xi32> to vector<16xi32>
        %gather3A_176 = tpu.dynamic_gather %sort3A_166[%gather3A_175] in [0] : vector<16xi32>, vector<16xi32> -> vector<16xi32>
        %eq3A_177 = arith.cmpi eq, %sort3A_166, %gather3A_176 : vector<16xi32>
        %gt3A_178 = arith.constant 0 : i32
        %gt3A_179 = vector.broadcast %gt3A_178 : i32 to vector<16xi32>
        %gt3A_180 = arith.cmpi sgt, %iota3A, %gt3A_179 : vector<16xi32>
        %and3A_181 = arith.andi %eq3A_177, %gt3A_180 : vector<16xi1>
        %reduce_or3A_182 = arith.constant 1.000000e+00 : f32
        %reduce_or3A_183 = arith.constant 0.000000e+00 : f32
        %reduce_or3A_184 = vector.broadcast %reduce_or3A_182 : f32 to vector<16xf32>
        %reduce_or3A_185 = vector.broadcast %reduce_or3A_183 : f32 to vector<16xf32>
        %reduce_or3A_186 = arith.select %and3A_181, %reduce_or3A_184, %reduce_or3A_185 : vector<16xi1>, vector<16xf32>
        %reduce_or3A_187 = arith.constant true
        %reduce_or3A_188 = vector.broadcast %reduce_or3A_187 : i1 to vector<16xi1>
        %reduce_or3A_189 = tpu.scan <max>, %reduce_or3A_186 masked %reduce_or3A_188 : vector<16xf32>, vector<16xi1> -> vector<16xf32>
        %reduce_or3A_190 = vector.extract %reduce_or3A_189[15] : f32 from vector<16xf32>
        %reduce_or3A_191 = arith.constant 0.000000e+00 : f32
        %reduce_or3A_192 = arith.cmpf ogt, %reduce_or3A_190, %reduce_or3A_191 : f32
        %gather3A_193 = tpu.vector_load_idx %arg6[%get3A_159] : memref<10000xf32, #tpu.memory_space<vmem>>[vector<16xi32>], vector<16xf32>,
        %gather3A_194 = tpu.vector_load_idx %arg10[%get3A_163] : memref<10000xf32, #tpu.memory_space<vmem>>[vector<16xi32>], vector<16xf32>,
        %min3A_195 = arith.minimumf %gather3A_193, %gather3A_194 : vector<16xf32>
        tpu.vector_store_idx %arg10[%get3A_163], %min3A_195 : memref<10000xf32, #tpu.memory_space<vmem>>[vector<16xi32>], vector<16xf32>,
        %gather3A_196 = tpu.vector_load_idx %arg7[%get3A_159] : memref<10000xf32, #tpu.memory_space<vmem>>[vector<16xi32>], vector<16xf32>,
        %gather3A_197 = tpu.vector_load_idx %arg11[%get3A_163] : memref<10000xf32, #tpu.memory_space<vmem>>[vector<16xi32>], vector<16xf32>,
        %min3A_198 = arith.minimumf %gather3A_196, %gather3A_197 : vector<16xf32>
        tpu.vector_store_idx %arg11[%get3A_163], %min3A_198 : memref<10000xf32, #tpu.memory_space<vmem>>[vector<16xi32>], vector<16xf32>,
        %gather3A_199 = tpu.vector_load_idx %arg8[%get3A_159] : memref<10000xf32, #tpu.memory_space<vmem>>[vector<16xi32>], vector<16xf32>,
        %gather3A_200 = tpu.vector_load_idx %arg12[%get3A_163] : memref<10000xf32, #tpu.memory_space<vmem>>[vector<16xi32>], vector<16xf32>,
        %min3A_201 = arith.minimumf %gather3A_199, %gather3A_200 : vector<16xf32>
        tpu.vector_store_idx %arg12[%get3A_163], %min3A_201 : memref<10000xf32, #tpu.memory_space<vmem>>[vector<16xi32>], vector<16xf32>,
        %gather3A_202 = tpu.vector_load_idx %arg9[%get3A_159] : memref<10000xf32, #tpu.memory_space<vmem>>[vector<16xi32>], vector<16xf32>,
        %gather3A_203 = tpu.vector_load_idx %arg13[%get3A_163] : memref<10000xf32, #tpu.memory_space<vmem>>[vector<16xi32>], vector<16xf32>,
        %min3A_204 = arith.minimumf %gather3A_202, %gather3A_203 : vector<16xf32>
        tpu.vector_store_idx %arg13[%get3A_163], %min3A_204 : memref<10000xf32, #tpu.memory_space<vmem>>[vector<16xi32>], vector<16xf32>,
        %add3A_205 = arith.constant 2 : i32
        %add3A_206 = arith.addi %mul3A_112, %add3A_205 : i32
        %mul3A_207 = arith.constant 16 : i32
        %mul3A_208 = arith.muli %add3A_206, %mul3A_207 : i32
        %get3A_209 = arith.index_cast %mul3A_208 : i32 to index
        %get3A_210 = tpu.vector_load %arg14[%get3A_209] {strides = array<i32>} : memref<2000xi32, #tpu.memory_space<vmem>>, vector<16xi32>,
        %mul3A_211 = arith.constant 16 : i32
        %mul3A_212 = arith.muli %add3A_206, %mul3A_211 : i32
        %get3A_213 = arith.index_cast %mul3A_212 : i32 to index
        %get3A_214 = tpu.vector_load %arg15[%get3A_213] {strides = array<i32>} : memref<2000xi32, #tpu.memory_space<vmem>>, vector<16xi32>,
        %sort3A_215 = arith.constant dense<true> : vector<16xi1>
        %sort3A_216, %sort3A_217, %sort3A_218 = tpu.sort %get3A_214, %get3A_214 masked %sort3A_215 : (vector<16xi32>, vector<16xi32>, vector<16xi1>) -> (vector<16xi1>, vector<16xi32>, vector<16xi32>)
        %sub3A_219 = arith.constant 1 : i32
        %sub3A_220 = vector.broadcast %sub3A_219 : i32 to vector<16xi32>
        %sub3A_221 = arith.subi %iota3A, %sub3A_220 : vector<16xi32>
        %max3A_222 = arith.constant 0 : i32
        %max3A_223 = vector.broadcast %max3A_222 : i32 to vector<16xi32>
        %max3A_224 = arith.maxsi %sub3A_221, %max3A_223 : vector<16xi32>
        %broadcast_in_dim3A_225 = vector.shape_cast %max3A_224 : vector<16xi32> to vector<16x1xi32>
        %gather3A_226 = vector.shape_cast %broadcast_in_dim3A_225 : vector<16x1xi32> to vector<16xi32>
        %gather3A_227 = tpu.dynamic_gather %sort3A_217[%gather3A_226] in [0] : vector<16xi32>, vector<16xi32> -> vector<16xi32>
        %eq3A_228 = arith.cmpi eq, %sort3A_217, %gather3A_227 : vector<16xi32>
        %gt3A_229 = arith.constant 0 : i32
        %gt3A_230 = vector.broadcast %gt3A_229 : i32 to vector<16xi32>
        %gt3A_231 = arith.cmpi sgt, %iota3A, %gt3A_230 : vector<16xi32>
        %and3A_232 = arith.andi %eq3A_228, %gt3A_231 : vector<16xi1>
        %reduce_or3A_233 = arith.constant 1.000000e+00 : f32
        %reduce_or3A_234 = arith.constant 0.000000e+00 : f32
        %reduce_or3A_235 = vector.broadcast %reduce_or3A_233 : f32 to vector<16xf32>
        %reduce_or3A_236 = vector.broadcast %reduce_or3A_234 : f32 to vector<16xf32>
        %reduce_or3A_237 = arith.select %and3A_232, %reduce_or3A_235, %reduce_or3A_236 : vector<16xi1>, vector<16xf32>
        %reduce_or3A_238 = arith.constant true
        %reduce_or3A_239 = vector.broadcast %reduce_or3A_238 : i1 to vector<16xi1>
        %reduce_or3A_240 = tpu.scan <max>, %reduce_or3A_237 masked %reduce_or3A_239 : vector<16xf32>, vector<16xi1> -> vector<16xf32>
        %reduce_or3A_241 = vector.extract %reduce_or3A_240[15] : f32 from vector<16xf32>
        %reduce_or3A_242 = arith.constant 0.000000e+00 : f32
        %reduce_or3A_243 = arith.cmpf ogt, %reduce_or3A_241, %reduce_or3A_242 : f32
        %gather3A_244 = tpu.vector_load_idx %arg6[%get3A_210] : memref<10000xf32, #tpu.memory_space<vmem>>[vector<16xi32>], vector<16xf32>,
        %gather3A_245 = tpu.vector_load_idx %arg10[%get3A_214] : memref<10000xf32, #tpu.memory_space<vmem>>[vector<16xi32>], vector<16xf32>,
        %min3A_246 = arith.minimumf %gather3A_244, %gather3A_245 : vector<16xf32>
        tpu.vector_store_idx %arg10[%get3A_214], %min3A_246 : memref<10000xf32, #tpu.memory_space<vmem>>[vector<16xi32>], vector<16xf32>,
        %gather3A_247 = tpu.vector_load_idx %arg7[%get3A_210] : memref<10000xf32, #tpu.memory_space<vmem>>[vector<16xi32>], vector<16xf32>,
        %gather3A_248 = tpu.vector_load_idx %arg11[%get3A_214] : memref<10000xf32, #tpu.memory_space<vmem>>[vector<16xi32>], vector<16xf32>,
        %min3A_249 = arith.minimumf %gather3A_247, %gather3A_248 : vector<16xf32>
        tpu.vector_store_idx %arg11[%get3A_214], %min3A_249 : memref<10000xf32, #tpu.memory_space<vmem>>[vector<16xi32>], vector<16xf32>,
        %gather3A_250 = tpu.vector_load_idx %arg8[%get3A_210] : memref<10000xf32, #tpu.memory_space<vmem>>[vector<16xi32>], vector<16xf32>,
        %gather3A_251 = tpu.vector_load_idx %arg12[%get3A_214] : memref<10000xf32, #tpu.memory_space<vmem>>[vector<16xi32>], vector<16xf32>,
        %min3A_252 = arith.minimumf %gather3A_250, %gather3A_251 : vector<16xf32>
        tpu.vector_store_idx %arg12[%get3A_214], %min3A_252 : memref<10000xf32, #tpu.memory_space<vmem>>[vector<16xi32>], vector<16xf32>,
        %gather3A_253 = tpu.vector_load_idx %arg9[%get3A_210] : memref<10000xf32, #tpu.memory_space<vmem>>[vector<16xi32>], vector<16xf32>,
        %gather3A_254 = tpu.vector_load_idx %arg13[%get3A_214] : memref<10000xf32, #tpu.memory_space<vmem>>[vector<16xi32>], vector<16xf32>,
        %min3A_255 = arith.minimumf %gather3A_253, %gather3A_254 : vector<16xf32>
        tpu.vector_store_idx %arg13[%get3A_214], %min3A_255 : memref<10000xf32, #tpu.memory_space<vmem>>[vector<16xi32>], vector<16xf32>,
        %add3A_256 = arith.constant 3 : i32
        %add3A_257 = arith.addi %mul3A_112, %add3A_256 : i32
        %mul3A_258 = arith.constant 16 : i32
        %mul3A_259 = arith.muli %add3A_257, %mul3A_258 : i32
        %get3A_260 = arith.index_cast %mul3A_259 : i32 to index
        %get3A_261 = tpu.vector_load %arg14[%get3A_260] {strides = array<i32>} : memref<2000xi32, #tpu.memory_space<vmem>>, vector<16xi32>,
        %mul3A_262 = arith.constant 16 : i32
        %mul3A_263 = arith.muli %add3A_257, %mul3A_262 : i32
        %get3A_264 = arith.index_cast %mul3A_263 : i32 to index
        %get3A_265 = tpu.vector_load %arg15[%get3A_264] {strides = array<i32>} : memref<2000xi32, #tpu.memory_space<vmem>>, vector<16xi32>,
        %sort3A_266 = arith.constant dense<true> : vector<16xi1>
        %sort3A_267, %sort3A_268, %sort3A_269 = tpu.sort %get3A_265, %get3A_265 masked %sort3A_266 : (vector<16xi32>, vector<16xi32>, vector<16xi1>) -> (vector<16xi1>, vector<16xi32>, vector<16xi32>)
        %sub3A_270 = arith.constant 1 : i32
        %sub3A_271 = vector.broadcast %sub3A_270 : i32 to vector<16xi32>
        %sub3A_272 = arith.subi %iota3A, %sub3A_271 : vector<16xi32>
        %max3A_273 = arith.constant 0 : i32
        %max3A_274 = vector.broadcast %max3A_273 : i32 to vector<16xi32>
        %max3A_275 = arith.maxsi %sub3A_272, %max3A_274 : vector<16xi32>
        %broadcast_in_dim3A_276 = vector.shape_cast %max3A_275 : vector<16xi32> to vector<16x1xi32>
        %gather3A_277 = vector.shape_cast %broadcast_in_dim3A_276 : vector<16x1xi32> to vector<16xi32>
        %gather3A_278 = tpu.dynamic_gather %sort3A_268[%gather3A_277] in [0] : vector<16xi32>, vector<16xi32> -> vector<16xi32>
        %eq3A_279 = arith.cmpi eq, %sort3A_268, %gather3A_278 : vector<16xi32>
        %gt3A_280 = arith.constant 0 : i32
        %gt3A_281 = vector.broadcast %gt3A_280 : i32 to vector<16xi32>
        %gt3A_282 = arith.cmpi sgt, %iota3A, %gt3A_281 : vector<16xi32>
        %and3A_283 = arith.andi %eq3A_279, %gt3A_282 : vector<16xi1>
        %reduce_or3A_284 = arith.constant 1.000000e+00 : f32
        %reduce_or3A_285 = arith.constant 0.000000e+00 : f32
        %reduce_or3A_286 = vector.broadcast %reduce_or3A_284 : f32 to vector<16xf32>
        %reduce_or3A_287 = vector.broadcast %reduce_or3A_285 : f32 to vector<16xf32>
        %reduce_or3A_288 = arith.select %and3A_283, %reduce_or3A_286, %reduce_or3A_287 : vector<16xi1>, vector<16xf32>
        %reduce_or3A_289 = arith.constant true
        %reduce_or3A_290 = vector.broadcast %reduce_or3A_289 : i1 to vector<16xi1>
        %reduce_or3A_291 = tpu.scan <max>, %reduce_or3A_288 masked %reduce_or3A_290 : vector<16xf32>, vector<16xi1> -> vector<16xf32>
        %reduce_or3A_292 = vector.extract %reduce_or3A_291[15] : f32 from vector<16xf32>
        %reduce_or3A_293 = arith.constant 0.000000e+00 : f32
        %reduce_or3A_294 = arith.cmpf ogt, %reduce_or3A_292, %reduce_or3A_293 : f32
        %gather3A_295 = tpu.vector_load_idx %arg6[%get3A_261] : memref<10000xf32, #tpu.memory_space<vmem>>[vector<16xi32>], vector<16xf32>,
        %gather3A_296 = tpu.vector_load_idx %arg10[%get3A_265] : memref<10000xf32, #tpu.memory_space<vmem>>[vector<16xi32>], vector<16xf32>,
        %min3A_297 = arith.minimumf %gather3A_295, %gather3A_296 : vector<16xf32>
        tpu.vector_store_idx %arg10[%get3A_265], %min3A_297 : memref<10000xf32, #tpu.memory_space<vmem>>[vector<16xi32>], vector<16xf32>,
        %gather3A_298 = tpu.vector_load_idx %arg7[%get3A_261] : memref<10000xf32, #tpu.memory_space<vmem>>[vector<16xi32>], vector<16xf32>,
        %gather3A_299 = tpu.vector_load_idx %arg11[%get3A_265] : memref<10000xf32, #tpu.memory_space<vmem>>[vector<16xi32>], vector<16xf32>,
        %min3A_300 = arith.minimumf %gather3A_298, %gather3A_299 : vector<16xf32>
        tpu.vector_store_idx %arg11[%get3A_265], %min3A_300 : memref<10000xf32, #tpu.memory_space<vmem>>[vector<16xi32>], vector<16xf32>,
        %gather3A_301 = tpu.vector_load_idx %arg8[%get3A_261] : memref<10000xf32, #tpu.memory_space<vmem>>[vector<16xi32>], vector<16xf32>,
        %gather3A_302 = tpu.vector_load_idx %arg12[%get3A_265] : memref<10000xf32, #tpu.memory_space<vmem>>[vector<16xi32>], vector<16xf32>,
        %min3A_303 = arith.minimumf %gather3A_301, %gather3A_302 : vector<16xf32>
        tpu.vector_store_idx %arg12[%get3A_265], %min3A_303 : memref<10000xf32, #tpu.memory_space<vmem>>[vector<16xi32>], vector<16xf32>,
        %gather3A_304 = tpu.vector_load_idx %arg9[%get3A_261] : memref<10000xf32, #tpu.memory_space<vmem>>[vector<16xi32>], vector<16xf32>,
        %gather3A_305 = tpu.vector_load_idx %arg13[%get3A_265] : memref<10000xf32, #tpu.memory_space<vmem>>[vector<16xi32>], vector<16xf32>,
        %min3A_306 = arith.minimumf %gather3A_304, %gather3A_305 : vector<16xf32>
        tpu.vector_store_idx %arg13[%get3A_265], %min3A_306 : memref<10000xf32, #tpu.memory_space<vmem>>[vector<16xi32>], vector<16xf32>,
        %add3A_307 = arith.constant 4 : i32
        %add3A_308 = arith.addi %mul3A_112, %add3A_307 : i32
        %mul3A_309 = arith.constant 16 : i32
        %mul3A_310 = arith.muli %add3A_308, %mul3A_309 : i32
        %get3A_311 = arith.index_cast %mul3A_310 : i32 to index
        %get3A_312 = tpu.vector_load %arg14[%get3A_311] {strides = array<i32>} : memref<2000xi32, #tpu.memory_space<vmem>>, vector<16xi32>,
        %mul3A_313 = arith.constant 16 : i32
        %mul3A_314 = arith.muli %add3A_308, %mul3A_313 : i32
        %get3A_315 = arith.index_cast %mul3A_314 : i32 to index
        %get3A_316 = tpu.vector_load %arg15[%get3A_315] {strides = array<i32>} : memref<2000xi32, #tpu.memory_space<vmem>>, vector<16xi32>,
        %sort3A_317 = arith.constant dense<true> : vector<16xi1>
        %sort3A_318, %sort3A_319, %sort3A_320 = tpu.sort %get3A_316, %get3A_316 masked %sort3A_317 : (vector<16xi32>, vector<16xi32>, vector<16xi1>) -> (vector<16xi1>, vector<16xi32>, vector<16xi32>)
        %sub3A_321 = arith.constant 1 : i32
        %sub3A_322 = vector.broadcast %sub3A_321 : i32 to vector<16xi32>
        %sub3A_323 = arith.subi %iota3A, %sub3A_322 : vector<16xi32>
        %max3A_324 = arith.constant 0 : i32
        %max3A_325 = vector.broadcast %max3A_324 : i32 to vector<16xi32>
        %max3A_326 = arith.maxsi %sub3A_323, %max3A_325 : vector<16xi32>
        %broadcast_in_dim3A_327 = vector.shape_cast %max3A_326 : vector<16xi32> to vector<16x1xi32>
        %gather3A_328 = vector.shape_cast %broadcast_in_dim3A_327 : vector<16x1xi32> to vector<16xi32>
        %gather3A_329 = tpu.dynamic_gather %sort3A_319[%gather3A_328] in [0] : vector<16xi32>, vector<16xi32> -> vector<16xi32>
        %eq3A_330 = arith.cmpi eq, %sort3A_319, %gather3A_329 : vector<16xi32>
        %gt3A_331 = arith.constant 0 : i32
        %gt3A_332 = vector.broadcast %gt3A_331 : i32 to vector<16xi32>
        %gt3A_333 = arith.cmpi sgt, %iota3A, %gt3A_332 : vector<16xi32>
        %and3A_334 = arith.andi %eq3A_330, %gt3A_333 : vector<16xi1>
        %reduce_or3A_335 = arith.constant 1.000000e+00 : f32
        %reduce_or3A_336 = arith.constant 0.000000e+00 : f32
        %reduce_or3A_337 = vector.broadcast %reduce_or3A_335 : f32 to vector<16xf32>
        %reduce_or3A_338 = vector.broadcast %reduce_or3A_336 : f32 to vector<16xf32>
        %reduce_or3A_339 = arith.select %and3A_334, %reduce_or3A_337, %reduce_or3A_338 : vector<16xi1>, vector<16xf32>
        %reduce_or3A_340 = arith.constant true
        %reduce_or3A_341 = vector.broadcast %reduce_or3A_340 : i1 to vector<16xi1>
        %reduce_or3A_342 = tpu.scan <max>, %reduce_or3A_339 masked %reduce_or3A_341 : vector<16xf32>, vector<16xi1> -> vector<16xf32>
        %reduce_or3A_343 = vector.extract %reduce_or3A_342[15] : f32 from vector<16xf32>
        %reduce_or3A_344 = arith.constant 0.000000e+00 : f32
        %reduce_or3A_345 = arith.cmpf ogt, %reduce_or3A_343, %reduce_or3A_344 : f32
        %gather3A_346 = tpu.vector_load_idx %arg6[%get3A_312] : memref<10000xf32, #tpu.memory_space<vmem>>[vector<16xi32>], vector<16xf32>,
        %gather3A_347 = tpu.vector_load_idx %arg10[%get3A_316] : memref<10000xf32, #tpu.memory_space<vmem>>[vector<16xi32>], vector<16xf32>,
        %min3A_348 = arith.minimumf %gather3A_346, %gather3A_347 : vector<16xf32>
        tpu.vector_store_idx %arg10[%get3A_316], %min3A_348 : memref<10000xf32, #tpu.memory_space<vmem>>[vector<16xi32>], vector<16xf32>,
        %gather3A_349 = tpu.vector_load_idx %arg7[%get3A_312] : memref<10000xf32, #tpu.memory_space<vmem>>[vector<16xi32>], vector<16xf32>,
        %gather3A_350 = tpu.vector_load_idx %arg11[%get3A_316] : memref<10000xf32, #tpu.memory_space<vmem>>[vector<16xi32>], vector<16xf32>,
        %min3A_351 = arith.minimumf %gather3A_349, %gather3A_350 : vector<16xf32>
        tpu.vector_store_idx %arg11[%get3A_316], %min3A_351 : memref<10000xf32, #tpu.memory_space<vmem>>[vector<16xi32>], vector<16xf32>,
        %gather3A_352 = tpu.vector_load_idx %arg8[%get3A_312] : memref<10000xf32, #tpu.memory_space<vmem>>[vector<16xi32>], vector<16xf32>,
        %gather3A_353 = tpu.vector_load_idx %arg12[%get3A_316] : memref<10000xf32, #tpu.memory_space<vmem>>[vector<16xi32>], vector<16xf32>,
        %min3A_354 = arith.minimumf %gather3A_352, %gather3A_353 : vector<16xf32>
        tpu.vector_store_idx %arg12[%get3A_316], %min3A_354 : memref<10000xf32, #tpu.memory_space<vmem>>[vector<16xi32>], vector<16xf32>,
        %gather3A_355 = tpu.vector_load_idx %arg9[%get3A_312] : memref<10000xf32, #tpu.memory_space<vmem>>[vector<16xi32>], vector<16xf32>,
        %gather3A_356 = tpu.vector_load_idx %arg13[%get3A_316] : memref<10000xf32, #tpu.memory_space<vmem>>[vector<16xi32>], vector<16xf32>,
        %min3A_357 = arith.minimumf %gather3A_355, %gather3A_356 : vector<16xf32>
        tpu.vector_store_idx %arg13[%get3A_316], %min3A_357 : memref<10000xf32, #tpu.memory_space<vmem>>[vector<16xi32>], vector<16xf32>,
        %or3A = arith.ori %reduce_or3A_142, %reduce_or3A_192 : i1
        %or3A_358 = arith.ori %or3A, %reduce_or3A_243 : i1
        %or3A_359 = arith.ori %or3A_358, %reduce_or3A_294 : i1
        %or3A_360 = arith.ori %or3A_359, %reduce_or3A_345 : i1
        %convert_element_type3A_361 = arith.extui %or3A_360 : i1 to i32
        %cond3A_362 = arith.constant 0 : i32
        %cond3A_363 = arith.cmpi ne, %convert_element_type3A_361, %cond3A_362 : i32
        scf.if %cond3A_363 {
          %convert_element_type3A_365 = arith.extui %reduce_or3A_142 : i1 to i32
          %cond3A_366 = arith.constant 0 : i32
          %cond3A_367 = arith.cmpi ne, %convert_element_type3A_365, %cond3A_366 : i32
          scf.if %cond3A_367 {
            %gather3A_380 = tpu.vector_load_idx %arg6[%get3A_117] : memref<10000xf32, #tpu.memory_space<vmem>>[vector<16xi32>], vector<16xf32>,
            %gather3A_381 = tpu.vector_load_idx %arg10[%get3A_121] : memref<10000xf32, #tpu.memory_space<vmem>>[vector<16xi32>], vector<16xf32>,
            %gt3A_382 = arith.cmpf ogt, %gather3A_381, %gather3A_380 : vector<16xf32>
            %while3A = scf.while (%while3A_395 = %gt3A_382) : (vector<16xi1>) -> vector<16xi1> {
              %reduce_or3A_396 = arith.constant 1.000000e+00 : f32
              %reduce_or3A_397 = arith.constant 0.000000e+00 : f32
              %reduce_or3A_398 = vector.broadcast %reduce_or3A_396 : f32 to vector<16xf32>
              %reduce_or3A_399 = vector.broadcast %reduce_or3A_397 : f32 to vector<16xf32>
              %reduce_or3A_400 = arith.select %while3A_395, %reduce_or3A_398, %reduce_or3A_399 : vector<16xi1>, vector<16xf32>
              %reduce_or3A_401 = arith.constant true
              %reduce_or3A_402 = vector.broadcast %reduce_or3A_401 : i1 to vector<16xi1>
              %reduce_or3A_403 = tpu.scan <max>, %reduce_or3A_400 masked %reduce_or3A_402 : vector<16xf32>, vector<16xi1> -> vector<16xf32>
              %reduce_or3A_404 = vector.extract %reduce_or3A_403[15] : f32 from vector<16xf32>
              %reduce_or3A_405 = arith.constant 0.000000e+00 : f32
              %reduce_or3A_406 = arith.cmpf ogt, %reduce_or3A_404, %reduce_or3A_405 : f32
              scf.condition(%reduce_or3A_406) %while3A_395 : vector<16xi1>
            } do {
            ^bb0(%while3A_395: vector<16xi1>):
              %gather3A_396 = tpu.vector_load_idx %arg10[%get3A_121] : memref<10000xf32, #tpu.memory_space<vmem>>[vector<16xi32>], vector<16xf32>,
              %min3A_397 = arith.minimumf %gather3A_380, %gather3A_396 : vector<16xf32>
              tpu.vector_store_idx %arg10[%get3A_121], %min3A_397 masked %while3A_395 : memref<10000xf32, #tpu.memory_space<vmem>>[vector<16xi32>], vector<16xf32>, vector<16xi1>
              %gather3A_398 = tpu.vector_load_idx %arg10[%get3A_121] : memref<10000xf32, #tpu.memory_space<vmem>>[vector<16xi32>], vector<16xf32>,
              %gt3A_399 = arith.cmpf ogt, %gather3A_398, %gather3A_380 : vector<16xf32>
              %and3A_400 = arith.andi %while3A_395, %gt3A_399 : vector<16xi1>
              scf.yield %and3A_400 : vector<16xi1>
            }
            %gather3A_383 = tpu.vector_load_idx %arg7[%get3A_117] : memref<10000xf32, #tpu.memory_space<vmem>>[vector<16xi32>], vector<16xf32>,
            %gather3A_384 = tpu.vector_load_idx %arg11[%get3A_121] : memref<10000xf32, #tpu.memory_space<vmem>>[vector<16xi32>], vector<16xf32>,
            %gt3A_385 = arith.cmpf ogt, %gather3A_384, %gather3A_383 : vector<16xf32>
            %while3A_386 = scf.while (%while3A_395 = %gt3A_385) : (vector<16xi1>) -> vector<16xi1> {
              %reduce_or3A_396 = arith.constant 1.000000e+00 : f32
              %reduce_or3A_397 = arith.constant 0.000000e+00 : f32
              %reduce_or3A_398 = vector.broadcast %reduce_or3A_396 : f32 to vector<16xf32>
              %reduce_or3A_399 = vector.broadcast %reduce_or3A_397 : f32 to vector<16xf32>
              %reduce_or3A_400 = arith.select %while3A_395, %reduce_or3A_398, %reduce_or3A_399 : vector<16xi1>, vector<16xf32>
              %reduce_or3A_401 = arith.constant true
              %reduce_or3A_402 = vector.broadcast %reduce_or3A_401 : i1 to vector<16xi1>
              %reduce_or3A_403 = tpu.scan <max>, %reduce_or3A_400 masked %reduce_or3A_402 : vector<16xf32>, vector<16xi1> -> vector<16xf32>
              %reduce_or3A_404 = vector.extract %reduce_or3A_403[15] : f32 from vector<16xf32>
              %reduce_or3A_405 = arith.constant 0.000000e+00 : f32
              %reduce_or3A_406 = arith.cmpf ogt, %reduce_or3A_404, %reduce_or3A_405 : f32
              scf.condition(%reduce_or3A_406) %while3A_395 : vector<16xi1>
            } do {
            ^bb0(%while3A_395: vector<16xi1>):
              %gather3A_396 = tpu.vector_load_idx %arg11[%get3A_121] : memref<10000xf32, #tpu.memory_space<vmem>>[vector<16xi32>], vector<16xf32>,
              %min3A_397 = arith.minimumf %gather3A_383, %gather3A_396 : vector<16xf32>
              tpu.vector_store_idx %arg11[%get3A_121], %min3A_397 masked %while3A_395 : memref<10000xf32, #tpu.memory_space<vmem>>[vector<16xi32>], vector<16xf32>, vector<16xi1>
              %gather3A_398 = tpu.vector_load_idx %arg11[%get3A_121] : memref<10000xf32, #tpu.memory_space<vmem>>[vector<16xi32>], vector<16xf32>,
              %gt3A_399 = arith.cmpf ogt, %gather3A_398, %gather3A_383 : vector<16xf32>
              %and3A_400 = arith.andi %while3A_395, %gt3A_399 : vector<16xi1>
              scf.yield %and3A_400 : vector<16xi1>
            }
            %gather3A_387 = tpu.vector_load_idx %arg8[%get3A_117] : memref<10000xf32, #tpu.memory_space<vmem>>[vector<16xi32>], vector<16xf32>,
            %gather3A_388 = tpu.vector_load_idx %arg12[%get3A_121] : memref<10000xf32, #tpu.memory_space<vmem>>[vector<16xi32>], vector<16xf32>,
            %gt3A_389 = arith.cmpf ogt, %gather3A_388, %gather3A_387 : vector<16xf32>
            %while3A_390 = scf.while (%while3A_395 = %gt3A_389) : (vector<16xi1>) -> vector<16xi1> {
              %reduce_or3A_396 = arith.constant 1.000000e+00 : f32
              %reduce_or3A_397 = arith.constant 0.000000e+00 : f32
              %reduce_or3A_398 = vector.broadcast %reduce_or3A_396 : f32 to vector<16xf32>
              %reduce_or3A_399 = vector.broadcast %reduce_or3A_397 : f32 to vector<16xf32>
              %reduce_or3A_400 = arith.select %while3A_395, %reduce_or3A_398, %reduce_or3A_399 : vector<16xi1>, vector<16xf32>
              %reduce_or3A_401 = arith.constant true
              %reduce_or3A_402 = vector.broadcast %reduce_or3A_401 : i1 to vector<16xi1>
              %reduce_or3A_403 = tpu.scan <max>, %reduce_or3A_400 masked %reduce_or3A_402 : vector<16xf32>, vector<16xi1> -> vector<16xf32>
              %reduce_or3A_404 = vector.extract %reduce_or3A_403[15] : f32 from vector<16xf32>
              %reduce_or3A_405 = arith.constant 0.000000e+00 : f32
              %reduce_or3A_406 = arith.cmpf ogt, %reduce_or3A_404, %reduce_or3A_405 : f32
              scf.condition(%reduce_or3A_406) %while3A_395 : vector<16xi1>
            } do {
            ^bb0(%while3A_395: vector<16xi1>):
              %gather3A_396 = tpu.vector_load_idx %arg12[%get3A_121] : memref<10000xf32, #tpu.memory_space<vmem>>[vector<16xi32>], vector<16xf32>,
              %min3A_397 = arith.minimumf %gather3A_387, %gather3A_396 : vector<16xf32>
              tpu.vector_store_idx %arg12[%get3A_121], %min3A_397 masked %while3A_395 : memref<10000xf32, #tpu.memory_space<vmem>>[vector<16xi32>], vector<16xf32>, vector<16xi1>
              %gather3A_398 = tpu.vector_load_idx %arg12[%get3A_121] : memref<10000xf32, #tpu.memory_space<vmem>>[vector<16xi32>], vector<16xf32>,
              %gt3A_399 = arith.cmpf ogt, %gather3A_398, %gather3A_387 : vector<16xf32>
              %and3A_400 = arith.andi %while3A_395, %gt3A_399 : vector<16xi1>
              scf.yield %and3A_400 : vector<16xi1>
            }
            %gather3A_391 = tpu.vector_load_idx %arg9[%get3A_117] : memref<10000xf32, #tpu.memory_space<vmem>>[vector<16xi32>], vector<16xf32>,
            %gather3A_392 = tpu.vector_load_idx %arg13[%get3A_121] : memref<10000xf32, #tpu.memory_space<vmem>>[vector<16xi32>], vector<16xf32>,
            %gt3A_393 = arith.cmpf ogt, %gather3A_392, %gather3A_391 : vector<16xf32>
            %while3A_394 = scf.while (%while3A_395 = %gt3A_393) : (vector<16xi1>) -> vector<16xi1> {
              %reduce_or3A_396 = arith.constant 1.000000e+00 : f32
              %reduce_or3A_397 = arith.constant 0.000000e+00 : f32
              %reduce_or3A_398 = vector.broadcast %reduce_or3A_396 : f32 to vector<16xf32>
              %reduce_or3A_399 = vector.broadcast %reduce_or3A_397 : f32 to vector<16xf32>
              %reduce_or3A_400 = arith.select %while3A_395, %reduce_or3A_398, %reduce_or3A_399 : vector<16xi1>, vector<16xf32>
              %reduce_or3A_401 = arith.constant true
              %reduce_or3A_402 = vector.broadcast %reduce_or3A_401 : i1 to vector<16xi1>
              %reduce_or3A_403 = tpu.scan <max>, %reduce_or3A_400 masked %reduce_or3A_402 : vector<16xf32>, vector<16xi1> -> vector<16xf32>
              %reduce_or3A_404 = vector.extract %reduce_or3A_403[15] : f32 from vector<16xf32>
              %reduce_or3A_405 = arith.constant 0.000000e+00 : f32
              %reduce_or3A_406 = arith.cmpf ogt, %reduce_or3A_404, %reduce_or3A_405 : f32
              scf.condition(%reduce_or3A_406) %while3A_395 : vector<16xi1>
            } do {
            ^bb0(%while3A_395: vector<16xi1>):
              %gather3A_396 = tpu.vector_load_idx %arg13[%get3A_121] : memref<10000xf32, #tpu.memory_space<vmem>>[vector<16xi32>], vector<16xf32>,
              %min3A_397 = arith.minimumf %gather3A_391, %gather3A_396 : vector<16xf32>
              tpu.vector_store_idx %arg13[%get3A_121], %min3A_397 masked %while3A_395 : memref<10000xf32, #tpu.memory_space<vmem>>[vector<16xi32>], vector<16xf32>, vector<16xi1>
              %gather3A_398 = tpu.vector_load_idx %arg13[%get3A_121] : memref<10000xf32, #tpu.memory_space<vmem>>[vector<16xi32>], vector<16xf32>,
              %gt3A_399 = arith.cmpf ogt, %gather3A_398, %gather3A_391 : vector<16xf32>
              %and3A_400 = arith.andi %while3A_395, %gt3A_399 : vector<16xi1>
              scf.yield %and3A_400 : vector<16xi1>
            }
          } else {
          }
          %convert_element_type3A_368 = arith.extui %reduce_or3A_192 : i1 to i32
          %cond3A_369 = arith.constant 0 : i32
          %cond3A_370 = arith.cmpi ne, %convert_element_type3A_368, %cond3A_369 : i32
          scf.if %cond3A_370 {
            %gather3A_380 = tpu.vector_load_idx %arg6[%get3A_159] : memref<10000xf32, #tpu.memory_space<vmem>>[vector<16xi32>], vector<16xf32>,
            %gather3A_381 = tpu.vector_load_idx %arg10[%get3A_163] : memref<10000xf32, #tpu.memory_space<vmem>>[vector<16xi32>], vector<16xf32>,
            %gt3A_382 = arith.cmpf ogt, %gather3A_381, %gather3A_380 : vector<16xf32>
            %while3A = scf.while (%while3A_395 = %gt3A_382) : (vector<16xi1>) -> vector<16xi1> {
              %reduce_or3A_396 = arith.constant 1.000000e+00 : f32
              %reduce_or3A_397 = arith.constant 0.000000e+00 : f32
              %reduce_or3A_398 = vector.broadcast %reduce_or3A_396 : f32 to vector<16xf32>
              %reduce_or3A_399 = vector.broadcast %reduce_or3A_397 : f32 to vector<16xf32>
              %reduce_or3A_400 = arith.select %while3A_395, %reduce_or3A_398, %reduce_or3A_399 : vector<16xi1>, vector<16xf32>
              %reduce_or3A_401 = arith.constant true
              %reduce_or3A_402 = vector.broadcast %reduce_or3A_401 : i1 to vector<16xi1>
              %reduce_or3A_403 = tpu.scan <max>, %reduce_or3A_400 masked %reduce_or3A_402 : vector<16xf32>, vector<16xi1> -> vector<16xf32>
              %reduce_or3A_404 = vector.extract %reduce_or3A_403[15] : f32 from vector<16xf32>
              %reduce_or3A_405 = arith.constant 0.000000e+00 : f32
              %reduce_or3A_406 = arith.cmpf ogt, %reduce_or3A_404, %reduce_or3A_405 : f32
              scf.condition(%reduce_or3A_406) %while3A_395 : vector<16xi1>
            } do {
            ^bb0(%while3A_395: vector<16xi1>):
              %gather3A_396 = tpu.vector_load_idx %arg10[%get3A_163] : memref<10000xf32, #tpu.memory_space<vmem>>[vector<16xi32>], vector<16xf32>,
              %min3A_397 = arith.minimumf %gather3A_380, %gather3A_396 : vector<16xf32>
              tpu.vector_store_idx %arg10[%get3A_163], %min3A_397 masked %while3A_395 : memref<10000xf32, #tpu.memory_space<vmem>>[vector<16xi32>], vector<16xf32>, vector<16xi1>
              %gather3A_398 = tpu.vector_load_idx %arg10[%get3A_163] : memref<10000xf32, #tpu.memory_space<vmem>>[vector<16xi32>], vector<16xf32>,
              %gt3A_399 = arith.cmpf ogt, %gather3A_398, %gather3A_380 : vector<16xf32>
              %and3A_400 = arith.andi %while3A_395, %gt3A_399 : vector<16xi1>
              scf.yield %and3A_400 : vector<16xi1>
            }
            %gather3A_383 = tpu.vector_load_idx %arg7[%get3A_159] : memref<10000xf32, #tpu.memory_space<vmem>>[vector<16xi32>], vector<16xf32>,
            %gather3A_384 = tpu.vector_load_idx %arg11[%get3A_163] : memref<10000xf32, #tpu.memory_space<vmem>>[vector<16xi32>], vector<16xf32>,
            %gt3A_385 = arith.cmpf ogt, %gather3A_384, %gather3A_383 : vector<16xf32>
            %while3A_386 = scf.while (%while3A_395 = %gt3A_385) : (vector<16xi1>) -> vector<16xi1> {
              %reduce_or3A_396 = arith.constant 1.000000e+00 : f32
              %reduce_or3A_397 = arith.constant 0.000000e+00 : f32
              %reduce_or3A_398 = vector.broadcast %reduce_or3A_396 : f32 to vector<16xf32>
              %reduce_or3A_399 = vector.broadcast %reduce_or3A_397 : f32 to vector<16xf32>
              %reduce_or3A_400 = arith.select %while3A_395, %reduce_or3A_398, %reduce_or3A_399 : vector<16xi1>, vector<16xf32>
              %reduce_or3A_401 = arith.constant true
              %reduce_or3A_402 = vector.broadcast %reduce_or3A_401 : i1 to vector<16xi1>
              %reduce_or3A_403 = tpu.scan <max>, %reduce_or3A_400 masked %reduce_or3A_402 : vector<16xf32>, vector<16xi1> -> vector<16xf32>
              %reduce_or3A_404 = vector.extract %reduce_or3A_403[15] : f32 from vector<16xf32>
              %reduce_or3A_405 = arith.constant 0.000000e+00 : f32
              %reduce_or3A_406 = arith.cmpf ogt, %reduce_or3A_404, %reduce_or3A_405 : f32
              scf.condition(%reduce_or3A_406) %while3A_395 : vector<16xi1>
            } do {
            ^bb0(%while3A_395: vector<16xi1>):
              %gather3A_396 = tpu.vector_load_idx %arg11[%get3A_163] : memref<10000xf32, #tpu.memory_space<vmem>>[vector<16xi32>], vector<16xf32>,
              %min3A_397 = arith.minimumf %gather3A_383, %gather3A_396 : vector<16xf32>
              tpu.vector_store_idx %arg11[%get3A_163], %min3A_397 masked %while3A_395 : memref<10000xf32, #tpu.memory_space<vmem>>[vector<16xi32>], vector<16xf32>, vector<16xi1>
              %gather3A_398 = tpu.vector_load_idx %arg11[%get3A_163] : memref<10000xf32, #tpu.memory_space<vmem>>[vector<16xi32>], vector<16xf32>,
              %gt3A_399 = arith.cmpf ogt, %gather3A_398, %gather3A_383 : vector<16xf32>
              %and3A_400 = arith.andi %while3A_395, %gt3A_399 : vector<16xi1>
              scf.yield %and3A_400 : vector<16xi1>
            }
            %gather3A_387 = tpu.vector_load_idx %arg8[%get3A_159] : memref<10000xf32, #tpu.memory_space<vmem>>[vector<16xi32>], vector<16xf32>,
            %gather3A_388 = tpu.vector_load_idx %arg12[%get3A_163] : memref<10000xf32, #tpu.memory_space<vmem>>[vector<16xi32>], vector<16xf32>,
            %gt3A_389 = arith.cmpf ogt, %gather3A_388, %gather3A_387 : vector<16xf32>
            %while3A_390 = scf.while (%while3A_395 = %gt3A_389) : (vector<16xi1>) -> vector<16xi1> {
              %reduce_or3A_396 = arith.constant 1.000000e+00 : f32
              %reduce_or3A_397 = arith.constant 0.000000e+00 : f32
              %reduce_or3A_398 = vector.broadcast %reduce_or3A_396 : f32 to vector<16xf32>
              %reduce_or3A_399 = vector.broadcast %reduce_or3A_397 : f32 to vector<16xf32>
              %reduce_or3A_400 = arith.select %while3A_395, %reduce_or3A_398, %reduce_or3A_399 : vector<16xi1>, vector<16xf32>
              %reduce_or3A_401 = arith.constant true
              %reduce_or3A_402 = vector.broadcast %reduce_or3A_401 : i1 to vector<16xi1>
              %reduce_or3A_403 = tpu.scan <max>, %reduce_or3A_400 masked %reduce_or3A_402 : vector<16xf32>, vector<16xi1> -> vector<16xf32>
              %reduce_or3A_404 = vector.extract %reduce_or3A_403[15] : f32 from vector<16xf32>
              %reduce_or3A_405 = arith.constant 0.000000e+00 : f32
              %reduce_or3A_406 = arith.cmpf ogt, %reduce_or3A_404, %reduce_or3A_405 : f32
              scf.condition(%reduce_or3A_406) %while3A_395 : vector<16xi1>
            } do {
            ^bb0(%while3A_395: vector<16xi1>):
              %gather3A_396 = tpu.vector_load_idx %arg12[%get3A_163] : memref<10000xf32, #tpu.memory_space<vmem>>[vector<16xi32>], vector<16xf32>,
              %min3A_397 = arith.minimumf %gather3A_387, %gather3A_396 : vector<16xf32>
              tpu.vector_store_idx %arg12[%get3A_163], %min3A_397 masked %while3A_395 : memref<10000xf32, #tpu.memory_space<vmem>>[vector<16xi32>], vector<16xf32>, vector<16xi1>
              %gather3A_398 = tpu.vector_load_idx %arg12[%get3A_163] : memref<10000xf32, #tpu.memory_space<vmem>>[vector<16xi32>], vector<16xf32>,
              %gt3A_399 = arith.cmpf ogt, %gather3A_398, %gather3A_387 : vector<16xf32>
              %and3A_400 = arith.andi %while3A_395, %gt3A_399 : vector<16xi1>
              scf.yield %and3A_400 : vector<16xi1>
            }
            %gather3A_391 = tpu.vector_load_idx %arg9[%get3A_159] : memref<10000xf32, #tpu.memory_space<vmem>>[vector<16xi32>], vector<16xf32>,
            %gather3A_392 = tpu.vector_load_idx %arg13[%get3A_163] : memref<10000xf32, #tpu.memory_space<vmem>>[vector<16xi32>], vector<16xf32>,
            %gt3A_393 = arith.cmpf ogt, %gather3A_392, %gather3A_391 : vector<16xf32>
            %while3A_394 = scf.while (%while3A_395 = %gt3A_393) : (vector<16xi1>) -> vector<16xi1> {
              %reduce_or3A_396 = arith.constant 1.000000e+00 : f32
              %reduce_or3A_397 = arith.constant 0.000000e+00 : f32
              %reduce_or3A_398 = vector.broadcast %reduce_or3A_396 : f32 to vector<16xf32>
              %reduce_or3A_399 = vector.broadcast %reduce_or3A_397 : f32 to vector<16xf32>
              %reduce_or3A_400 = arith.select %while3A_395, %reduce_or3A_398, %reduce_or3A_399 : vector<16xi1>, vector<16xf32>
              %reduce_or3A_401 = arith.constant true
              %reduce_or3A_402 = vector.broadcast %reduce_or3A_401 : i1 to vector<16xi1>
              %reduce_or3A_403 = tpu.scan <max>, %reduce_or3A_400 masked %reduce_or3A_402 : vector<16xf32>, vector<16xi1> -> vector<16xf32>
              %reduce_or3A_404 = vector.extract %reduce_or3A_403[15] : f32 from vector<16xf32>
              %reduce_or3A_405 = arith.constant 0.000000e+00 : f32
              %reduce_or3A_406 = arith.cmpf ogt, %reduce_or3A_404, %reduce_or3A_405 : f32
              scf.condition(%reduce_or3A_406) %while3A_395 : vector<16xi1>
            } do {
            ^bb0(%while3A_395: vector<16xi1>):
              %gather3A_396 = tpu.vector_load_idx %arg13[%get3A_163] : memref<10000xf32, #tpu.memory_space<vmem>>[vector<16xi32>], vector<16xf32>,
              %min3A_397 = arith.minimumf %gather3A_391, %gather3A_396 : vector<16xf32>
              tpu.vector_store_idx %arg13[%get3A_163], %min3A_397 masked %while3A_395 : memref<10000xf32, #tpu.memory_space<vmem>>[vector<16xi32>], vector<16xf32>, vector<16xi1>
              %gather3A_398 = tpu.vector_load_idx %arg13[%get3A_163] : memref<10000xf32, #tpu.memory_space<vmem>>[vector<16xi32>], vector<16xf32>,
              %gt3A_399 = arith.cmpf ogt, %gather3A_398, %gather3A_391 : vector<16xf32>
              %and3A_400 = arith.andi %while3A_395, %gt3A_399 : vector<16xi1>
              scf.yield %and3A_400 : vector<16xi1>
            }
          } else {
          }
          %convert_element_type3A_371 = arith.extui %reduce_or3A_243 : i1 to i32
          %cond3A_372 = arith.constant 0 : i32
          %cond3A_373 = arith.cmpi ne, %convert_element_type3A_371, %cond3A_372 : i32
          scf.if %cond3A_373 {
            %gather3A_380 = tpu.vector_load_idx %arg6[%get3A_210] : memref<10000xf32, #tpu.memory_space<vmem>>[vector<16xi32>], vector<16xf32>,
            %gather3A_381 = tpu.vector_load_idx %arg10[%get3A_214] : memref<10000xf32, #tpu.memory_space<vmem>>[vector<16xi32>], vector<16xf32>,
            %gt3A_382 = arith.cmpf ogt, %gather3A_381, %gather3A_380 : vector<16xf32>
            %while3A = scf.while (%while3A_395 = %gt3A_382) : (vector<16xi1>) -> vector<16xi1> {
              %reduce_or3A_396 = arith.constant 1.000000e+00 : f32
              %reduce_or3A_397 = arith.constant 0.000000e+00 : f32
              %reduce_or3A_398 = vector.broadcast %reduce_or3A_396 : f32 to vector<16xf32>
              %reduce_or3A_399 = vector.broadcast %reduce_or3A_397 : f32 to vector<16xf32>
              %reduce_or3A_400 = arith.select %while3A_395, %reduce_or3A_398, %reduce_or3A_399 : vector<16xi1>, vector<16xf32>
              %reduce_or3A_401 = arith.constant true
              %reduce_or3A_402 = vector.broadcast %reduce_or3A_401 : i1 to vector<16xi1>
              %reduce_or3A_403 = tpu.scan <max>, %reduce_or3A_400 masked %reduce_or3A_402 : vector<16xf32>, vector<16xi1> -> vector<16xf32>
              %reduce_or3A_404 = vector.extract %reduce_or3A_403[15] : f32 from vector<16xf32>
              %reduce_or3A_405 = arith.constant 0.000000e+00 : f32
              %reduce_or3A_406 = arith.cmpf ogt, %reduce_or3A_404, %reduce_or3A_405 : f32
              scf.condition(%reduce_or3A_406) %while3A_395 : vector<16xi1>
            } do {
            ^bb0(%while3A_395: vector<16xi1>):
              %gather3A_396 = tpu.vector_load_idx %arg10[%get3A_214] : memref<10000xf32, #tpu.memory_space<vmem>>[vector<16xi32>], vector<16xf32>,
              %min3A_397 = arith.minimumf %gather3A_380, %gather3A_396 : vector<16xf32>
              tpu.vector_store_idx %arg10[%get3A_214], %min3A_397 masked %while3A_395 : memref<10000xf32, #tpu.memory_space<vmem>>[vector<16xi32>], vector<16xf32>, vector<16xi1>
              %gather3A_398 = tpu.vector_load_idx %arg10[%get3A_214] : memref<10000xf32, #tpu.memory_space<vmem>>[vector<16xi32>], vector<16xf32>,
              %gt3A_399 = arith.cmpf ogt, %gather3A_398, %gather3A_380 : vector<16xf32>
              %and3A_400 = arith.andi %while3A_395, %gt3A_399 : vector<16xi1>
              scf.yield %and3A_400 : vector<16xi1>
            }
            %gather3A_383 = tpu.vector_load_idx %arg7[%get3A_210] : memref<10000xf32, #tpu.memory_space<vmem>>[vector<16xi32>], vector<16xf32>,
            %gather3A_384 = tpu.vector_load_idx %arg11[%get3A_214] : memref<10000xf32, #tpu.memory_space<vmem>>[vector<16xi32>], vector<16xf32>,
            %gt3A_385 = arith.cmpf ogt, %gather3A_384, %gather3A_383 : vector<16xf32>
            %while3A_386 = scf.while (%while3A_395 = %gt3A_385) : (vector<16xi1>) -> vector<16xi1> {
              %reduce_or3A_396 = arith.constant 1.000000e+00 : f32
              %reduce_or3A_397 = arith.constant 0.000000e+00 : f32
              %reduce_or3A_398 = vector.broadcast %reduce_or3A_396 : f32 to vector<16xf32>
              %reduce_or3A_399 = vector.broadcast %reduce_or3A_397 : f32 to vector<16xf32>
              %reduce_or3A_400 = arith.select %while3A_395, %reduce_or3A_398, %reduce_or3A_399 : vector<16xi1>, vector<16xf32>
              %reduce_or3A_401 = arith.constant true
              %reduce_or3A_402 = vector.broadcast %reduce_or3A_401 : i1 to vector<16xi1>
              %reduce_or3A_403 = tpu.scan <max>, %reduce_or3A_400 masked %reduce_or3A_402 : vector<16xf32>, vector<16xi1> -> vector<16xf32>
              %reduce_or3A_404 = vector.extract %reduce_or3A_403[15] : f32 from vector<16xf32>
              %reduce_or3A_405 = arith.constant 0.000000e+00 : f32
              %reduce_or3A_406 = arith.cmpf ogt, %reduce_or3A_404, %reduce_or3A_405 : f32
              scf.condition(%reduce_or3A_406) %while3A_395 : vector<16xi1>
            } do {
            ^bb0(%while3A_395: vector<16xi1>):
              %gather3A_396 = tpu.vector_load_idx %arg11[%get3A_214] : memref<10000xf32, #tpu.memory_space<vmem>>[vector<16xi32>], vector<16xf32>,
              %min3A_397 = arith.minimumf %gather3A_383, %gather3A_396 : vector<16xf32>
              tpu.vector_store_idx %arg11[%get3A_214], %min3A_397 masked %while3A_395 : memref<10000xf32, #tpu.memory_space<vmem>>[vector<16xi32>], vector<16xf32>, vector<16xi1>
              %gather3A_398 = tpu.vector_load_idx %arg11[%get3A_214] : memref<10000xf32, #tpu.memory_space<vmem>>[vector<16xi32>], vector<16xf32>,
              %gt3A_399 = arith.cmpf ogt, %gather3A_398, %gather3A_383 : vector<16xf32>
              %and3A_400 = arith.andi %while3A_395, %gt3A_399 : vector<16xi1>
              scf.yield %and3A_400 : vector<16xi1>
            }
            %gather3A_387 = tpu.vector_load_idx %arg8[%get3A_210] : memref<10000xf32, #tpu.memory_space<vmem>>[vector<16xi32>], vector<16xf32>,
            %gather3A_388 = tpu.vector_load_idx %arg12[%get3A_214] : memref<10000xf32, #tpu.memory_space<vmem>>[vector<16xi32>], vector<16xf32>,
            %gt3A_389 = arith.cmpf ogt, %gather3A_388, %gather3A_387 : vector<16xf32>
            %while3A_390 = scf.while (%while3A_395 = %gt3A_389) : (vector<16xi1>) -> vector<16xi1> {
              %reduce_or3A_396 = arith.constant 1.000000e+00 : f32
              %reduce_or3A_397 = arith.constant 0.000000e+00 : f32
              %reduce_or3A_398 = vector.broadcast %reduce_or3A_396 : f32 to vector<16xf32>
              %reduce_or3A_399 = vector.broadcast %reduce_or3A_397 : f32 to vector<16xf32>
              %reduce_or3A_400 = arith.select %while3A_395, %reduce_or3A_398, %reduce_or3A_399 : vector<16xi1>, vector<16xf32>
              %reduce_or3A_401 = arith.constant true
              %reduce_or3A_402 = vector.broadcast %reduce_or3A_401 : i1 to vector<16xi1>
              %reduce_or3A_403 = tpu.scan <max>, %reduce_or3A_400 masked %reduce_or3A_402 : vector<16xf32>, vector<16xi1> -> vector<16xf32>
              %reduce_or3A_404 = vector.extract %reduce_or3A_403[15] : f32 from vector<16xf32>
              %reduce_or3A_405 = arith.constant 0.000000e+00 : f32
              %reduce_or3A_406 = arith.cmpf ogt, %reduce_or3A_404, %reduce_or3A_405 : f32
              scf.condition(%reduce_or3A_406) %while3A_395 : vector<16xi1>
            } do {
            ^bb0(%while3A_395: vector<16xi1>):
              %gather3A_396 = tpu.vector_load_idx %arg12[%get3A_214] : memref<10000xf32, #tpu.memory_space<vmem>>[vector<16xi32>], vector<16xf32>,
              %min3A_397 = arith.minimumf %gather3A_387, %gather3A_396 : vector<16xf32>
              tpu.vector_store_idx %arg12[%get3A_214], %min3A_397 masked %while3A_395 : memref<10000xf32, #tpu.memory_space<vmem>>[vector<16xi32>], vector<16xf32>, vector<16xi1>
              %gather3A_398 = tpu.vector_load_idx %arg12[%get3A_214] : memref<10000xf32, #tpu.memory_space<vmem>>[vector<16xi32>], vector<16xf32>,
              %gt3A_399 = arith.cmpf ogt, %gather3A_398, %gather3A_387 : vector<16xf32>
              %and3A_400 = arith.andi %while3A_395, %gt3A_399 : vector<16xi1>
              scf.yield %and3A_400 : vector<16xi1>
            }
            %gather3A_391 = tpu.vector_load_idx %arg9[%get3A_210] : memref<10000xf32, #tpu.memory_space<vmem>>[vector<16xi32>], vector<16xf32>,
            %gather3A_392 = tpu.vector_load_idx %arg13[%get3A_214] : memref<10000xf32, #tpu.memory_space<vmem>>[vector<16xi32>], vector<16xf32>,
            %gt3A_393 = arith.cmpf ogt, %gather3A_392, %gather3A_391 : vector<16xf32>
            %while3A_394 = scf.while (%while3A_395 = %gt3A_393) : (vector<16xi1>) -> vector<16xi1> {
              %reduce_or3A_396 = arith.constant 1.000000e+00 : f32
              %reduce_or3A_397 = arith.constant 0.000000e+00 : f32
              %reduce_or3A_398 = vector.broadcast %reduce_or3A_396 : f32 to vector<16xf32>
              %reduce_or3A_399 = vector.broadcast %reduce_or3A_397 : f32 to vector<16xf32>
              %reduce_or3A_400 = arith.select %while3A_395, %reduce_or3A_398, %reduce_or3A_399 : vector<16xi1>, vector<16xf32>
              %reduce_or3A_401 = arith.constant true
              %reduce_or3A_402 = vector.broadcast %reduce_or3A_401 : i1 to vector<16xi1>
              %reduce_or3A_403 = tpu.scan <max>, %reduce_or3A_400 masked %reduce_or3A_402 : vector<16xf32>, vector<16xi1> -> vector<16xf32>
              %reduce_or3A_404 = vector.extract %reduce_or3A_403[15] : f32 from vector<16xf32>
              %reduce_or3A_405 = arith.constant 0.000000e+00 : f32
              %reduce_or3A_406 = arith.cmpf ogt, %reduce_or3A_404, %reduce_or3A_405 : f32
              scf.condition(%reduce_or3A_406) %while3A_395 : vector<16xi1>
            } do {
            ^bb0(%while3A_395: vector<16xi1>):
              %gather3A_396 = tpu.vector_load_idx %arg13[%get3A_214] : memref<10000xf32, #tpu.memory_space<vmem>>[vector<16xi32>], vector<16xf32>,
              %min3A_397 = arith.minimumf %gather3A_391, %gather3A_396 : vector<16xf32>
              tpu.vector_store_idx %arg13[%get3A_214], %min3A_397 masked %while3A_395 : memref<10000xf32, #tpu.memory_space<vmem>>[vector<16xi32>], vector<16xf32>, vector<16xi1>
              %gather3A_398 = tpu.vector_load_idx %arg13[%get3A_214] : memref<10000xf32, #tpu.memory_space<vmem>>[vector<16xi32>], vector<16xf32>,
              %gt3A_399 = arith.cmpf ogt, %gather3A_398, %gather3A_391 : vector<16xf32>
              %and3A_400 = arith.andi %while3A_395, %gt3A_399 : vector<16xi1>
              scf.yield %and3A_400 : vector<16xi1>
            }
          } else {
          }
          %convert_element_type3A_374 = arith.extui %reduce_or3A_294 : i1 to i32
          %cond3A_375 = arith.constant 0 : i32
          %cond3A_376 = arith.cmpi ne, %convert_element_type3A_374, %cond3A_375 : i32
          scf.if %cond3A_376 {
            %gather3A_380 = tpu.vector_load_idx %arg6[%get3A_261] : memref<10000xf32, #tpu.memory_space<vmem>>[vector<16xi32>], vector<16xf32>,
            %gather3A_381 = tpu.vector_load_idx %arg10[%get3A_265] : memref<10000xf32, #tpu.memory_space<vmem>>[vector<16xi32>], vector<16xf32>,
            %gt3A_382 = arith.cmpf ogt, %gather3A_381, %gather3A_380 : vector<16xf32>
            %while3A = scf.while (%while3A_395 = %gt3A_382) : (vector<16xi1>) -> vector<16xi1> {
              %reduce_or3A_396 = arith.constant 1.000000e+00 : f32
              %reduce_or3A_397 = arith.constant 0.000000e+00 : f32
              %reduce_or3A_398 = vector.broadcast %reduce_or3A_396 : f32 to vector<16xf32>
              %reduce_or3A_399 = vector.broadcast %reduce_or3A_397 : f32 to vector<16xf32>
              %reduce_or3A_400 = arith.select %while3A_395, %reduce_or3A_398, %reduce_or3A_399 : vector<16xi1>, vector<16xf32>
              %reduce_or3A_401 = arith.constant true
              %reduce_or3A_402 = vector.broadcast %reduce_or3A_401 : i1 to vector<16xi1>
              %reduce_or3A_403 = tpu.scan <max>, %reduce_or3A_400 masked %reduce_or3A_402 : vector<16xf32>, vector<16xi1> -> vector<16xf32>
              %reduce_or3A_404 = vector.extract %reduce_or3A_403[15] : f32 from vector<16xf32>
              %reduce_or3A_405 = arith.constant 0.000000e+00 : f32
              %reduce_or3A_406 = arith.cmpf ogt, %reduce_or3A_404, %reduce_or3A_405 : f32
              scf.condition(%reduce_or3A_406) %while3A_395 : vector<16xi1>
            } do {
            ^bb0(%while3A_395: vector<16xi1>):
              %gather3A_396 = tpu.vector_load_idx %arg10[%get3A_265] : memref<10000xf32, #tpu.memory_space<vmem>>[vector<16xi32>], vector<16xf32>,
              %min3A_397 = arith.minimumf %gather3A_380, %gather3A_396 : vector<16xf32>
              tpu.vector_store_idx %arg10[%get3A_265], %min3A_397 masked %while3A_395 : memref<10000xf32, #tpu.memory_space<vmem>>[vector<16xi32>], vector<16xf32>, vector<16xi1>
              %gather3A_398 = tpu.vector_load_idx %arg10[%get3A_265] : memref<10000xf32, #tpu.memory_space<vmem>>[vector<16xi32>], vector<16xf32>,
              %gt3A_399 = arith.cmpf ogt, %gather3A_398, %gather3A_380 : vector<16xf32>
              %and3A_400 = arith.andi %while3A_395, %gt3A_399 : vector<16xi1>
              scf.yield %and3A_400 : vector<16xi1>
            }
            %gather3A_383 = tpu.vector_load_idx %arg7[%get3A_261] : memref<10000xf32, #tpu.memory_space<vmem>>[vector<16xi32>], vector<16xf32>,
            %gather3A_384 = tpu.vector_load_idx %arg11[%get3A_265] : memref<10000xf32, #tpu.memory_space<vmem>>[vector<16xi32>], vector<16xf32>,
            %gt3A_385 = arith.cmpf ogt, %gather3A_384, %gather3A_383 : vector<16xf32>
            %while3A_386 = scf.while (%while3A_395 = %gt3A_385) : (vector<16xi1>) -> vector<16xi1> {
              %reduce_or3A_396 = arith.constant 1.000000e+00 : f32
              %reduce_or3A_397 = arith.constant 0.000000e+00 : f32
              %reduce_or3A_398 = vector.broadcast %reduce_or3A_396 : f32 to vector<16xf32>
              %reduce_or3A_399 = vector.broadcast %reduce_or3A_397 : f32 to vector<16xf32>
              %reduce_or3A_400 = arith.select %while3A_395, %reduce_or3A_398, %reduce_or3A_399 : vector<16xi1>, vector<16xf32>
              %reduce_or3A_401 = arith.constant true
              %reduce_or3A_402 = vector.broadcast %reduce_or3A_401 : i1 to vector<16xi1>
              %reduce_or3A_403 = tpu.scan <max>, %reduce_or3A_400 masked %reduce_or3A_402 : vector<16xf32>, vector<16xi1> -> vector<16xf32>
              %reduce_or3A_404 = vector.extract %reduce_or3A_403[15] : f32 from vector<16xf32>
              %reduce_or3A_405 = arith.constant 0.000000e+00 : f32
              %reduce_or3A_406 = arith.cmpf ogt, %reduce_or3A_404, %reduce_or3A_405 : f32
              scf.condition(%reduce_or3A_406) %while3A_395 : vector<16xi1>
            } do {
            ^bb0(%while3A_395: vector<16xi1>):
              %gather3A_396 = tpu.vector_load_idx %arg11[%get3A_265] : memref<10000xf32, #tpu.memory_space<vmem>>[vector<16xi32>], vector<16xf32>,
              %min3A_397 = arith.minimumf %gather3A_383, %gather3A_396 : vector<16xf32>
              tpu.vector_store_idx %arg11[%get3A_265], %min3A_397 masked %while3A_395 : memref<10000xf32, #tpu.memory_space<vmem>>[vector<16xi32>], vector<16xf32>, vector<16xi1>
              %gather3A_398 = tpu.vector_load_idx %arg11[%get3A_265] : memref<10000xf32, #tpu.memory_space<vmem>>[vector<16xi32>], vector<16xf32>,
              %gt3A_399 = arith.cmpf ogt, %gather3A_398, %gather3A_383 : vector<16xf32>
              %and3A_400 = arith.andi %while3A_395, %gt3A_399 : vector<16xi1>
              scf.yield %and3A_400 : vector<16xi1>
            }
            %gather3A_387 = tpu.vector_load_idx %arg8[%get3A_261] : memref<10000xf32, #tpu.memory_space<vmem>>[vector<16xi32>], vector<16xf32>,
            %gather3A_388 = tpu.vector_load_idx %arg12[%get3A_265] : memref<10000xf32, #tpu.memory_space<vmem>>[vector<16xi32>], vector<16xf32>,
            %gt3A_389 = arith.cmpf ogt, %gather3A_388, %gather3A_387 : vector<16xf32>
            %while3A_390 = scf.while (%while3A_395 = %gt3A_389) : (vector<16xi1>) -> vector<16xi1> {
              %reduce_or3A_396 = arith.constant 1.000000e+00 : f32
              %reduce_or3A_397 = arith.constant 0.000000e+00 : f32
              %reduce_or3A_398 = vector.broadcast %reduce_or3A_396 : f32 to vector<16xf32>
              %reduce_or3A_399 = vector.broadcast %reduce_or3A_397 : f32 to vector<16xf32>
              %reduce_or3A_400 = arith.select %while3A_395, %reduce_or3A_398, %reduce_or3A_399 : vector<16xi1>, vector<16xf32>
              %reduce_or3A_401 = arith.constant true
              %reduce_or3A_402 = vector.broadcast %reduce_or3A_401 : i1 to vector<16xi1>
              %reduce_or3A_403 = tpu.scan <max>, %reduce_or3A_400 masked %reduce_or3A_402 : vector<16xf32>, vector<16xi1> -> vector<16xf32>
              %reduce_or3A_404 = vector.extract %reduce_or3A_403[15] : f32 from vector<16xf32>
              %reduce_or3A_405 = arith.constant 0.000000e+00 : f32
              %reduce_or3A_406 = arith.cmpf ogt, %reduce_or3A_404, %reduce_or3A_405 : f32
              scf.condition(%reduce_or3A_406) %while3A_395 : vector<16xi1>
            } do {
            ^bb0(%while3A_395: vector<16xi1>):
              %gather3A_396 = tpu.vector_load_idx %arg12[%get3A_265] : memref<10000xf32, #tpu.memory_space<vmem>>[vector<16xi32>], vector<16xf32>,
              %min3A_397 = arith.minimumf %gather3A_387, %gather3A_396 : vector<16xf32>
              tpu.vector_store_idx %arg12[%get3A_265], %min3A_397 masked %while3A_395 : memref<10000xf32, #tpu.memory_space<vmem>>[vector<16xi32>], vector<16xf32>, vector<16xi1>
              %gather3A_398 = tpu.vector_load_idx %arg12[%get3A_265] : memref<10000xf32, #tpu.memory_space<vmem>>[vector<16xi32>], vector<16xf32>,
              %gt3A_399 = arith.cmpf ogt, %gather3A_398, %gather3A_387 : vector<16xf32>
              %and3A_400 = arith.andi %while3A_395, %gt3A_399 : vector<16xi1>
              scf.yield %and3A_400 : vector<16xi1>
            }
            %gather3A_391 = tpu.vector_load_idx %arg9[%get3A_261] : memref<10000xf32, #tpu.memory_space<vmem>>[vector<16xi32>], vector<16xf32>,
            %gather3A_392 = tpu.vector_load_idx %arg13[%get3A_265] : memref<10000xf32, #tpu.memory_space<vmem>>[vector<16xi32>], vector<16xf32>,
            %gt3A_393 = arith.cmpf ogt, %gather3A_392, %gather3A_391 : vector<16xf32>
            %while3A_394 = scf.while (%while3A_395 = %gt3A_393) : (vector<16xi1>) -> vector<16xi1> {
              %reduce_or3A_396 = arith.constant 1.000000e+00 : f32
              %reduce_or3A_397 = arith.constant 0.000000e+00 : f32
              %reduce_or3A_398 = vector.broadcast %reduce_or3A_396 : f32 to vector<16xf32>
              %reduce_or3A_399 = vector.broadcast %reduce_or3A_397 : f32 to vector<16xf32>
              %reduce_or3A_400 = arith.select %while3A_395, %reduce_or3A_398, %reduce_or3A_399 : vector<16xi1>, vector<16xf32>
              %reduce_or3A_401 = arith.constant true
              %reduce_or3A_402 = vector.broadcast %reduce_or3A_401 : i1 to vector<16xi1>
              %reduce_or3A_403 = tpu.scan <max>, %reduce_or3A_400 masked %reduce_or3A_402 : vector<16xf32>, vector<16xi1> -> vector<16xf32>
              %reduce_or3A_404 = vector.extract %reduce_or3A_403[15] : f32 from vector<16xf32>
              %reduce_or3A_405 = arith.constant 0.000000e+00 : f32
              %reduce_or3A_406 = arith.cmpf ogt, %reduce_or3A_404, %reduce_or3A_405 : f32
              scf.condition(%reduce_or3A_406) %while3A_395 : vector<16xi1>
            } do {
            ^bb0(%while3A_395: vector<16xi1>):
              %gather3A_396 = tpu.vector_load_idx %arg13[%get3A_265] : memref<10000xf32, #tpu.memory_space<vmem>>[vector<16xi32>], vector<16xf32>,
              %min3A_397 = arith.minimumf %gather3A_391, %gather3A_396 : vector<16xf32>
              tpu.vector_store_idx %arg13[%get3A_265], %min3A_397 masked %while3A_395 : memref<10000xf32, #tpu.memory_space<vmem>>[vector<16xi32>], vector<16xf32>, vector<16xi1>
              %gather3A_398 = tpu.vector_load_idx %arg13[%get3A_265] : memref<10000xf32, #tpu.memory_space<vmem>>[vector<16xi32>], vector<16xf32>,
              %gt3A_399 = arith.cmpf ogt, %gather3A_398, %gather3A_391 : vector<16xf32>
              %and3A_400 = arith.andi %while3A_395, %gt3A_399 : vector<16xi1>
              scf.yield %and3A_400 : vector<16xi1>
            }
          } else {
          }
          %convert_element_type3A_377 = arith.extui %reduce_or3A_345 : i1 to i32
          %cond3A_378 = arith.constant 0 : i32
          %cond3A_379 = arith.cmpi ne, %convert_element_type3A_377, %cond3A_378 : i32
          scf.if %cond3A_379 {
            %gather3A_380 = tpu.vector_load_idx %arg6[%get3A_312] : memref<10000xf32, #tpu.memory_space<vmem>>[vector<16xi32>], vector<16xf32>,
            %gather3A_381 = tpu.vector_load_idx %arg10[%get3A_316] : memref<10000xf32, #tpu.memory_space<vmem>>[vector<16xi32>], vector<16xf32>,
            %gt3A_382 = arith.cmpf ogt, %gather3A_381, %gather3A_380 : vector<16xf32>
            %while3A = scf.while (%while3A_395 = %gt3A_382) : (vector<16xi1>) -> vector<16xi1> {
              %reduce_or3A_396 = arith.constant 1.000000e+00 : f32
              %reduce_or3A_397 = arith.constant 0.000000e+00 : f32
              %reduce_or3A_398 = vector.broadcast %reduce_or3A_396 : f32 to vector<16xf32>
              %reduce_or3A_399 = vector.broadcast %reduce_or3A_397 : f32 to vector<16xf32>
              %reduce_or3A_400 = arith.select %while3A_395, %reduce_or3A_398, %reduce_or3A_399 : vector<16xi1>, vector<16xf32>
              %reduce_or3A_401 = arith.constant true
              %reduce_or3A_402 = vector.broadcast %reduce_or3A_401 : i1 to vector<16xi1>
              %reduce_or3A_403 = tpu.scan <max>, %reduce_or3A_400 masked %reduce_or3A_402 : vector<16xf32>, vector<16xi1> -> vector<16xf32>
              %reduce_or3A_404 = vector.extract %reduce_or3A_403[15] : f32 from vector<16xf32>
              %reduce_or3A_405 = arith.constant 0.000000e+00 : f32
              %reduce_or3A_406 = arith.cmpf ogt, %reduce_or3A_404, %reduce_or3A_405 : f32
              scf.condition(%reduce_or3A_406) %while3A_395 : vector<16xi1>
            } do {
            ^bb0(%while3A_395: vector<16xi1>):
              %gather3A_396 = tpu.vector_load_idx %arg10[%get3A_316] : memref<10000xf32, #tpu.memory_space<vmem>>[vector<16xi32>], vector<16xf32>,
              %min3A_397 = arith.minimumf %gather3A_380, %gather3A_396 : vector<16xf32>
              tpu.vector_store_idx %arg10[%get3A_316], %min3A_397 masked %while3A_395 : memref<10000xf32, #tpu.memory_space<vmem>>[vector<16xi32>], vector<16xf32>, vector<16xi1>
              %gather3A_398 = tpu.vector_load_idx %arg10[%get3A_316] : memref<10000xf32, #tpu.memory_space<vmem>>[vector<16xi32>], vector<16xf32>,
              %gt3A_399 = arith.cmpf ogt, %gather3A_398, %gather3A_380 : vector<16xf32>
              %and3A_400 = arith.andi %while3A_395, %gt3A_399 : vector<16xi1>
              scf.yield %and3A_400 : vector<16xi1>
            }
            %gather3A_383 = tpu.vector_load_idx %arg7[%get3A_312] : memref<10000xf32, #tpu.memory_space<vmem>>[vector<16xi32>], vector<16xf32>,
            %gather3A_384 = tpu.vector_load_idx %arg11[%get3A_316] : memref<10000xf32, #tpu.memory_space<vmem>>[vector<16xi32>], vector<16xf32>,
            %gt3A_385 = arith.cmpf ogt, %gather3A_384, %gather3A_383 : vector<16xf32>
            %while3A_386 = scf.while (%while3A_395 = %gt3A_385) : (vector<16xi1>) -> vector<16xi1> {
              %reduce_or3A_396 = arith.constant 1.000000e+00 : f32
              %reduce_or3A_397 = arith.constant 0.000000e+00 : f32
              %reduce_or3A_398 = vector.broadcast %reduce_or3A_396 : f32 to vector<16xf32>
              %reduce_or3A_399 = vector.broadcast %reduce_or3A_397 : f32 to vector<16xf32>
              %reduce_or3A_400 = arith.select %while3A_395, %reduce_or3A_398, %reduce_or3A_399 : vector<16xi1>, vector<16xf32>
              %reduce_or3A_401 = arith.constant true
              %reduce_or3A_402 = vector.broadcast %reduce_or3A_401 : i1 to vector<16xi1>
              %reduce_or3A_403 = tpu.scan <max>, %reduce_or3A_400 masked %reduce_or3A_402 : vector<16xf32>, vector<16xi1> -> vector<16xf32>
              %reduce_or3A_404 = vector.extract %reduce_or3A_403[15] : f32 from vector<16xf32>
              %reduce_or3A_405 = arith.constant 0.000000e+00 : f32
              %reduce_or3A_406 = arith.cmpf ogt, %reduce_or3A_404, %reduce_or3A_405 : f32
              scf.condition(%reduce_or3A_406) %while3A_395 : vector<16xi1>
            } do {
            ^bb0(%while3A_395: vector<16xi1>):
              %gather3A_396 = tpu.vector_load_idx %arg11[%get3A_316] : memref<10000xf32, #tpu.memory_space<vmem>>[vector<16xi32>], vector<16xf32>,
              %min3A_397 = arith.minimumf %gather3A_383, %gather3A_396 : vector<16xf32>
              tpu.vector_store_idx %arg11[%get3A_316], %min3A_397 masked %while3A_395 : memref<10000xf32, #tpu.memory_space<vmem>>[vector<16xi32>], vector<16xf32>, vector<16xi1>
              %gather3A_398 = tpu.vector_load_idx %arg11[%get3A_316] : memref<10000xf32, #tpu.memory_space<vmem>>[vector<16xi32>], vector<16xf32>,
              %gt3A_399 = arith.cmpf ogt, %gather3A_398, %gather3A_383 : vector<16xf32>
              %and3A_400 = arith.andi %while3A_395, %gt3A_399 : vector<16xi1>
              scf.yield %and3A_400 : vector<16xi1>
            }
            %gather3A_387 = tpu.vector_load_idx %arg8[%get3A_312] : memref<10000xf32, #tpu.memory_space<vmem>>[vector<16xi32>], vector<16xf32>,
            %gather3A_388 = tpu.vector_load_idx %arg12[%get3A_316] : memref<10000xf32, #tpu.memory_space<vmem>>[vector<16xi32>], vector<16xf32>,
            %gt3A_389 = arith.cmpf ogt, %gather3A_388, %gather3A_387 : vector<16xf32>
            %while3A_390 = scf.while (%while3A_395 = %gt3A_389) : (vector<16xi1>) -> vector<16xi1> {
              %reduce_or3A_396 = arith.constant 1.000000e+00 : f32
              %reduce_or3A_397 = arith.constant 0.000000e+00 : f32
              %reduce_or3A_398 = vector.broadcast %reduce_or3A_396 : f32 to vector<16xf32>
              %reduce_or3A_399 = vector.broadcast %reduce_or3A_397 : f32 to vector<16xf32>
              %reduce_or3A_400 = arith.select %while3A_395, %reduce_or3A_398, %reduce_or3A_399 : vector<16xi1>, vector<16xf32>
              %reduce_or3A_401 = arith.constant true
              %reduce_or3A_402 = vector.broadcast %reduce_or3A_401 : i1 to vector<16xi1>
              %reduce_or3A_403 = tpu.scan <max>, %reduce_or3A_400 masked %reduce_or3A_402 : vector<16xf32>, vector<16xi1> -> vector<16xf32>
              %reduce_or3A_404 = vector.extract %reduce_or3A_403[15] : f32 from vector<16xf32>
              %reduce_or3A_405 = arith.constant 0.000000e+00 : f32
              %reduce_or3A_406 = arith.cmpf ogt, %reduce_or3A_404, %reduce_or3A_405 : f32
              scf.condition(%reduce_or3A_406) %while3A_395 : vector<16xi1>
            } do {
            ^bb0(%while3A_395: vector<16xi1>):
              %gather3A_396 = tpu.vector_load_idx %arg12[%get3A_316] : memref<10000xf32, #tpu.memory_space<vmem>>[vector<16xi32>], vector<16xf32>,
              %min3A_397 = arith.minimumf %gather3A_387, %gather3A_396 : vector<16xf32>
              tpu.vector_store_idx %arg12[%get3A_316], %min3A_397 masked %while3A_395 : memref<10000xf32, #tpu.memory_space<vmem>>[vector<16xi32>], vector<16xf32>, vector<16xi1>
              %gather3A_398 = tpu.vector_load_idx %arg12[%get3A_316] : memref<10000xf32, #tpu.memory_space<vmem>>[vector<16xi32>], vector<16xf32>,
              %gt3A_399 = arith.cmpf ogt, %gather3A_398, %gather3A_387 : vector<16xf32>
              %and3A_400 = arith.andi %while3A_395, %gt3A_399 : vector<16xi1>
              scf.yield %and3A_400 : vector<16xi1>
            }
            %gather3A_391 = tpu.vector_load_idx %arg9[%get3A_312] : memref<10000xf32, #tpu.memory_space<vmem>>[vector<16xi32>], vector<16xf32>,
            %gather3A_392 = tpu.vector_load_idx %arg13[%get3A_316] : memref<10000xf32, #tpu.memory_space<vmem>>[vector<16xi32>], vector<16xf32>,
            %gt3A_393 = arith.cmpf ogt, %gather3A_392, %gather3A_391 : vector<16xf32>
            %while3A_394 = scf.while (%while3A_395 = %gt3A_393) : (vector<16xi1>) -> vector<16xi1> {
              %reduce_or3A_396 = arith.constant 1.000000e+00 : f32
              %reduce_or3A_397 = arith.constant 0.000000e+00 : f32
              %reduce_or3A_398 = vector.broadcast %reduce_or3A_396 : f32 to vector<16xf32>
              %reduce_or3A_399 = vector.broadcast %reduce_or3A_397 : f32 to vector<16xf32>
              %reduce_or3A_400 = arith.select %while3A_395, %reduce_or3A_398, %reduce_or3A_399 : vector<16xi1>, vector<16xf32>
              %reduce_or3A_401 = arith.constant true
              %reduce_or3A_402 = vector.broadcast %reduce_or3A_401 : i1 to vector<16xi1>
              %reduce_or3A_403 = tpu.scan <max>, %reduce_or3A_400 masked %reduce_or3A_402 : vector<16xf32>, vector<16xi1> -> vector<16xf32>
              %reduce_or3A_404 = vector.extract %reduce_or3A_403[15] : f32 from vector<16xf32>
              %reduce_or3A_405 = arith.constant 0.000000e+00 : f32
              %reduce_or3A_406 = arith.cmpf ogt, %reduce_or3A_404, %reduce_or3A_405 : f32
              scf.condition(%reduce_or3A_406) %while3A_395 : vector<16xi1>
            } do {
            ^bb0(%while3A_395: vector<16xi1>):
              %gather3A_396 = tpu.vector_load_idx %arg13[%get3A_316] : memref<10000xf32, #tpu.memory_space<vmem>>[vector<16xi32>], vector<16xf32>,
              %min3A_397 = arith.minimumf %gather3A_391, %gather3A_396 : vector<16xf32>
              tpu.vector_store_idx %arg13[%get3A_316], %min3A_397 masked %while3A_395 : memref<10000xf32, #tpu.memory_space<vmem>>[vector<16xi32>], vector<16xf32>, vector<16xi1>
              %gather3A_398 = tpu.vector_load_idx %arg13[%get3A_316] : memref<10000xf32, #tpu.memory_space<vmem>>[vector<16xi32>], vector<16xf32>,
              %gt3A_399 = arith.cmpf ogt, %gather3A_398, %gather3A_391 : vector<16xf32>
              %and3A_400 = arith.andi %while3A_395, %gt3A_399 : vector<16xi1>
              scf.yield %and3A_400 : vector<16xi1>
            }
          } else {
          }
        } else {
        }
        %scan3A_364 = arith.constant 0 : i32
        scf.yield %scan3A_364 : i32
      }
      %scan3A_81 = arith.constant 25 : i32
      %add3A_82 = arith.constant 2 : i32
      %add3A_83 = arith.addi %mul3A_67, %add3A_82 : i32
      %lt3A = arith.constant 160 : i32
      %lt3A_84 = arith.cmpi slt, %add3A_83, %lt3A : i32
      %convert_element_type3A = arith.extui %lt3A_84 : i1 to i32
      %cond3A = arith.constant 0 : i32
      %cond3A_85 = arith.cmpi ne, %convert_element_type3A, %cond3A : i32
      scf.if %cond3A_85 {
        %add3A_109 = arith.constant 2 : i32
        %add3A_110 = arith.addi %mul3A_67, %add3A_109 : i32
        %mul3A_111 = arith.constant 2000 : i32
        %mul3A_112 = arith.muli %add3A_110, %mul3A_111 : i32
        %dma_start3A_113 = tpu.memref_slice %arg3[%mul3A_112] : memref<320000xi32, #tpu.memory_space<hbm>> -> memref<2000xi32, #tpu.memory_space<hbm>>
        %dma_start3A_114 = tpu.memref_slice %arg3[%mul3A_112] : memref<320000xi32, #tpu.memory_space<hbm>> -> memref<2000xi32, #tpu.memory_space<hbm>>
        tpu.enqueue_dma source(%dma_start3A_114 : memref<2000xi32, #tpu.memory_space<hbm>>) target(%arg14 : memref<2000xi32, #tpu.memory_space<vmem>>) target_semaphore(%arg18 : memref<!tpu.dma_semaphore, #tpu.memory_space<semaphore_mem>>)
        %dma_start3A_115 = tpu.memref_slice %arg4[%mul3A_112] : memref<320000xi32, #tpu.memory_space<hbm>> -> memref<2000xi32, #tpu.memory_space<hbm>>
        %dma_start3A_116 = tpu.memref_slice %arg4[%mul3A_112] : memref<320000xi32, #tpu.memory_space<hbm>> -> memref<2000xi32, #tpu.memory_space<hbm>>
        tpu.enqueue_dma source(%dma_start3A_116 : memref<2000xi32, #tpu.memory_space<hbm>>) target(%arg15 : memref<2000xi32, #tpu.memory_space<vmem>>) target_semaphore(%arg19 : memref<!tpu.dma_semaphore, #tpu.memory_space<semaphore_mem>>)
      } else {
      }
      %dma_wait3A_86 = arith.constant 0 : i32
      %dma_wait3A_87 = tpu.memref_slice %arg3[%dma_wait3A_86] : memref<320000xi32, #tpu.memory_space<hbm>> -> memref<2000xi32, #tpu.memory_space<hbm>>
      %dma_wait3A_88 = arith.constant 0 : i32
      %dma_wait3A_89 = tpu.memref_slice %arg3[%dma_wait3A_88] : memref<320000xi32, #tpu.memory_space<hbm>> -> memref<2000xi32, #tpu.memory_space<hbm>>
      tpu.wait_dma2 semaphore(%arg20 : memref<!tpu.dma_semaphore, #tpu.memory_space<semaphore_mem>>) src(%dma_wait3A_89 : memref<2000xi32, #tpu.memory_space<hbm>>) dst(%arg16 : memref<2000xi32, #tpu.memory_space<vmem>>)
      %dma_wait3A_90 = arith.constant 0 : i32
      %dma_wait3A_91 = tpu.memref_slice %arg4[%dma_wait3A_90] : memref<320000xi32, #tpu.memory_space<hbm>> -> memref<2000xi32, #tpu.memory_space<hbm>>
      %dma_wait3A_92 = arith.constant 0 : i32
      %dma_wait3A_93 = tpu.memref_slice %arg4[%dma_wait3A_92] : memref<320000xi32, #tpu.memory_space<hbm>> -> memref<2000xi32, #tpu.memory_space<hbm>>
      tpu.wait_dma2 semaphore(%arg21 : memref<!tpu.dma_semaphore, #tpu.memory_space<semaphore_mem>>) src(%dma_wait3A_93 : memref<2000xi32, #tpu.memory_space<hbm>>) dst(%arg17 : memref<2000xi32, #tpu.memory_space<vmem>>)
      %scan3A_94 = arith.constant 0 : i32
      %scan3A_95 = arith.constant 0 : i32
      %scan3A_96 = arith.constant 25 : i32
      %scan3A_97 = arith.addi %scan3A_95, %scan3A_96 : i32
      %scan3A_98 = arith.constant 1 : i32
      %scan3A_99 = scf.for %scan3A_109 = %scan3A_95 to %scan3A_97 step %scan3A_98 iter_args(%scan3A_110 = %scan3A_94) -> (i32)  : i32 {
        %mul3A_111 = arith.constant 5 : i32
        %mul3A_112 = arith.muli %scan3A_109, %mul3A_111 : i32
        %add3A_113 = arith.constant 0 : i32
        %add3A_114 = arith.addi %mul3A_112, %add3A_113 : i32
        %mul3A_115 = arith.constant 16 : i32
        %mul3A_116 = arith.muli %add3A_114, %mul3A_115 : i32
        %get3A = arith.index_cast %mul3A_116 : i32 to index
        %get3A_117 = tpu.vector_load %arg16[%get3A] {strides = array<i32>} : memref<2000xi32, #tpu.memory_space<vmem>>, vector<16xi32>,
        %mul3A_118 = arith.constant 16 : i32
        %mul3A_119 = arith.muli %add3A_114, %mul3A_118 : i32
        %get3A_120 = arith.index_cast %mul3A_119 : i32 to index
        %get3A_121 = tpu.vector_load %arg17[%get3A_120] {strides = array<i32>} : memref<2000xi32, #tpu.memory_space<vmem>>, vector<16xi32>,
        %sort3A = arith.constant dense<true> : vector<16xi1>
        %sort3A_122, %sort3A_123, %sort3A_124 = tpu.sort %get3A_121, %get3A_121 masked %sort3A : (vector<16xi32>, vector<16xi32>, vector<16xi1>) -> (vector<16xi1>, vector<16xi32>, vector<16xi32>)
        %sub3A = arith.constant 1 : i32
        %sub3A_125 = vector.broadcast %sub3A : i32 to vector<16xi32>
        %sub3A_126 = arith.subi %iota3A, %sub3A_125 : vector<16xi32>
        %max3A = arith.constant 0 : i32
        %max3A_127 = vector.broadcast %max3A : i32 to vector<16xi32>
        %max3A_128 = arith.maxsi %sub3A_126, %max3A_127 : vector<16xi32>
        %broadcast_in_dim3A_129 = vector.shape_cast %max3A_128 : vector<16xi32> to vector<16x1xi32>
        %gather3A = vector.shape_cast %broadcast_in_dim3A_129 : vector<16x1xi32> to vector<16xi32>
        %gather3A_130 = tpu.dynamic_gather %sort3A_123[%gather3A] in [0] : vector<16xi32>, vector<16xi32> -> vector<16xi32>
        %eq3A = arith.cmpi eq, %sort3A_123, %gather3A_130 : vector<16xi32>
        %gt3A = arith.constant 0 : i32
        %gt3A_131 = vector.broadcast %gt3A : i32 to vector<16xi32>
        %gt3A_132 = arith.cmpi sgt, %iota3A, %gt3A_131 : vector<16xi32>
        %and3A = arith.andi %eq3A, %gt3A_132 : vector<16xi1>
        %reduce_or3A = arith.constant 1.000000e+00 : f32
        %reduce_or3A_133 = arith.constant 0.000000e+00 : f32
        %reduce_or3A_134 = vector.broadcast %reduce_or3A : f32 to vector<16xf32>
        %reduce_or3A_135 = vector.broadcast %reduce_or3A_133 : f32 to vector<16xf32>
        %reduce_or3A_136 = arith.select %and3A, %reduce_or3A_134, %reduce_or3A_135 : vector<16xi1>, vector<16xf32>
        %reduce_or3A_137 = arith.constant true
        %reduce_or3A_138 = vector.broadcast %reduce_or3A_137 : i1 to vector<16xi1>
        %reduce_or3A_139 = tpu.scan <max>, %reduce_or3A_136 masked %reduce_or3A_138 : vector<16xf32>, vector<16xi1> -> vector<16xf32>
        %reduce_or3A_140 = vector.extract %reduce_or3A_139[15] : f32 from vector<16xf32>
        %reduce_or3A_141 = arith.constant 0.000000e+00 : f32
        %reduce_or3A_142 = arith.cmpf ogt, %reduce_or3A_140, %reduce_or3A_141 : f32
        %gather3A_143 = tpu.vector_load_idx %arg6[%get3A_117] : memref<10000xf32, #tpu.memory_space<vmem>>[vector<16xi32>], vector<16xf32>,
        %gather3A_144 = tpu.vector_load_idx %arg10[%get3A_121] : memref<10000xf32, #tpu.memory_space<vmem>>[vector<16xi32>], vector<16xf32>,
        %min3A = arith.minimumf %gather3A_143, %gather3A_144 : vector<16xf32>
        tpu.vector_store_idx %arg10[%get3A_121], %min3A : memref<10000xf32, #tpu.memory_space<vmem>>[vector<16xi32>], vector<16xf32>,
        %gather3A_145 = tpu.vector_load_idx %arg7[%get3A_117] : memref<10000xf32, #tpu.memory_space<vmem>>[vector<16xi32>], vector<16xf32>,
        %gather3A_146 = tpu.vector_load_idx %arg11[%get3A_121] : memref<10000xf32, #tpu.memory_space<vmem>>[vector<16xi32>], vector<16xf32>,
        %min3A_147 = arith.minimumf %gather3A_145, %gather3A_146 : vector<16xf32>
        tpu.vector_store_idx %arg11[%get3A_121], %min3A_147 : memref<10000xf32, #tpu.memory_space<vmem>>[vector<16xi32>], vector<16xf32>,
        %gather3A_148 = tpu.vector_load_idx %arg8[%get3A_117] : memref<10000xf32, #tpu.memory_space<vmem>>[vector<16xi32>], vector<16xf32>,
        %gather3A_149 = tpu.vector_load_idx %arg12[%get3A_121] : memref<10000xf32, #tpu.memory_space<vmem>>[vector<16xi32>], vector<16xf32>,
        %min3A_150 = arith.minimumf %gather3A_148, %gather3A_149 : vector<16xf32>
        tpu.vector_store_idx %arg12[%get3A_121], %min3A_150 : memref<10000xf32, #tpu.memory_space<vmem>>[vector<16xi32>], vector<16xf32>,
        %gather3A_151 = tpu.vector_load_idx %arg9[%get3A_117] : memref<10000xf32, #tpu.memory_space<vmem>>[vector<16xi32>], vector<16xf32>,
        %gather3A_152 = tpu.vector_load_idx %arg13[%get3A_121] : memref<10000xf32, #tpu.memory_space<vmem>>[vector<16xi32>], vector<16xf32>,
        %min3A_153 = arith.minimumf %gather3A_151, %gather3A_152 : vector<16xf32>
        tpu.vector_store_idx %arg13[%get3A_121], %min3A_153 : memref<10000xf32, #tpu.memory_space<vmem>>[vector<16xi32>], vector<16xf32>,
        %add3A_154 = arith.constant 1 : i32
        %add3A_155 = arith.addi %mul3A_112, %add3A_154 : i32
        %mul3A_156 = arith.constant 16 : i32
        %mul3A_157 = arith.muli %add3A_155, %mul3A_156 : i32
        %get3A_158 = arith.index_cast %mul3A_157 : i32 to index
        %get3A_159 = tpu.vector_load %arg16[%get3A_158] {strides = array<i32>} : memref<2000xi32, #tpu.memory_space<vmem>>, vector<16xi32>,
        %mul3A_160 = arith.constant 16 : i32
        %mul3A_161 = arith.muli %add3A_155, %mul3A_160 : i32
        %get3A_162 = arith.index_cast %mul3A_161 : i32 to index
        %get3A_163 = tpu.vector_load %arg17[%get3A_162] {strides = array<i32>} : memref<2000xi32, #tpu.memory_space<vmem>>, vector<16xi32>,
        %sort3A_164 = arith.constant dense<true> : vector<16xi1>
        %sort3A_165, %sort3A_166, %sort3A_167 = tpu.sort %get3A_163, %get3A_163 masked %sort3A_164 : (vector<16xi32>, vector<16xi32>, vector<16xi1>) -> (vector<16xi1>, vector<16xi32>, vector<16xi32>)
        %sub3A_168 = arith.constant 1 : i32
        %sub3A_169 = vector.broadcast %sub3A_168 : i32 to vector<16xi32>
        %sub3A_170 = arith.subi %iota3A, %sub3A_169 : vector<16xi32>
        %max3A_171 = arith.constant 0 : i32
        %max3A_172 = vector.broadcast %max3A_171 : i32 to vector<16xi32>
        %max3A_173 = arith.maxsi %sub3A_170, %max3A_172 : vector<16xi32>
        %broadcast_in_dim3A_174 = vector.shape_cast %max3A_173 : vector<16xi32> to vector<16x1xi32>
        %gather3A_175 = vector.shape_cast %broadcast_in_dim3A_174 : vector<16x1xi32> to vector<16xi32>
        %gather3A_176 = tpu.dynamic_gather %sort3A_166[%gather3A_175] in [0] : vector<16xi32>, vector<16xi32> -> vector<16xi32>
        %eq3A_177 = arith.cmpi eq, %sort3A_166, %gather3A_176 : vector<16xi32>
        %gt3A_178 = arith.constant 0 : i32
        %gt3A_179 = vector.broadcast %gt3A_178 : i32 to vector<16xi32>
        %gt3A_180 = arith.cmpi sgt, %iota3A, %gt3A_179 : vector<16xi32>
        %and3A_181 = arith.andi %eq3A_177, %gt3A_180 : vector<16xi1>
        %reduce_or3A_182 = arith.constant 1.000000e+00 : f32
        %reduce_or3A_183 = arith.constant 0.000000e+00 : f32
        %reduce_or3A_184 = vector.broadcast %reduce_or3A_182 : f32 to vector<16xf32>
        %reduce_or3A_185 = vector.broadcast %reduce_or3A_183 : f32 to vector<16xf32>
        %reduce_or3A_186 = arith.select %and3A_181, %reduce_or3A_184, %reduce_or3A_185 : vector<16xi1>, vector<16xf32>
        %reduce_or3A_187 = arith.constant true
        %reduce_or3A_188 = vector.broadcast %reduce_or3A_187 : i1 to vector<16xi1>
        %reduce_or3A_189 = tpu.scan <max>, %reduce_or3A_186 masked %reduce_or3A_188 : vector<16xf32>, vector<16xi1> -> vector<16xf32>
        %reduce_or3A_190 = vector.extract %reduce_or3A_189[15] : f32 from vector<16xf32>
        %reduce_or3A_191 = arith.constant 0.000000e+00 : f32
        %reduce_or3A_192 = arith.cmpf ogt, %reduce_or3A_190, %reduce_or3A_191 : f32
        %gather3A_193 = tpu.vector_load_idx %arg6[%get3A_159] : memref<10000xf32, #tpu.memory_space<vmem>>[vector<16xi32>], vector<16xf32>,
        %gather3A_194 = tpu.vector_load_idx %arg10[%get3A_163] : memref<10000xf32, #tpu.memory_space<vmem>>[vector<16xi32>], vector<16xf32>,
        %min3A_195 = arith.minimumf %gather3A_193, %gather3A_194 : vector<16xf32>
        tpu.vector_store_idx %arg10[%get3A_163], %min3A_195 : memref<10000xf32, #tpu.memory_space<vmem>>[vector<16xi32>], vector<16xf32>,
        %gather3A_196 = tpu.vector_load_idx %arg7[%get3A_159] : memref<10000xf32, #tpu.memory_space<vmem>>[vector<16xi32>], vector<16xf32>,
        %gather3A_197 = tpu.vector_load_idx %arg11[%get3A_163] : memref<10000xf32, #tpu.memory_space<vmem>>[vector<16xi32>], vector<16xf32>,
        %min3A_198 = arith.minimumf %gather3A_196, %gather3A_197 : vector<16xf32>
        tpu.vector_store_idx %arg11[%get3A_163], %min3A_198 : memref<10000xf32, #tpu.memory_space<vmem>>[vector<16xi32>], vector<16xf32>,
        %gather3A_199 = tpu.vector_load_idx %arg8[%get3A_159] : memref<10000xf32, #tpu.memory_space<vmem>>[vector<16xi32>], vector<16xf32>,
        %gather3A_200 = tpu.vector_load_idx %arg12[%get3A_163] : memref<10000xf32, #tpu.memory_space<vmem>>[vector<16xi32>], vector<16xf32>,
        %min3A_201 = arith.minimumf %gather3A_199, %gather3A_200 : vector<16xf32>
        tpu.vector_store_idx %arg12[%get3A_163], %min3A_201 : memref<10000xf32, #tpu.memory_space<vmem>>[vector<16xi32>], vector<16xf32>,
        %gather3A_202 = tpu.vector_load_idx %arg9[%get3A_159] : memref<10000xf32, #tpu.memory_space<vmem>>[vector<16xi32>], vector<16xf32>,
        %gather3A_203 = tpu.vector_load_idx %arg13[%get3A_163] : memref<10000xf32, #tpu.memory_space<vmem>>[vector<16xi32>], vector<16xf32>,
        %min3A_204 = arith.minimumf %gather3A_202, %gather3A_203 : vector<16xf32>
        tpu.vector_store_idx %arg13[%get3A_163], %min3A_204 : memref<10000xf32, #tpu.memory_space<vmem>>[vector<16xi32>], vector<16xf32>,
        %add3A_205 = arith.constant 2 : i32
        %add3A_206 = arith.addi %mul3A_112, %add3A_205 : i32
        %mul3A_207 = arith.constant 16 : i32
        %mul3A_208 = arith.muli %add3A_206, %mul3A_207 : i32
        %get3A_209 = arith.index_cast %mul3A_208 : i32 to index
        %get3A_210 = tpu.vector_load %arg16[%get3A_209] {strides = array<i32>} : memref<2000xi32, #tpu.memory_space<vmem>>, vector<16xi32>,
        %mul3A_211 = arith.constant 16 : i32
        %mul3A_212 = arith.muli %add3A_206, %mul3A_211 : i32
        %get3A_213 = arith.index_cast %mul3A_212 : i32 to index
        %get3A_214 = tpu.vector_load %arg17[%get3A_213] {strides = array<i32>} : memref<2000xi32, #tpu.memory_space<vmem>>, vector<16xi32>,
        %sort3A_215 = arith.constant dense<true> : vector<16xi1>
        %sort3A_216, %sort3A_217, %sort3A_218 = tpu.sort %get3A_214, %get3A_214 masked %sort3A_215 : (vector<16xi32>, vector<16xi32>, vector<16xi1>) -> (vector<16xi1>, vector<16xi32>, vector<16xi32>)
        %sub3A_219 = arith.constant 1 : i32
        %sub3A_220 = vector.broadcast %sub3A_219 : i32 to vector<16xi32>
        %sub3A_221 = arith.subi %iota3A, %sub3A_220 : vector<16xi32>
        %max3A_222 = arith.constant 0 : i32
        %max3A_223 = vector.broadcast %max3A_222 : i32 to vector<16xi32>
        %max3A_224 = arith.maxsi %sub3A_221, %max3A_223 : vector<16xi32>
        %broadcast_in_dim3A_225 = vector.shape_cast %max3A_224 : vector<16xi32> to vector<16x1xi32>
        %gather3A_226 = vector.shape_cast %broadcast_in_dim3A_225 : vector<16x1xi32> to vector<16xi32>
        %gather3A_227 = tpu.dynamic_gather %sort3A_217[%gather3A_226] in [0] : vector<16xi32>, vector<16xi32> -> vector<16xi32>
        %eq3A_228 = arith.cmpi eq, %sort3A_217, %gather3A_227 : vector<16xi32>
        %gt3A_229 = arith.constant 0 : i32
        %gt3A_230 = vector.broadcast %gt3A_229 : i32 to vector<16xi32>
        %gt3A_231 = arith.cmpi sgt, %iota3A, %gt3A_230 : vector<16xi32>
        %and3A_232 = arith.andi %eq3A_228, %gt3A_231 : vector<16xi1>
        %reduce_or3A_233 = arith.constant 1.000000e+00 : f32
        %reduce_or3A_234 = arith.constant 0.000000e+00 : f32
        %reduce_or3A_235 = vector.broadcast %reduce_or3A_233 : f32 to vector<16xf32>
        %reduce_or3A_236 = vector.broadcast %reduce_or3A_234 : f32 to vector<16xf32>
        %reduce_or3A_237 = arith.select %and3A_232, %reduce_or3A_235, %reduce_or3A_236 : vector<16xi1>, vector<16xf32>
        %reduce_or3A_238 = arith.constant true
        %reduce_or3A_239 = vector.broadcast %reduce_or3A_238 : i1 to vector<16xi1>
        %reduce_or3A_240 = tpu.scan <max>, %reduce_or3A_237 masked %reduce_or3A_239 : vector<16xf32>, vector<16xi1> -> vector<16xf32>
        %reduce_or3A_241 = vector.extract %reduce_or3A_240[15] : f32 from vector<16xf32>
        %reduce_or3A_242 = arith.constant 0.000000e+00 : f32
        %reduce_or3A_243 = arith.cmpf ogt, %reduce_or3A_241, %reduce_or3A_242 : f32
        %gather3A_244 = tpu.vector_load_idx %arg6[%get3A_210] : memref<10000xf32, #tpu.memory_space<vmem>>[vector<16xi32>], vector<16xf32>,
        %gather3A_245 = tpu.vector_load_idx %arg10[%get3A_214] : memref<10000xf32, #tpu.memory_space<vmem>>[vector<16xi32>], vector<16xf32>,
        %min3A_246 = arith.minimumf %gather3A_244, %gather3A_245 : vector<16xf32>
        tpu.vector_store_idx %arg10[%get3A_214], %min3A_246 : memref<10000xf32, #tpu.memory_space<vmem>>[vector<16xi32>], vector<16xf32>,
        %gather3A_247 = tpu.vector_load_idx %arg7[%get3A_210] : memref<10000xf32, #tpu.memory_space<vmem>>[vector<16xi32>], vector<16xf32>,
        %gather3A_248 = tpu.vector_load_idx %arg11[%get3A_214] : memref<10000xf32, #tpu.memory_space<vmem>>[vector<16xi32>], vector<16xf32>,
        %min3A_249 = arith.minimumf %gather3A_247, %gather3A_248 : vector<16xf32>
        tpu.vector_store_idx %arg11[%get3A_214], %min3A_249 : memref<10000xf32, #tpu.memory_space<vmem>>[vector<16xi32>], vector<16xf32>,
        %gather3A_250 = tpu.vector_load_idx %arg8[%get3A_210] : memref<10000xf32, #tpu.memory_space<vmem>>[vector<16xi32>], vector<16xf32>,
        %gather3A_251 = tpu.vector_load_idx %arg12[%get3A_214] : memref<10000xf32, #tpu.memory_space<vmem>>[vector<16xi32>], vector<16xf32>,
        %min3A_252 = arith.minimumf %gather3A_250, %gather3A_251 : vector<16xf32>
        tpu.vector_store_idx %arg12[%get3A_214], %min3A_252 : memref<10000xf32, #tpu.memory_space<vmem>>[vector<16xi32>], vector<16xf32>,
        %gather3A_253 = tpu.vector_load_idx %arg9[%get3A_210] : memref<10000xf32, #tpu.memory_space<vmem>>[vector<16xi32>], vector<16xf32>,
        %gather3A_254 = tpu.vector_load_idx %arg13[%get3A_214] : memref<10000xf32, #tpu.memory_space<vmem>>[vector<16xi32>], vector<16xf32>,
        %min3A_255 = arith.minimumf %gather3A_253, %gather3A_254 : vector<16xf32>
        tpu.vector_store_idx %arg13[%get3A_214], %min3A_255 : memref<10000xf32, #tpu.memory_space<vmem>>[vector<16xi32>], vector<16xf32>,
        %add3A_256 = arith.constant 3 : i32
        %add3A_257 = arith.addi %mul3A_112, %add3A_256 : i32
        %mul3A_258 = arith.constant 16 : i32
        %mul3A_259 = arith.muli %add3A_257, %mul3A_258 : i32
        %get3A_260 = arith.index_cast %mul3A_259 : i32 to index
        %get3A_261 = tpu.vector_load %arg16[%get3A_260] {strides = array<i32>} : memref<2000xi32, #tpu.memory_space<vmem>>, vector<16xi32>,
        %mul3A_262 = arith.constant 16 : i32
        %mul3A_263 = arith.muli %add3A_257, %mul3A_262 : i32
        %get3A_264 = arith.index_cast %mul3A_263 : i32 to index
        %get3A_265 = tpu.vector_load %arg17[%get3A_264] {strides = array<i32>} : memref<2000xi32, #tpu.memory_space<vmem>>, vector<16xi32>,
        %sort3A_266 = arith.constant dense<true> : vector<16xi1>
        %sort3A_267, %sort3A_268, %sort3A_269 = tpu.sort %get3A_265, %get3A_265 masked %sort3A_266 : (vector<16xi32>, vector<16xi32>, vector<16xi1>) -> (vector<16xi1>, vector<16xi32>, vector<16xi32>)
        %sub3A_270 = arith.constant 1 : i32
        %sub3A_271 = vector.broadcast %sub3A_270 : i32 to vector<16xi32>
        %sub3A_272 = arith.subi %iota3A, %sub3A_271 : vector<16xi32>
        %max3A_273 = arith.constant 0 : i32
        %max3A_274 = vector.broadcast %max3A_273 : i32 to vector<16xi32>
        %max3A_275 = arith.maxsi %sub3A_272, %max3A_274 : vector<16xi32>
        %broadcast_in_dim3A_276 = vector.shape_cast %max3A_275 : vector<16xi32> to vector<16x1xi32>
        %gather3A_277 = vector.shape_cast %broadcast_in_dim3A_276 : vector<16x1xi32> to vector<16xi32>
        %gather3A_278 = tpu.dynamic_gather %sort3A_268[%gather3A_277] in [0] : vector<16xi32>, vector<16xi32> -> vector<16xi32>
        %eq3A_279 = arith.cmpi eq, %sort3A_268, %gather3A_278 : vector<16xi32>
        %gt3A_280 = arith.constant 0 : i32
        %gt3A_281 = vector.broadcast %gt3A_280 : i32 to vector<16xi32>
        %gt3A_282 = arith.cmpi sgt, %iota3A, %gt3A_281 : vector<16xi32>
        %and3A_283 = arith.andi %eq3A_279, %gt3A_282 : vector<16xi1>
        %reduce_or3A_284 = arith.constant 1.000000e+00 : f32
        %reduce_or3A_285 = arith.constant 0.000000e+00 : f32
        %reduce_or3A_286 = vector.broadcast %reduce_or3A_284 : f32 to vector<16xf32>
        %reduce_or3A_287 = vector.broadcast %reduce_or3A_285 : f32 to vector<16xf32>
        %reduce_or3A_288 = arith.select %and3A_283, %reduce_or3A_286, %reduce_or3A_287 : vector<16xi1>, vector<16xf32>
        %reduce_or3A_289 = arith.constant true
        %reduce_or3A_290 = vector.broadcast %reduce_or3A_289 : i1 to vector<16xi1>
        %reduce_or3A_291 = tpu.scan <max>, %reduce_or3A_288 masked %reduce_or3A_290 : vector<16xf32>, vector<16xi1> -> vector<16xf32>
        %reduce_or3A_292 = vector.extract %reduce_or3A_291[15] : f32 from vector<16xf32>
        %reduce_or3A_293 = arith.constant 0.000000e+00 : f32
        %reduce_or3A_294 = arith.cmpf ogt, %reduce_or3A_292, %reduce_or3A_293 : f32
        %gather3A_295 = tpu.vector_load_idx %arg6[%get3A_261] : memref<10000xf32, #tpu.memory_space<vmem>>[vector<16xi32>], vector<16xf32>,
        %gather3A_296 = tpu.vector_load_idx %arg10[%get3A_265] : memref<10000xf32, #tpu.memory_space<vmem>>[vector<16xi32>], vector<16xf32>,
        %min3A_297 = arith.minimumf %gather3A_295, %gather3A_296 : vector<16xf32>
        tpu.vector_store_idx %arg10[%get3A_265], %min3A_297 : memref<10000xf32, #tpu.memory_space<vmem>>[vector<16xi32>], vector<16xf32>,
        %gather3A_298 = tpu.vector_load_idx %arg7[%get3A_261] : memref<10000xf32, #tpu.memory_space<vmem>>[vector<16xi32>], vector<16xf32>,
        %gather3A_299 = tpu.vector_load_idx %arg11[%get3A_265] : memref<10000xf32, #tpu.memory_space<vmem>>[vector<16xi32>], vector<16xf32>,
        %min3A_300 = arith.minimumf %gather3A_298, %gather3A_299 : vector<16xf32>
        tpu.vector_store_idx %arg11[%get3A_265], %min3A_300 : memref<10000xf32, #tpu.memory_space<vmem>>[vector<16xi32>], vector<16xf32>,
        %gather3A_301 = tpu.vector_load_idx %arg8[%get3A_261] : memref<10000xf32, #tpu.memory_space<vmem>>[vector<16xi32>], vector<16xf32>,
        %gather3A_302 = tpu.vector_load_idx %arg12[%get3A_265] : memref<10000xf32, #tpu.memory_space<vmem>>[vector<16xi32>], vector<16xf32>,
        %min3A_303 = arith.minimumf %gather3A_301, %gather3A_302 : vector<16xf32>
        tpu.vector_store_idx %arg12[%get3A_265], %min3A_303 : memref<10000xf32, #tpu.memory_space<vmem>>[vector<16xi32>], vector<16xf32>,
        %gather3A_304 = tpu.vector_load_idx %arg9[%get3A_261] : memref<10000xf32, #tpu.memory_space<vmem>>[vector<16xi32>], vector<16xf32>,
        %gather3A_305 = tpu.vector_load_idx %arg13[%get3A_265] : memref<10000xf32, #tpu.memory_space<vmem>>[vector<16xi32>], vector<16xf32>,
        %min3A_306 = arith.minimumf %gather3A_304, %gather3A_305 : vector<16xf32>
        tpu.vector_store_idx %arg13[%get3A_265], %min3A_306 : memref<10000xf32, #tpu.memory_space<vmem>>[vector<16xi32>], vector<16xf32>,
        %add3A_307 = arith.constant 4 : i32
        %add3A_308 = arith.addi %mul3A_112, %add3A_307 : i32
        %mul3A_309 = arith.constant 16 : i32
        %mul3A_310 = arith.muli %add3A_308, %mul3A_309 : i32
        %get3A_311 = arith.index_cast %mul3A_310 : i32 to index
        %get3A_312 = tpu.vector_load %arg16[%get3A_311] {strides = array<i32>} : memref<2000xi32, #tpu.memory_space<vmem>>, vector<16xi32>,
        %mul3A_313 = arith.constant 16 : i32
        %mul3A_314 = arith.muli %add3A_308, %mul3A_313 : i32
        %get3A_315 = arith.index_cast %mul3A_314 : i32 to index
        %get3A_316 = tpu.vector_load %arg17[%get3A_315] {strides = array<i32>} : memref<2000xi32, #tpu.memory_space<vmem>>, vector<16xi32>,
        %sort3A_317 = arith.constant dense<true> : vector<16xi1>
        %sort3A_318, %sort3A_319, %sort3A_320 = tpu.sort %get3A_316, %get3A_316 masked %sort3A_317 : (vector<16xi32>, vector<16xi32>, vector<16xi1>) -> (vector<16xi1>, vector<16xi32>, vector<16xi32>)
        %sub3A_321 = arith.constant 1 : i32
        %sub3A_322 = vector.broadcast %sub3A_321 : i32 to vector<16xi32>
        %sub3A_323 = arith.subi %iota3A, %sub3A_322 : vector<16xi32>
        %max3A_324 = arith.constant 0 : i32
        %max3A_325 = vector.broadcast %max3A_324 : i32 to vector<16xi32>
        %max3A_326 = arith.maxsi %sub3A_323, %max3A_325 : vector<16xi32>
        %broadcast_in_dim3A_327 = vector.shape_cast %max3A_326 : vector<16xi32> to vector<16x1xi32>
        %gather3A_328 = vector.shape_cast %broadcast_in_dim3A_327 : vector<16x1xi32> to vector<16xi32>
        %gather3A_329 = tpu.dynamic_gather %sort3A_319[%gather3A_328] in [0] : vector<16xi32>, vector<16xi32> -> vector<16xi32>
        %eq3A_330 = arith.cmpi eq, %sort3A_319, %gather3A_329 : vector<16xi32>
        %gt3A_331 = arith.constant 0 : i32
        %gt3A_332 = vector.broadcast %gt3A_331 : i32 to vector<16xi32>
        %gt3A_333 = arith.cmpi sgt, %iota3A, %gt3A_332 : vector<16xi32>
        %and3A_334 = arith.andi %eq3A_330, %gt3A_333 : vector<16xi1>
        %reduce_or3A_335 = arith.constant 1.000000e+00 : f32
        %reduce_or3A_336 = arith.constant 0.000000e+00 : f32
        %reduce_or3A_337 = vector.broadcast %reduce_or3A_335 : f32 to vector<16xf32>
        %reduce_or3A_338 = vector.broadcast %reduce_or3A_336 : f32 to vector<16xf32>
        %reduce_or3A_339 = arith.select %and3A_334, %reduce_or3A_337, %reduce_or3A_338 : vector<16xi1>, vector<16xf32>
        %reduce_or3A_340 = arith.constant true
        %reduce_or3A_341 = vector.broadcast %reduce_or3A_340 : i1 to vector<16xi1>
        %reduce_or3A_342 = tpu.scan <max>, %reduce_or3A_339 masked %reduce_or3A_341 : vector<16xf32>, vector<16xi1> -> vector<16xf32>
        %reduce_or3A_343 = vector.extract %reduce_or3A_342[15] : f32 from vector<16xf32>
        %reduce_or3A_344 = arith.constant 0.000000e+00 : f32
        %reduce_or3A_345 = arith.cmpf ogt, %reduce_or3A_343, %reduce_or3A_344 : f32
        %gather3A_346 = tpu.vector_load_idx %arg6[%get3A_312] : memref<10000xf32, #tpu.memory_space<vmem>>[vector<16xi32>], vector<16xf32>,
        %gather3A_347 = tpu.vector_load_idx %arg10[%get3A_316] : memref<10000xf32, #tpu.memory_space<vmem>>[vector<16xi32>], vector<16xf32>,
        %min3A_348 = arith.minimumf %gather3A_346, %gather3A_347 : vector<16xf32>
        tpu.vector_store_idx %arg10[%get3A_316], %min3A_348 : memref<10000xf32, #tpu.memory_space<vmem>>[vector<16xi32>], vector<16xf32>,
        %gather3A_349 = tpu.vector_load_idx %arg7[%get3A_312] : memref<10000xf32, #tpu.memory_space<vmem>>[vector<16xi32>], vector<16xf32>,
        %gather3A_350 = tpu.vector_load_idx %arg11[%get3A_316] : memref<10000xf32, #tpu.memory_space<vmem>>[vector<16xi32>], vector<16xf32>,
        %min3A_351 = arith.minimumf %gather3A_349, %gather3A_350 : vector<16xf32>
        tpu.vector_store_idx %arg11[%get3A_316], %min3A_351 : memref<10000xf32, #tpu.memory_space<vmem>>[vector<16xi32>], vector<16xf32>,
        %gather3A_352 = tpu.vector_load_idx %arg8[%get3A_312] : memref<10000xf32, #tpu.memory_space<vmem>>[vector<16xi32>], vector<16xf32>,
        %gather3A_353 = tpu.vector_load_idx %arg12[%get3A_316] : memref<10000xf32, #tpu.memory_space<vmem>>[vector<16xi32>], vector<16xf32>,
        %min3A_354 = arith.minimumf %gather3A_352, %gather3A_353 : vector<16xf32>
        tpu.vector_store_idx %arg12[%get3A_316], %min3A_354 : memref<10000xf32, #tpu.memory_space<vmem>>[vector<16xi32>], vector<16xf32>,
        %gather3A_355 = tpu.vector_load_idx %arg9[%get3A_312] : memref<10000xf32, #tpu.memory_space<vmem>>[vector<16xi32>], vector<16xf32>,
        %gather3A_356 = tpu.vector_load_idx %arg13[%get3A_316] : memref<10000xf32, #tpu.memory_space<vmem>>[vector<16xi32>], vector<16xf32>,
        %min3A_357 = arith.minimumf %gather3A_355, %gather3A_356 : vector<16xf32>
        tpu.vector_store_idx %arg13[%get3A_316], %min3A_357 : memref<10000xf32, #tpu.memory_space<vmem>>[vector<16xi32>], vector<16xf32>,
        %or3A = arith.ori %reduce_or3A_142, %reduce_or3A_192 : i1
        %or3A_358 = arith.ori %or3A, %reduce_or3A_243 : i1
        %or3A_359 = arith.ori %or3A_358, %reduce_or3A_294 : i1
        %or3A_360 = arith.ori %or3A_359, %reduce_or3A_345 : i1
        %convert_element_type3A_361 = arith.extui %or3A_360 : i1 to i32
        %cond3A_362 = arith.constant 0 : i32
        %cond3A_363 = arith.cmpi ne, %convert_element_type3A_361, %cond3A_362 : i32
        scf.if %cond3A_363 {
          %convert_element_type3A_365 = arith.extui %reduce_or3A_142 : i1 to i32
          %cond3A_366 = arith.constant 0 : i32
          %cond3A_367 = arith.cmpi ne, %convert_element_type3A_365, %cond3A_366 : i32
          scf.if %cond3A_367 {
            %gather3A_380 = tpu.vector_load_idx %arg6[%get3A_117] : memref<10000xf32, #tpu.memory_space<vmem>>[vector<16xi32>], vector<16xf32>,
            %gather3A_381 = tpu.vector_load_idx %arg10[%get3A_121] : memref<10000xf32, #tpu.memory_space<vmem>>[vector<16xi32>], vector<16xf32>,
            %gt3A_382 = arith.cmpf ogt, %gather3A_381, %gather3A_380 : vector<16xf32>
            %while3A = scf.while (%while3A_395 = %gt3A_382) : (vector<16xi1>) -> vector<16xi1> {
              %reduce_or3A_396 = arith.constant 1.000000e+00 : f32
              %reduce_or3A_397 = arith.constant 0.000000e+00 : f32
              %reduce_or3A_398 = vector.broadcast %reduce_or3A_396 : f32 to vector<16xf32>
              %reduce_or3A_399 = vector.broadcast %reduce_or3A_397 : f32 to vector<16xf32>
              %reduce_or3A_400 = arith.select %while3A_395, %reduce_or3A_398, %reduce_or3A_399 : vector<16xi1>, vector<16xf32>
              %reduce_or3A_401 = arith.constant true
              %reduce_or3A_402 = vector.broadcast %reduce_or3A_401 : i1 to vector<16xi1>
              %reduce_or3A_403 = tpu.scan <max>, %reduce_or3A_400 masked %reduce_or3A_402 : vector<16xf32>, vector<16xi1> -> vector<16xf32>
              %reduce_or3A_404 = vector.extract %reduce_or3A_403[15] : f32 from vector<16xf32>
              %reduce_or3A_405 = arith.constant 0.000000e+00 : f32
              %reduce_or3A_406 = arith.cmpf ogt, %reduce_or3A_404, %reduce_or3A_405 : f32
              scf.condition(%reduce_or3A_406) %while3A_395 : vector<16xi1>
            } do {
            ^bb0(%while3A_395: vector<16xi1>):
              %gather3A_396 = tpu.vector_load_idx %arg10[%get3A_121] : memref<10000xf32, #tpu.memory_space<vmem>>[vector<16xi32>], vector<16xf32>,
              %min3A_397 = arith.minimumf %gather3A_380, %gather3A_396 : vector<16xf32>
              tpu.vector_store_idx %arg10[%get3A_121], %min3A_397 masked %while3A_395 : memref<10000xf32, #tpu.memory_space<vmem>>[vector<16xi32>], vector<16xf32>, vector<16xi1>
              %gather3A_398 = tpu.vector_load_idx %arg10[%get3A_121] : memref<10000xf32, #tpu.memory_space<vmem>>[vector<16xi32>], vector<16xf32>,
              %gt3A_399 = arith.cmpf ogt, %gather3A_398, %gather3A_380 : vector<16xf32>
              %and3A_400 = arith.andi %while3A_395, %gt3A_399 : vector<16xi1>
              scf.yield %and3A_400 : vector<16xi1>
            }
            %gather3A_383 = tpu.vector_load_idx %arg7[%get3A_117] : memref<10000xf32, #tpu.memory_space<vmem>>[vector<16xi32>], vector<16xf32>,
            %gather3A_384 = tpu.vector_load_idx %arg11[%get3A_121] : memref<10000xf32, #tpu.memory_space<vmem>>[vector<16xi32>], vector<16xf32>,
            %gt3A_385 = arith.cmpf ogt, %gather3A_384, %gather3A_383 : vector<16xf32>
            %while3A_386 = scf.while (%while3A_395 = %gt3A_385) : (vector<16xi1>) -> vector<16xi1> {
              %reduce_or3A_396 = arith.constant 1.000000e+00 : f32
              %reduce_or3A_397 = arith.constant 0.000000e+00 : f32
              %reduce_or3A_398 = vector.broadcast %reduce_or3A_396 : f32 to vector<16xf32>
              %reduce_or3A_399 = vector.broadcast %reduce_or3A_397 : f32 to vector<16xf32>
              %reduce_or3A_400 = arith.select %while3A_395, %reduce_or3A_398, %reduce_or3A_399 : vector<16xi1>, vector<16xf32>
              %reduce_or3A_401 = arith.constant true
              %reduce_or3A_402 = vector.broadcast %reduce_or3A_401 : i1 to vector<16xi1>
              %reduce_or3A_403 = tpu.scan <max>, %reduce_or3A_400 masked %reduce_or3A_402 : vector<16xf32>, vector<16xi1> -> vector<16xf32>
              %reduce_or3A_404 = vector.extract %reduce_or3A_403[15] : f32 from vector<16xf32>
              %reduce_or3A_405 = arith.constant 0.000000e+00 : f32
              %reduce_or3A_406 = arith.cmpf ogt, %reduce_or3A_404, %reduce_or3A_405 : f32
              scf.condition(%reduce_or3A_406) %while3A_395 : vector<16xi1>
            } do {
            ^bb0(%while3A_395: vector<16xi1>):
              %gather3A_396 = tpu.vector_load_idx %arg11[%get3A_121] : memref<10000xf32, #tpu.memory_space<vmem>>[vector<16xi32>], vector<16xf32>,
              %min3A_397 = arith.minimumf %gather3A_383, %gather3A_396 : vector<16xf32>
              tpu.vector_store_idx %arg11[%get3A_121], %min3A_397 masked %while3A_395 : memref<10000xf32, #tpu.memory_space<vmem>>[vector<16xi32>], vector<16xf32>, vector<16xi1>
              %gather3A_398 = tpu.vector_load_idx %arg11[%get3A_121] : memref<10000xf32, #tpu.memory_space<vmem>>[vector<16xi32>], vector<16xf32>,
              %gt3A_399 = arith.cmpf ogt, %gather3A_398, %gather3A_383 : vector<16xf32>
              %and3A_400 = arith.andi %while3A_395, %gt3A_399 : vector<16xi1>
              scf.yield %and3A_400 : vector<16xi1>
            }
            %gather3A_387 = tpu.vector_load_idx %arg8[%get3A_117] : memref<10000xf32, #tpu.memory_space<vmem>>[vector<16xi32>], vector<16xf32>,
            %gather3A_388 = tpu.vector_load_idx %arg12[%get3A_121] : memref<10000xf32, #tpu.memory_space<vmem>>[vector<16xi32>], vector<16xf32>,
            %gt3A_389 = arith.cmpf ogt, %gather3A_388, %gather3A_387 : vector<16xf32>
            %while3A_390 = scf.while (%while3A_395 = %gt3A_389) : (vector<16xi1>) -> vector<16xi1> {
              %reduce_or3A_396 = arith.constant 1.000000e+00 : f32
              %reduce_or3A_397 = arith.constant 0.000000e+00 : f32
              %reduce_or3A_398 = vector.broadcast %reduce_or3A_396 : f32 to vector<16xf32>
              %reduce_or3A_399 = vector.broadcast %reduce_or3A_397 : f32 to vector<16xf32>
              %reduce_or3A_400 = arith.select %while3A_395, %reduce_or3A_398, %reduce_or3A_399 : vector<16xi1>, vector<16xf32>
              %reduce_or3A_401 = arith.constant true
              %reduce_or3A_402 = vector.broadcast %reduce_or3A_401 : i1 to vector<16xi1>
              %reduce_or3A_403 = tpu.scan <max>, %reduce_or3A_400 masked %reduce_or3A_402 : vector<16xf32>, vector<16xi1> -> vector<16xf32>
              %reduce_or3A_404 = vector.extract %reduce_or3A_403[15] : f32 from vector<16xf32>
              %reduce_or3A_405 = arith.constant 0.000000e+00 : f32
              %reduce_or3A_406 = arith.cmpf ogt, %reduce_or3A_404, %reduce_or3A_405 : f32
              scf.condition(%reduce_or3A_406) %while3A_395 : vector<16xi1>
            } do {
            ^bb0(%while3A_395: vector<16xi1>):
              %gather3A_396 = tpu.vector_load_idx %arg12[%get3A_121] : memref<10000xf32, #tpu.memory_space<vmem>>[vector<16xi32>], vector<16xf32>,
              %min3A_397 = arith.minimumf %gather3A_387, %gather3A_396 : vector<16xf32>
              tpu.vector_store_idx %arg12[%get3A_121], %min3A_397 masked %while3A_395 : memref<10000xf32, #tpu.memory_space<vmem>>[vector<16xi32>], vector<16xf32>, vector<16xi1>
              %gather3A_398 = tpu.vector_load_idx %arg12[%get3A_121] : memref<10000xf32, #tpu.memory_space<vmem>>[vector<16xi32>], vector<16xf32>,
              %gt3A_399 = arith.cmpf ogt, %gather3A_398, %gather3A_387 : vector<16xf32>
              %and3A_400 = arith.andi %while3A_395, %gt3A_399 : vector<16xi1>
              scf.yield %and3A_400 : vector<16xi1>
            }
            %gather3A_391 = tpu.vector_load_idx %arg9[%get3A_117] : memref<10000xf32, #tpu.memory_space<vmem>>[vector<16xi32>], vector<16xf32>,
            %gather3A_392 = tpu.vector_load_idx %arg13[%get3A_121] : memref<10000xf32, #tpu.memory_space<vmem>>[vector<16xi32>], vector<16xf32>,
            %gt3A_393 = arith.cmpf ogt, %gather3A_392, %gather3A_391 : vector<16xf32>
            %while3A_394 = scf.while (%while3A_395 = %gt3A_393) : (vector<16xi1>) -> vector<16xi1> {
              %reduce_or3A_396 = arith.constant 1.000000e+00 : f32
              %reduce_or3A_397 = arith.constant 0.000000e+00 : f32
              %reduce_or3A_398 = vector.broadcast %reduce_or3A_396 : f32 to vector<16xf32>
              %reduce_or3A_399 = vector.broadcast %reduce_or3A_397 : f32 to vector<16xf32>
              %reduce_or3A_400 = arith.select %while3A_395, %reduce_or3A_398, %reduce_or3A_399 : vector<16xi1>, vector<16xf32>
              %reduce_or3A_401 = arith.constant true
              %reduce_or3A_402 = vector.broadcast %reduce_or3A_401 : i1 to vector<16xi1>
              %reduce_or3A_403 = tpu.scan <max>, %reduce_or3A_400 masked %reduce_or3A_402 : vector<16xf32>, vector<16xi1> -> vector<16xf32>
              %reduce_or3A_404 = vector.extract %reduce_or3A_403[15] : f32 from vector<16xf32>
              %reduce_or3A_405 = arith.constant 0.000000e+00 : f32
              %reduce_or3A_406 = arith.cmpf ogt, %reduce_or3A_404, %reduce_or3A_405 : f32
              scf.condition(%reduce_or3A_406) %while3A_395 : vector<16xi1>
            } do {
            ^bb0(%while3A_395: vector<16xi1>):
              %gather3A_396 = tpu.vector_load_idx %arg13[%get3A_121] : memref<10000xf32, #tpu.memory_space<vmem>>[vector<16xi32>], vector<16xf32>,
              %min3A_397 = arith.minimumf %gather3A_391, %gather3A_396 : vector<16xf32>
              tpu.vector_store_idx %arg13[%get3A_121], %min3A_397 masked %while3A_395 : memref<10000xf32, #tpu.memory_space<vmem>>[vector<16xi32>], vector<16xf32>, vector<16xi1>
              %gather3A_398 = tpu.vector_load_idx %arg13[%get3A_121] : memref<10000xf32, #tpu.memory_space<vmem>>[vector<16xi32>], vector<16xf32>,
              %gt3A_399 = arith.cmpf ogt, %gather3A_398, %gather3A_391 : vector<16xf32>
              %and3A_400 = arith.andi %while3A_395, %gt3A_399 : vector<16xi1>
              scf.yield %and3A_400 : vector<16xi1>
            }
          } else {
          }
          %convert_element_type3A_368 = arith.extui %reduce_or3A_192 : i1 to i32
          %cond3A_369 = arith.constant 0 : i32
          %cond3A_370 = arith.cmpi ne, %convert_element_type3A_368, %cond3A_369 : i32
          scf.if %cond3A_370 {
            %gather3A_380 = tpu.vector_load_idx %arg6[%get3A_159] : memref<10000xf32, #tpu.memory_space<vmem>>[vector<16xi32>], vector<16xf32>,
            %gather3A_381 = tpu.vector_load_idx %arg10[%get3A_163] : memref<10000xf32, #tpu.memory_space<vmem>>[vector<16xi32>], vector<16xf32>,
            %gt3A_382 = arith.cmpf ogt, %gather3A_381, %gather3A_380 : vector<16xf32>
            %while3A = scf.while (%while3A_395 = %gt3A_382) : (vector<16xi1>) -> vector<16xi1> {
              %reduce_or3A_396 = arith.constant 1.000000e+00 : f32
              %reduce_or3A_397 = arith.constant 0.000000e+00 : f32
              %reduce_or3A_398 = vector.broadcast %reduce_or3A_396 : f32 to vector<16xf32>
              %reduce_or3A_399 = vector.broadcast %reduce_or3A_397 : f32 to vector<16xf32>
              %reduce_or3A_400 = arith.select %while3A_395, %reduce_or3A_398, %reduce_or3A_399 : vector<16xi1>, vector<16xf32>
              %reduce_or3A_401 = arith.constant true
              %reduce_or3A_402 = vector.broadcast %reduce_or3A_401 : i1 to vector<16xi1>
              %reduce_or3A_403 = tpu.scan <max>, %reduce_or3A_400 masked %reduce_or3A_402 : vector<16xf32>, vector<16xi1> -> vector<16xf32>
              %reduce_or3A_404 = vector.extract %reduce_or3A_403[15] : f32 from vector<16xf32>
              %reduce_or3A_405 = arith.constant 0.000000e+00 : f32
              %reduce_or3A_406 = arith.cmpf ogt, %reduce_or3A_404, %reduce_or3A_405 : f32
              scf.condition(%reduce_or3A_406) %while3A_395 : vector<16xi1>
            } do {
            ^bb0(%while3A_395: vector<16xi1>):
              %gather3A_396 = tpu.vector_load_idx %arg10[%get3A_163] : memref<10000xf32, #tpu.memory_space<vmem>>[vector<16xi32>], vector<16xf32>,
              %min3A_397 = arith.minimumf %gather3A_380, %gather3A_396 : vector<16xf32>
              tpu.vector_store_idx %arg10[%get3A_163], %min3A_397 masked %while3A_395 : memref<10000xf32, #tpu.memory_space<vmem>>[vector<16xi32>], vector<16xf32>, vector<16xi1>
              %gather3A_398 = tpu.vector_load_idx %arg10[%get3A_163] : memref<10000xf32, #tpu.memory_space<vmem>>[vector<16xi32>], vector<16xf32>,
              %gt3A_399 = arith.cmpf ogt, %gather3A_398, %gather3A_380 : vector<16xf32>
              %and3A_400 = arith.andi %while3A_395, %gt3A_399 : vector<16xi1>
              scf.yield %and3A_400 : vector<16xi1>
            }
            %gather3A_383 = tpu.vector_load_idx %arg7[%get3A_159] : memref<10000xf32, #tpu.memory_space<vmem>>[vector<16xi32>], vector<16xf32>,
            %gather3A_384 = tpu.vector_load_idx %arg11[%get3A_163] : memref<10000xf32, #tpu.memory_space<vmem>>[vector<16xi32>], vector<16xf32>,
            %gt3A_385 = arith.cmpf ogt, %gather3A_384, %gather3A_383 : vector<16xf32>
            %while3A_386 = scf.while (%while3A_395 = %gt3A_385) : (vector<16xi1>) -> vector<16xi1> {
              %reduce_or3A_396 = arith.constant 1.000000e+00 : f32
              %reduce_or3A_397 = arith.constant 0.000000e+00 : f32
              %reduce_or3A_398 = vector.broadcast %reduce_or3A_396 : f32 to vector<16xf32>
              %reduce_or3A_399 = vector.broadcast %reduce_or3A_397 : f32 to vector<16xf32>
              %reduce_or3A_400 = arith.select %while3A_395, %reduce_or3A_398, %reduce_or3A_399 : vector<16xi1>, vector<16xf32>
              %reduce_or3A_401 = arith.constant true
              %reduce_or3A_402 = vector.broadcast %reduce_or3A_401 : i1 to vector<16xi1>
              %reduce_or3A_403 = tpu.scan <max>, %reduce_or3A_400 masked %reduce_or3A_402 : vector<16xf32>, vector<16xi1> -> vector<16xf32>
              %reduce_or3A_404 = vector.extract %reduce_or3A_403[15] : f32 from vector<16xf32>
              %reduce_or3A_405 = arith.constant 0.000000e+00 : f32
              %reduce_or3A_406 = arith.cmpf ogt, %reduce_or3A_404, %reduce_or3A_405 : f32
              scf.condition(%reduce_or3A_406) %while3A_395 : vector<16xi1>
            } do {
            ^bb0(%while3A_395: vector<16xi1>):
              %gather3A_396 = tpu.vector_load_idx %arg11[%get3A_163] : memref<10000xf32, #tpu.memory_space<vmem>>[vector<16xi32>], vector<16xf32>,
              %min3A_397 = arith.minimumf %gather3A_383, %gather3A_396 : vector<16xf32>
              tpu.vector_store_idx %arg11[%get3A_163], %min3A_397 masked %while3A_395 : memref<10000xf32, #tpu.memory_space<vmem>>[vector<16xi32>], vector<16xf32>, vector<16xi1>
              %gather3A_398 = tpu.vector_load_idx %arg11[%get3A_163] : memref<10000xf32, #tpu.memory_space<vmem>>[vector<16xi32>], vector<16xf32>,
              %gt3A_399 = arith.cmpf ogt, %gather3A_398, %gather3A_383 : vector<16xf32>
              %and3A_400 = arith.andi %while3A_395, %gt3A_399 : vector<16xi1>
              scf.yield %and3A_400 : vector<16xi1>
            }
            %gather3A_387 = tpu.vector_load_idx %arg8[%get3A_159] : memref<10000xf32, #tpu.memory_space<vmem>>[vector<16xi32>], vector<16xf32>,
            %gather3A_388 = tpu.vector_load_idx %arg12[%get3A_163] : memref<10000xf32, #tpu.memory_space<vmem>>[vector<16xi32>], vector<16xf32>,
            %gt3A_389 = arith.cmpf ogt, %gather3A_388, %gather3A_387 : vector<16xf32>
            %while3A_390 = scf.while (%while3A_395 = %gt3A_389) : (vector<16xi1>) -> vector<16xi1> {
              %reduce_or3A_396 = arith.constant 1.000000e+00 : f32
              %reduce_or3A_397 = arith.constant 0.000000e+00 : f32
              %reduce_or3A_398 = vector.broadcast %reduce_or3A_396 : f32 to vector<16xf32>
              %reduce_or3A_399 = vector.broadcast %reduce_or3A_397 : f32 to vector<16xf32>
              %reduce_or3A_400 = arith.select %while3A_395, %reduce_or3A_398, %reduce_or3A_399 : vector<16xi1>, vector<16xf32>
              %reduce_or3A_401 = arith.constant true
              %reduce_or3A_402 = vector.broadcast %reduce_or3A_401 : i1 to vector<16xi1>
              %reduce_or3A_403 = tpu.scan <max>, %reduce_or3A_400 masked %reduce_or3A_402 : vector<16xf32>, vector<16xi1> -> vector<16xf32>
              %reduce_or3A_404 = vector.extract %reduce_or3A_403[15] : f32 from vector<16xf32>
              %reduce_or3A_405 = arith.constant 0.000000e+00 : f32
              %reduce_or3A_406 = arith.cmpf ogt, %reduce_or3A_404, %reduce_or3A_405 : f32
              scf.condition(%reduce_or3A_406) %while3A_395 : vector<16xi1>
            } do {
            ^bb0(%while3A_395: vector<16xi1>):
              %gather3A_396 = tpu.vector_load_idx %arg12[%get3A_163] : memref<10000xf32, #tpu.memory_space<vmem>>[vector<16xi32>], vector<16xf32>,
              %min3A_397 = arith.minimumf %gather3A_387, %gather3A_396 : vector<16xf32>
              tpu.vector_store_idx %arg12[%get3A_163], %min3A_397 masked %while3A_395 : memref<10000xf32, #tpu.memory_space<vmem>>[vector<16xi32>], vector<16xf32>, vector<16xi1>
              %gather3A_398 = tpu.vector_load_idx %arg12[%get3A_163] : memref<10000xf32, #tpu.memory_space<vmem>>[vector<16xi32>], vector<16xf32>,
              %gt3A_399 = arith.cmpf ogt, %gather3A_398, %gather3A_387 : vector<16xf32>
              %and3A_400 = arith.andi %while3A_395, %gt3A_399 : vector<16xi1>
              scf.yield %and3A_400 : vector<16xi1>
            }
            %gather3A_391 = tpu.vector_load_idx %arg9[%get3A_159] : memref<10000xf32, #tpu.memory_space<vmem>>[vector<16xi32>], vector<16xf32>,
            %gather3A_392 = tpu.vector_load_idx %arg13[%get3A_163] : memref<10000xf32, #tpu.memory_space<vmem>>[vector<16xi32>], vector<16xf32>,
            %gt3A_393 = arith.cmpf ogt, %gather3A_392, %gather3A_391 : vector<16xf32>
            %while3A_394 = scf.while (%while3A_395 = %gt3A_393) : (vector<16xi1>) -> vector<16xi1> {
              %reduce_or3A_396 = arith.constant 1.000000e+00 : f32
              %reduce_or3A_397 = arith.constant 0.000000e+00 : f32
              %reduce_or3A_398 = vector.broadcast %reduce_or3A_396 : f32 to vector<16xf32>
              %reduce_or3A_399 = vector.broadcast %reduce_or3A_397 : f32 to vector<16xf32>
              %reduce_or3A_400 = arith.select %while3A_395, %reduce_or3A_398, %reduce_or3A_399 : vector<16xi1>, vector<16xf32>
              %reduce_or3A_401 = arith.constant true
              %reduce_or3A_402 = vector.broadcast %reduce_or3A_401 : i1 to vector<16xi1>
              %reduce_or3A_403 = tpu.scan <max>, %reduce_or3A_400 masked %reduce_or3A_402 : vector<16xf32>, vector<16xi1> -> vector<16xf32>
              %reduce_or3A_404 = vector.extract %reduce_or3A_403[15] : f32 from vector<16xf32>
              %reduce_or3A_405 = arith.constant 0.000000e+00 : f32
              %reduce_or3A_406 = arith.cmpf ogt, %reduce_or3A_404, %reduce_or3A_405 : f32
              scf.condition(%reduce_or3A_406) %while3A_395 : vector<16xi1>
            } do {
            ^bb0(%while3A_395: vector<16xi1>):
              %gather3A_396 = tpu.vector_load_idx %arg13[%get3A_163] : memref<10000xf32, #tpu.memory_space<vmem>>[vector<16xi32>], vector<16xf32>,
              %min3A_397 = arith.minimumf %gather3A_391, %gather3A_396 : vector<16xf32>
              tpu.vector_store_idx %arg13[%get3A_163], %min3A_397 masked %while3A_395 : memref<10000xf32, #tpu.memory_space<vmem>>[vector<16xi32>], vector<16xf32>, vector<16xi1>
              %gather3A_398 = tpu.vector_load_idx %arg13[%get3A_163] : memref<10000xf32, #tpu.memory_space<vmem>>[vector<16xi32>], vector<16xf32>,
              %gt3A_399 = arith.cmpf ogt, %gather3A_398, %gather3A_391 : vector<16xf32>
              %and3A_400 = arith.andi %while3A_395, %gt3A_399 : vector<16xi1>
              scf.yield %and3A_400 : vector<16xi1>
            }
          } else {
          }
          %convert_element_type3A_371 = arith.extui %reduce_or3A_243 : i1 to i32
          %cond3A_372 = arith.constant 0 : i32
          %cond3A_373 = arith.cmpi ne, %convert_element_type3A_371, %cond3A_372 : i32
          scf.if %cond3A_373 {
            %gather3A_380 = tpu.vector_load_idx %arg6[%get3A_210] : memref<10000xf32, #tpu.memory_space<vmem>>[vector<16xi32>], vector<16xf32>,
            %gather3A_381 = tpu.vector_load_idx %arg10[%get3A_214] : memref<10000xf32, #tpu.memory_space<vmem>>[vector<16xi32>], vector<16xf32>,
            %gt3A_382 = arith.cmpf ogt, %gather3A_381, %gather3A_380 : vector<16xf32>
            %while3A = scf.while (%while3A_395 = %gt3A_382) : (vector<16xi1>) -> vector<16xi1> {
              %reduce_or3A_396 = arith.constant 1.000000e+00 : f32
              %reduce_or3A_397 = arith.constant 0.000000e+00 : f32
              %reduce_or3A_398 = vector.broadcast %reduce_or3A_396 : f32 to vector<16xf32>
              %reduce_or3A_399 = vector.broadcast %reduce_or3A_397 : f32 to vector<16xf32>
              %reduce_or3A_400 = arith.select %while3A_395, %reduce_or3A_398, %reduce_or3A_399 : vector<16xi1>, vector<16xf32>
              %reduce_or3A_401 = arith.constant true
              %reduce_or3A_402 = vector.broadcast %reduce_or3A_401 : i1 to vector<16xi1>
              %reduce_or3A_403 = tpu.scan <max>, %reduce_or3A_400 masked %reduce_or3A_402 : vector<16xf32>, vector<16xi1> -> vector<16xf32>
              %reduce_or3A_404 = vector.extract %reduce_or3A_403[15] : f32 from vector<16xf32>
              %reduce_or3A_405 = arith.constant 0.000000e+00 : f32
              %reduce_or3A_406 = arith.cmpf ogt, %reduce_or3A_404, %reduce_or3A_405 : f32
              scf.condition(%reduce_or3A_406) %while3A_395 : vector<16xi1>
            } do {
            ^bb0(%while3A_395: vector<16xi1>):
              %gather3A_396 = tpu.vector_load_idx %arg10[%get3A_214] : memref<10000xf32, #tpu.memory_space<vmem>>[vector<16xi32>], vector<16xf32>,
              %min3A_397 = arith.minimumf %gather3A_380, %gather3A_396 : vector<16xf32>
              tpu.vector_store_idx %arg10[%get3A_214], %min3A_397 masked %while3A_395 : memref<10000xf32, #tpu.memory_space<vmem>>[vector<16xi32>], vector<16xf32>, vector<16xi1>
              %gather3A_398 = tpu.vector_load_idx %arg10[%get3A_214] : memref<10000xf32, #tpu.memory_space<vmem>>[vector<16xi32>], vector<16xf32>,
              %gt3A_399 = arith.cmpf ogt, %gather3A_398, %gather3A_380 : vector<16xf32>
              %and3A_400 = arith.andi %while3A_395, %gt3A_399 : vector<16xi1>
              scf.yield %and3A_400 : vector<16xi1>
            }
            %gather3A_383 = tpu.vector_load_idx %arg7[%get3A_210] : memref<10000xf32, #tpu.memory_space<vmem>>[vector<16xi32>], vector<16xf32>,
            %gather3A_384 = tpu.vector_load_idx %arg11[%get3A_214] : memref<10000xf32, #tpu.memory_space<vmem>>[vector<16xi32>], vector<16xf32>,
            %gt3A_385 = arith.cmpf ogt, %gather3A_384, %gather3A_383 : vector<16xf32>
            %while3A_386 = scf.while (%while3A_395 = %gt3A_385) : (vector<16xi1>) -> vector<16xi1> {
              %reduce_or3A_396 = arith.constant 1.000000e+00 : f32
              %reduce_or3A_397 = arith.constant 0.000000e+00 : f32
              %reduce_or3A_398 = vector.broadcast %reduce_or3A_396 : f32 to vector<16xf32>
              %reduce_or3A_399 = vector.broadcast %reduce_or3A_397 : f32 to vector<16xf32>
              %reduce_or3A_400 = arith.select %while3A_395, %reduce_or3A_398, %reduce_or3A_399 : vector<16xi1>, vector<16xf32>
              %reduce_or3A_401 = arith.constant true
              %reduce_or3A_402 = vector.broadcast %reduce_or3A_401 : i1 to vector<16xi1>
              %reduce_or3A_403 = tpu.scan <max>, %reduce_or3A_400 masked %reduce_or3A_402 : vector<16xf32>, vector<16xi1> -> vector<16xf32>
              %reduce_or3A_404 = vector.extract %reduce_or3A_403[15] : f32 from vector<16xf32>
              %reduce_or3A_405 = arith.constant 0.000000e+00 : f32
              %reduce_or3A_406 = arith.cmpf ogt, %reduce_or3A_404, %reduce_or3A_405 : f32
              scf.condition(%reduce_or3A_406) %while3A_395 : vector<16xi1>
            } do {
            ^bb0(%while3A_395: vector<16xi1>):
              %gather3A_396 = tpu.vector_load_idx %arg11[%get3A_214] : memref<10000xf32, #tpu.memory_space<vmem>>[vector<16xi32>], vector<16xf32>,
              %min3A_397 = arith.minimumf %gather3A_383, %gather3A_396 : vector<16xf32>
              tpu.vector_store_idx %arg11[%get3A_214], %min3A_397 masked %while3A_395 : memref<10000xf32, #tpu.memory_space<vmem>>[vector<16xi32>], vector<16xf32>, vector<16xi1>
              %gather3A_398 = tpu.vector_load_idx %arg11[%get3A_214] : memref<10000xf32, #tpu.memory_space<vmem>>[vector<16xi32>], vector<16xf32>,
              %gt3A_399 = arith.cmpf ogt, %gather3A_398, %gather3A_383 : vector<16xf32>
              %and3A_400 = arith.andi %while3A_395, %gt3A_399 : vector<16xi1>
              scf.yield %and3A_400 : vector<16xi1>
            }
            %gather3A_387 = tpu.vector_load_idx %arg8[%get3A_210] : memref<10000xf32, #tpu.memory_space<vmem>>[vector<16xi32>], vector<16xf32>,
            %gather3A_388 = tpu.vector_load_idx %arg12[%get3A_214] : memref<10000xf32, #tpu.memory_space<vmem>>[vector<16xi32>], vector<16xf32>,
            %gt3A_389 = arith.cmpf ogt, %gather3A_388, %gather3A_387 : vector<16xf32>
            %while3A_390 = scf.while (%while3A_395 = %gt3A_389) : (vector<16xi1>) -> vector<16xi1> {
              %reduce_or3A_396 = arith.constant 1.000000e+00 : f32
              %reduce_or3A_397 = arith.constant 0.000000e+00 : f32
              %reduce_or3A_398 = vector.broadcast %reduce_or3A_396 : f32 to vector<16xf32>
              %reduce_or3A_399 = vector.broadcast %reduce_or3A_397 : f32 to vector<16xf32>
              %reduce_or3A_400 = arith.select %while3A_395, %reduce_or3A_398, %reduce_or3A_399 : vector<16xi1>, vector<16xf32>
              %reduce_or3A_401 = arith.constant true
              %reduce_or3A_402 = vector.broadcast %reduce_or3A_401 : i1 to vector<16xi1>
              %reduce_or3A_403 = tpu.scan <max>, %reduce_or3A_400 masked %reduce_or3A_402 : vector<16xf32>, vector<16xi1> -> vector<16xf32>
              %reduce_or3A_404 = vector.extract %reduce_or3A_403[15] : f32 from vector<16xf32>
              %reduce_or3A_405 = arith.constant 0.000000e+00 : f32
              %reduce_or3A_406 = arith.cmpf ogt, %reduce_or3A_404, %reduce_or3A_405 : f32
              scf.condition(%reduce_or3A_406) %while3A_395 : vector<16xi1>
            } do {
            ^bb0(%while3A_395: vector<16xi1>):
              %gather3A_396 = tpu.vector_load_idx %arg12[%get3A_214] : memref<10000xf32, #tpu.memory_space<vmem>>[vector<16xi32>], vector<16xf32>,
              %min3A_397 = arith.minimumf %gather3A_387, %gather3A_396 : vector<16xf32>
              tpu.vector_store_idx %arg12[%get3A_214], %min3A_397 masked %while3A_395 : memref<10000xf32, #tpu.memory_space<vmem>>[vector<16xi32>], vector<16xf32>, vector<16xi1>
              %gather3A_398 = tpu.vector_load_idx %arg12[%get3A_214] : memref<10000xf32, #tpu.memory_space<vmem>>[vector<16xi32>], vector<16xf32>,
              %gt3A_399 = arith.cmpf ogt, %gather3A_398, %gather3A_387 : vector<16xf32>
              %and3A_400 = arith.andi %while3A_395, %gt3A_399 : vector<16xi1>
              scf.yield %and3A_400 : vector<16xi1>
            }
            %gather3A_391 = tpu.vector_load_idx %arg9[%get3A_210] : memref<10000xf32, #tpu.memory_space<vmem>>[vector<16xi32>], vector<16xf32>,
            %gather3A_392 = tpu.vector_load_idx %arg13[%get3A_214] : memref<10000xf32, #tpu.memory_space<vmem>>[vector<16xi32>], vector<16xf32>,
            %gt3A_393 = arith.cmpf ogt, %gather3A_392, %gather3A_391 : vector<16xf32>
            %while3A_394 = scf.while (%while3A_395 = %gt3A_393) : (vector<16xi1>) -> vector<16xi1> {
              %reduce_or3A_396 = arith.constant 1.000000e+00 : f32
              %reduce_or3A_397 = arith.constant 0.000000e+00 : f32
              %reduce_or3A_398 = vector.broadcast %reduce_or3A_396 : f32 to vector<16xf32>
              %reduce_or3A_399 = vector.broadcast %reduce_or3A_397 : f32 to vector<16xf32>
              %reduce_or3A_400 = arith.select %while3A_395, %reduce_or3A_398, %reduce_or3A_399 : vector<16xi1>, vector<16xf32>
              %reduce_or3A_401 = arith.constant true
              %reduce_or3A_402 = vector.broadcast %reduce_or3A_401 : i1 to vector<16xi1>
              %reduce_or3A_403 = tpu.scan <max>, %reduce_or3A_400 masked %reduce_or3A_402 : vector<16xf32>, vector<16xi1> -> vector<16xf32>
              %reduce_or3A_404 = vector.extract %reduce_or3A_403[15] : f32 from vector<16xf32>
              %reduce_or3A_405 = arith.constant 0.000000e+00 : f32
              %reduce_or3A_406 = arith.cmpf ogt, %reduce_or3A_404, %reduce_or3A_405 : f32
              scf.condition(%reduce_or3A_406) %while3A_395 : vector<16xi1>
            } do {
            ^bb0(%while3A_395: vector<16xi1>):
              %gather3A_396 = tpu.vector_load_idx %arg13[%get3A_214] : memref<10000xf32, #tpu.memory_space<vmem>>[vector<16xi32>], vector<16xf32>,
              %min3A_397 = arith.minimumf %gather3A_391, %gather3A_396 : vector<16xf32>
              tpu.vector_store_idx %arg13[%get3A_214], %min3A_397 masked %while3A_395 : memref<10000xf32, #tpu.memory_space<vmem>>[vector<16xi32>], vector<16xf32>, vector<16xi1>
              %gather3A_398 = tpu.vector_load_idx %arg13[%get3A_214] : memref<10000xf32, #tpu.memory_space<vmem>>[vector<16xi32>], vector<16xf32>,
              %gt3A_399 = arith.cmpf ogt, %gather3A_398, %gather3A_391 : vector<16xf32>
              %and3A_400 = arith.andi %while3A_395, %gt3A_399 : vector<16xi1>
              scf.yield %and3A_400 : vector<16xi1>
            }
          } else {
          }
          %convert_element_type3A_374 = arith.extui %reduce_or3A_294 : i1 to i32
          %cond3A_375 = arith.constant 0 : i32
          %cond3A_376 = arith.cmpi ne, %convert_element_type3A_374, %cond3A_375 : i32
          scf.if %cond3A_376 {
            %gather3A_380 = tpu.vector_load_idx %arg6[%get3A_261] : memref<10000xf32, #tpu.memory_space<vmem>>[vector<16xi32>], vector<16xf32>,
            %gather3A_381 = tpu.vector_load_idx %arg10[%get3A_265] : memref<10000xf32, #tpu.memory_space<vmem>>[vector<16xi32>], vector<16xf32>,
            %gt3A_382 = arith.cmpf ogt, %gather3A_381, %gather3A_380 : vector<16xf32>
            %while3A = scf.while (%while3A_395 = %gt3A_382) : (vector<16xi1>) -> vector<16xi1> {
              %reduce_or3A_396 = arith.constant 1.000000e+00 : f32
              %reduce_or3A_397 = arith.constant 0.000000e+00 : f32
              %reduce_or3A_398 = vector.broadcast %reduce_or3A_396 : f32 to vector<16xf32>
              %reduce_or3A_399 = vector.broadcast %reduce_or3A_397 : f32 to vector<16xf32>
              %reduce_or3A_400 = arith.select %while3A_395, %reduce_or3A_398, %reduce_or3A_399 : vector<16xi1>, vector<16xf32>
              %reduce_or3A_401 = arith.constant true
              %reduce_or3A_402 = vector.broadcast %reduce_or3A_401 : i1 to vector<16xi1>
              %reduce_or3A_403 = tpu.scan <max>, %reduce_or3A_400 masked %reduce_or3A_402 : vector<16xf32>, vector<16xi1> -> vector<16xf32>
              %reduce_or3A_404 = vector.extract %reduce_or3A_403[15] : f32 from vector<16xf32>
              %reduce_or3A_405 = arith.constant 0.000000e+00 : f32
              %reduce_or3A_406 = arith.cmpf ogt, %reduce_or3A_404, %reduce_or3A_405 : f32
              scf.condition(%reduce_or3A_406) %while3A_395 : vector<16xi1>
            } do {
            ^bb0(%while3A_395: vector<16xi1>):
              %gather3A_396 = tpu.vector_load_idx %arg10[%get3A_265] : memref<10000xf32, #tpu.memory_space<vmem>>[vector<16xi32>], vector<16xf32>,
              %min3A_397 = arith.minimumf %gather3A_380, %gather3A_396 : vector<16xf32>
              tpu.vector_store_idx %arg10[%get3A_265], %min3A_397 masked %while3A_395 : memref<10000xf32, #tpu.memory_space<vmem>>[vector<16xi32>], vector<16xf32>, vector<16xi1>
              %gather3A_398 = tpu.vector_load_idx %arg10[%get3A_265] : memref<10000xf32, #tpu.memory_space<vmem>>[vector<16xi32>], vector<16xf32>,
              %gt3A_399 = arith.cmpf ogt, %gather3A_398, %gather3A_380 : vector<16xf32>
              %and3A_400 = arith.andi %while3A_395, %gt3A_399 : vector<16xi1>
              scf.yield %and3A_400 : vector<16xi1>
            }
            %gather3A_383 = tpu.vector_load_idx %arg7[%get3A_261] : memref<10000xf32, #tpu.memory_space<vmem>>[vector<16xi32>], vector<16xf32>,
            %gather3A_384 = tpu.vector_load_idx %arg11[%get3A_265] : memref<10000xf32, #tpu.memory_space<vmem>>[vector<16xi32>], vector<16xf32>,
            %gt3A_385 = arith.cmpf ogt, %gather3A_384, %gather3A_383 : vector<16xf32>
            %while3A_386 = scf.while (%while3A_395 = %gt3A_385) : (vector<16xi1>) -> vector<16xi1> {
              %reduce_or3A_396 = arith.constant 1.000000e+00 : f32
              %reduce_or3A_397 = arith.constant 0.000000e+00 : f32
              %reduce_or3A_398 = vector.broadcast %reduce_or3A_396 : f32 to vector<16xf32>
              %reduce_or3A_399 = vector.broadcast %reduce_or3A_397 : f32 to vector<16xf32>
              %reduce_or3A_400 = arith.select %while3A_395, %reduce_or3A_398, %reduce_or3A_399 : vector<16xi1>, vector<16xf32>
              %reduce_or3A_401 = arith.constant true
              %reduce_or3A_402 = vector.broadcast %reduce_or3A_401 : i1 to vector<16xi1>
              %reduce_or3A_403 = tpu.scan <max>, %reduce_or3A_400 masked %reduce_or3A_402 : vector<16xf32>, vector<16xi1> -> vector<16xf32>
              %reduce_or3A_404 = vector.extract %reduce_or3A_403[15] : f32 from vector<16xf32>
              %reduce_or3A_405 = arith.constant 0.000000e+00 : f32
              %reduce_or3A_406 = arith.cmpf ogt, %reduce_or3A_404, %reduce_or3A_405 : f32
              scf.condition(%reduce_or3A_406) %while3A_395 : vector<16xi1>
            } do {
            ^bb0(%while3A_395: vector<16xi1>):
              %gather3A_396 = tpu.vector_load_idx %arg11[%get3A_265] : memref<10000xf32, #tpu.memory_space<vmem>>[vector<16xi32>], vector<16xf32>,
              %min3A_397 = arith.minimumf %gather3A_383, %gather3A_396 : vector<16xf32>
              tpu.vector_store_idx %arg11[%get3A_265], %min3A_397 masked %while3A_395 : memref<10000xf32, #tpu.memory_space<vmem>>[vector<16xi32>], vector<16xf32>, vector<16xi1>
              %gather3A_398 = tpu.vector_load_idx %arg11[%get3A_265] : memref<10000xf32, #tpu.memory_space<vmem>>[vector<16xi32>], vector<16xf32>,
              %gt3A_399 = arith.cmpf ogt, %gather3A_398, %gather3A_383 : vector<16xf32>
              %and3A_400 = arith.andi %while3A_395, %gt3A_399 : vector<16xi1>
              scf.yield %and3A_400 : vector<16xi1>
            }
            %gather3A_387 = tpu.vector_load_idx %arg8[%get3A_261] : memref<10000xf32, #tpu.memory_space<vmem>>[vector<16xi32>], vector<16xf32>,
            %gather3A_388 = tpu.vector_load_idx %arg12[%get3A_265] : memref<10000xf32, #tpu.memory_space<vmem>>[vector<16xi32>], vector<16xf32>,
            %gt3A_389 = arith.cmpf ogt, %gather3A_388, %gather3A_387 : vector<16xf32>
            %while3A_390 = scf.while (%while3A_395 = %gt3A_389) : (vector<16xi1>) -> vector<16xi1> {
              %reduce_or3A_396 = arith.constant 1.000000e+00 : f32
              %reduce_or3A_397 = arith.constant 0.000000e+00 : f32
              %reduce_or3A_398 = vector.broadcast %reduce_or3A_396 : f32 to vector<16xf32>
              %reduce_or3A_399 = vector.broadcast %reduce_or3A_397 : f32 to vector<16xf32>
              %reduce_or3A_400 = arith.select %while3A_395, %reduce_or3A_398, %reduce_or3A_399 : vector<16xi1>, vector<16xf32>
              %reduce_or3A_401 = arith.constant true
              %reduce_or3A_402 = vector.broadcast %reduce_or3A_401 : i1 to vector<16xi1>
              %reduce_or3A_403 = tpu.scan <max>, %reduce_or3A_400 masked %reduce_or3A_402 : vector<16xf32>, vector<16xi1> -> vector<16xf32>
              %reduce_or3A_404 = vector.extract %reduce_or3A_403[15] : f32 from vector<16xf32>
              %reduce_or3A_405 = arith.constant 0.000000e+00 : f32
              %reduce_or3A_406 = arith.cmpf ogt, %reduce_or3A_404, %reduce_or3A_405 : f32
              scf.condition(%reduce_or3A_406) %while3A_395 : vector<16xi1>
            } do {
            ^bb0(%while3A_395: vector<16xi1>):
              %gather3A_396 = tpu.vector_load_idx %arg12[%get3A_265] : memref<10000xf32, #tpu.memory_space<vmem>>[vector<16xi32>], vector<16xf32>,
              %min3A_397 = arith.minimumf %gather3A_387, %gather3A_396 : vector<16xf32>
              tpu.vector_store_idx %arg12[%get3A_265], %min3A_397 masked %while3A_395 : memref<10000xf32, #tpu.memory_space<vmem>>[vector<16xi32>], vector<16xf32>, vector<16xi1>
              %gather3A_398 = tpu.vector_load_idx %arg12[%get3A_265] : memref<10000xf32, #tpu.memory_space<vmem>>[vector<16xi32>], vector<16xf32>,
              %gt3A_399 = arith.cmpf ogt, %gather3A_398, %gather3A_387 : vector<16xf32>
              %and3A_400 = arith.andi %while3A_395, %gt3A_399 : vector<16xi1>
              scf.yield %and3A_400 : vector<16xi1>
            }
            %gather3A_391 = tpu.vector_load_idx %arg9[%get3A_261] : memref<10000xf32, #tpu.memory_space<vmem>>[vector<16xi32>], vector<16xf32>,
            %gather3A_392 = tpu.vector_load_idx %arg13[%get3A_265] : memref<10000xf32, #tpu.memory_space<vmem>>[vector<16xi32>], vector<16xf32>,
            %gt3A_393 = arith.cmpf ogt, %gather3A_392, %gather3A_391 : vector<16xf32>
            %while3A_394 = scf.while (%while3A_395 = %gt3A_393) : (vector<16xi1>) -> vector<16xi1> {
              %reduce_or3A_396 = arith.constant 1.000000e+00 : f32
              %reduce_or3A_397 = arith.constant 0.000000e+00 : f32
              %reduce_or3A_398 = vector.broadcast %reduce_or3A_396 : f32 to vector<16xf32>
              %reduce_or3A_399 = vector.broadcast %reduce_or3A_397 : f32 to vector<16xf32>
              %reduce_or3A_400 = arith.select %while3A_395, %reduce_or3A_398, %reduce_or3A_399 : vector<16xi1>, vector<16xf32>
              %reduce_or3A_401 = arith.constant true
              %reduce_or3A_402 = vector.broadcast %reduce_or3A_401 : i1 to vector<16xi1>
              %reduce_or3A_403 = tpu.scan <max>, %reduce_or3A_400 masked %reduce_or3A_402 : vector<16xf32>, vector<16xi1> -> vector<16xf32>
              %reduce_or3A_404 = vector.extract %reduce_or3A_403[15] : f32 from vector<16xf32>
              %reduce_or3A_405 = arith.constant 0.000000e+00 : f32
              %reduce_or3A_406 = arith.cmpf ogt, %reduce_or3A_404, %reduce_or3A_405 : f32
              scf.condition(%reduce_or3A_406) %while3A_395 : vector<16xi1>
            } do {
            ^bb0(%while3A_395: vector<16xi1>):
              %gather3A_396 = tpu.vector_load_idx %arg13[%get3A_265] : memref<10000xf32, #tpu.memory_space<vmem>>[vector<16xi32>], vector<16xf32>,
              %min3A_397 = arith.minimumf %gather3A_391, %gather3A_396 : vector<16xf32>
              tpu.vector_store_idx %arg13[%get3A_265], %min3A_397 masked %while3A_395 : memref<10000xf32, #tpu.memory_space<vmem>>[vector<16xi32>], vector<16xf32>, vector<16xi1>
              %gather3A_398 = tpu.vector_load_idx %arg13[%get3A_265] : memref<10000xf32, #tpu.memory_space<vmem>>[vector<16xi32>], vector<16xf32>,
              %gt3A_399 = arith.cmpf ogt, %gather3A_398, %gather3A_391 : vector<16xf32>
              %and3A_400 = arith.andi %while3A_395, %gt3A_399 : vector<16xi1>
              scf.yield %and3A_400 : vector<16xi1>
            }
          } else {
          }
          %convert_element_type3A_377 = arith.extui %reduce_or3A_345 : i1 to i32
          %cond3A_378 = arith.constant 0 : i32
          %cond3A_379 = arith.cmpi ne, %convert_element_type3A_377, %cond3A_378 : i32
          scf.if %cond3A_379 {
            %gather3A_380 = tpu.vector_load_idx %arg6[%get3A_312] : memref<10000xf32, #tpu.memory_space<vmem>>[vector<16xi32>], vector<16xf32>,
            %gather3A_381 = tpu.vector_load_idx %arg10[%get3A_316] : memref<10000xf32, #tpu.memory_space<vmem>>[vector<16xi32>], vector<16xf32>,
            %gt3A_382 = arith.cmpf ogt, %gather3A_381, %gather3A_380 : vector<16xf32>
            %while3A = scf.while (%while3A_395 = %gt3A_382) : (vector<16xi1>) -> vector<16xi1> {
              %reduce_or3A_396 = arith.constant 1.000000e+00 : f32
              %reduce_or3A_397 = arith.constant 0.000000e+00 : f32
              %reduce_or3A_398 = vector.broadcast %reduce_or3A_396 : f32 to vector<16xf32>
              %reduce_or3A_399 = vector.broadcast %reduce_or3A_397 : f32 to vector<16xf32>
              %reduce_or3A_400 = arith.select %while3A_395, %reduce_or3A_398, %reduce_or3A_399 : vector<16xi1>, vector<16xf32>
              %reduce_or3A_401 = arith.constant true
              %reduce_or3A_402 = vector.broadcast %reduce_or3A_401 : i1 to vector<16xi1>
              %reduce_or3A_403 = tpu.scan <max>, %reduce_or3A_400 masked %reduce_or3A_402 : vector<16xf32>, vector<16xi1> -> vector<16xf32>
              %reduce_or3A_404 = vector.extract %reduce_or3A_403[15] : f32 from vector<16xf32>
              %reduce_or3A_405 = arith.constant 0.000000e+00 : f32
              %reduce_or3A_406 = arith.cmpf ogt, %reduce_or3A_404, %reduce_or3A_405 : f32
              scf.condition(%reduce_or3A_406) %while3A_395 : vector<16xi1>
            } do {
            ^bb0(%while3A_395: vector<16xi1>):
              %gather3A_396 = tpu.vector_load_idx %arg10[%get3A_316] : memref<10000xf32, #tpu.memory_space<vmem>>[vector<16xi32>], vector<16xf32>,
              %min3A_397 = arith.minimumf %gather3A_380, %gather3A_396 : vector<16xf32>
              tpu.vector_store_idx %arg10[%get3A_316], %min3A_397 masked %while3A_395 : memref<10000xf32, #tpu.memory_space<vmem>>[vector<16xi32>], vector<16xf32>, vector<16xi1>
              %gather3A_398 = tpu.vector_load_idx %arg10[%get3A_316] : memref<10000xf32, #tpu.memory_space<vmem>>[vector<16xi32>], vector<16xf32>,
              %gt3A_399 = arith.cmpf ogt, %gather3A_398, %gather3A_380 : vector<16xf32>
              %and3A_400 = arith.andi %while3A_395, %gt3A_399 : vector<16xi1>
              scf.yield %and3A_400 : vector<16xi1>
            }
            %gather3A_383 = tpu.vector_load_idx %arg7[%get3A_312] : memref<10000xf32, #tpu.memory_space<vmem>>[vector<16xi32>], vector<16xf32>,
            %gather3A_384 = tpu.vector_load_idx %arg11[%get3A_316] : memref<10000xf32, #tpu.memory_space<vmem>>[vector<16xi32>], vector<16xf32>,
            %gt3A_385 = arith.cmpf ogt, %gather3A_384, %gather3A_383 : vector<16xf32>
            %while3A_386 = scf.while (%while3A_395 = %gt3A_385) : (vector<16xi1>) -> vector<16xi1> {
              %reduce_or3A_396 = arith.constant 1.000000e+00 : f32
              %reduce_or3A_397 = arith.constant 0.000000e+00 : f32
              %reduce_or3A_398 = vector.broadcast %reduce_or3A_396 : f32 to vector<16xf32>
              %reduce_or3A_399 = vector.broadcast %reduce_or3A_397 : f32 to vector<16xf32>
              %reduce_or3A_400 = arith.select %while3A_395, %reduce_or3A_398, %reduce_or3A_399 : vector<16xi1>, vector<16xf32>
              %reduce_or3A_401 = arith.constant true
              %reduce_or3A_402 = vector.broadcast %reduce_or3A_401 : i1 to vector<16xi1>
              %reduce_or3A_403 = tpu.scan <max>, %reduce_or3A_400 masked %reduce_or3A_402 : vector<16xf32>, vector<16xi1> -> vector<16xf32>
              %reduce_or3A_404 = vector.extract %reduce_or3A_403[15] : f32 from vector<16xf32>
              %reduce_or3A_405 = arith.constant 0.000000e+00 : f32
              %reduce_or3A_406 = arith.cmpf ogt, %reduce_or3A_404, %reduce_or3A_405 : f32
              scf.condition(%reduce_or3A_406) %while3A_395 : vector<16xi1>
            } do {
            ^bb0(%while3A_395: vector<16xi1>):
              %gather3A_396 = tpu.vector_load_idx %arg11[%get3A_316] : memref<10000xf32, #tpu.memory_space<vmem>>[vector<16xi32>], vector<16xf32>,
              %min3A_397 = arith.minimumf %gather3A_383, %gather3A_396 : vector<16xf32>
              tpu.vector_store_idx %arg11[%get3A_316], %min3A_397 masked %while3A_395 : memref<10000xf32, #tpu.memory_space<vmem>>[vector<16xi32>], vector<16xf32>, vector<16xi1>
              %gather3A_398 = tpu.vector_load_idx %arg11[%get3A_316] : memref<10000xf32, #tpu.memory_space<vmem>>[vector<16xi32>], vector<16xf32>,
              %gt3A_399 = arith.cmpf ogt, %gather3A_398, %gather3A_383 : vector<16xf32>
              %and3A_400 = arith.andi %while3A_395, %gt3A_399 : vector<16xi1>
              scf.yield %and3A_400 : vector<16xi1>
            }
            %gather3A_387 = tpu.vector_load_idx %arg8[%get3A_312] : memref<10000xf32, #tpu.memory_space<vmem>>[vector<16xi32>], vector<16xf32>,
            %gather3A_388 = tpu.vector_load_idx %arg12[%get3A_316] : memref<10000xf32, #tpu.memory_space<vmem>>[vector<16xi32>], vector<16xf32>,
            %gt3A_389 = arith.cmpf ogt, %gather3A_388, %gather3A_387 : vector<16xf32>
            %while3A_390 = scf.while (%while3A_395 = %gt3A_389) : (vector<16xi1>) -> vector<16xi1> {
              %reduce_or3A_396 = arith.constant 1.000000e+00 : f32
              %reduce_or3A_397 = arith.constant 0.000000e+00 : f32
              %reduce_or3A_398 = vector.broadcast %reduce_or3A_396 : f32 to vector<16xf32>
              %reduce_or3A_399 = vector.broadcast %reduce_or3A_397 : f32 to vector<16xf32>
              %reduce_or3A_400 = arith.select %while3A_395, %reduce_or3A_398, %reduce_or3A_399 : vector<16xi1>, vector<16xf32>
              %reduce_or3A_401 = arith.constant true
              %reduce_or3A_402 = vector.broadcast %reduce_or3A_401 : i1 to vector<16xi1>
              %reduce_or3A_403 = tpu.scan <max>, %reduce_or3A_400 masked %reduce_or3A_402 : vector<16xf32>, vector<16xi1> -> vector<16xf32>
              %reduce_or3A_404 = vector.extract %reduce_or3A_403[15] : f32 from vector<16xf32>
              %reduce_or3A_405 = arith.constant 0.000000e+00 : f32
              %reduce_or3A_406 = arith.cmpf ogt, %reduce_or3A_404, %reduce_or3A_405 : f32
              scf.condition(%reduce_or3A_406) %while3A_395 : vector<16xi1>
            } do {
            ^bb0(%while3A_395: vector<16xi1>):
              %gather3A_396 = tpu.vector_load_idx %arg12[%get3A_316] : memref<10000xf32, #tpu.memory_space<vmem>>[vector<16xi32>], vector<16xf32>,
              %min3A_397 = arith.minimumf %gather3A_387, %gather3A_396 : vector<16xf32>
              tpu.vector_store_idx %arg12[%get3A_316], %min3A_397 masked %while3A_395 : memref<10000xf32, #tpu.memory_space<vmem>>[vector<16xi32>], vector<16xf32>, vector<16xi1>
              %gather3A_398 = tpu.vector_load_idx %arg12[%get3A_316] : memref<10000xf32, #tpu.memory_space<vmem>>[vector<16xi32>], vector<16xf32>,
              %gt3A_399 = arith.cmpf ogt, %gather3A_398, %gather3A_387 : vector<16xf32>
              %and3A_400 = arith.andi %while3A_395, %gt3A_399 : vector<16xi1>
              scf.yield %and3A_400 : vector<16xi1>
            }
            %gather3A_391 = tpu.vector_load_idx %arg9[%get3A_312] : memref<10000xf32, #tpu.memory_space<vmem>>[vector<16xi32>], vector<16xf32>,
            %gather3A_392 = tpu.vector_load_idx %arg13[%get3A_316] : memref<10000xf32, #tpu.memory_space<vmem>>[vector<16xi32>], vector<16xf32>,
            %gt3A_393 = arith.cmpf ogt, %gather3A_392, %gather3A_391 : vector<16xf32>
            %while3A_394 = scf.while (%while3A_395 = %gt3A_393) : (vector<16xi1>) -> vector<16xi1> {
              %reduce_or3A_396 = arith.constant 1.000000e+00 : f32
              %reduce_or3A_397 = arith.constant 0.000000e+00 : f32
              %reduce_or3A_398 = vector.broadcast %reduce_or3A_396 : f32 to vector<16xf32>
              %reduce_or3A_399 = vector.broadcast %reduce_or3A_397 : f32 to vector<16xf32>
              %reduce_or3A_400 = arith.select %while3A_395, %reduce_or3A_398, %reduce_or3A_399 : vector<16xi1>, vector<16xf32>
              %reduce_or3A_401 = arith.constant true
              %reduce_or3A_402 = vector.broadcast %reduce_or3A_401 : i1 to vector<16xi1>
              %reduce_or3A_403 = tpu.scan <max>, %reduce_or3A_400 masked %reduce_or3A_402 : vector<16xf32>, vector<16xi1> -> vector<16xf32>
              %reduce_or3A_404 = vector.extract %reduce_or3A_403[15] : f32 from vector<16xf32>
              %reduce_or3A_405 = arith.constant 0.000000e+00 : f32
              %reduce_or3A_406 = arith.cmpf ogt, %reduce_or3A_404, %reduce_or3A_405 : f32
              scf.condition(%reduce_or3A_406) %while3A_395 : vector<16xi1>
            } do {
            ^bb0(%while3A_395: vector<16xi1>):
              %gather3A_396 = tpu.vector_load_idx %arg13[%get3A_316] : memref<10000xf32, #tpu.memory_space<vmem>>[vector<16xi32>], vector<16xf32>,
              %min3A_397 = arith.minimumf %gather3A_391, %gather3A_396 : vector<16xf32>
              tpu.vector_store_idx %arg13[%get3A_316], %min3A_397 masked %while3A_395 : memref<10000xf32, #tpu.memory_space<vmem>>[vector<16xi32>], vector<16xf32>, vector<16xi1>
              %gather3A_398 = tpu.vector_load_idx %arg13[%get3A_316] : memref<10000xf32, #tpu.memory_space<vmem>>[vector<16xi32>], vector<16xf32>,
              %gt3A_399 = arith.cmpf ogt, %gather3A_398, %gather3A_391 : vector<16xf32>
              %and3A_400 = arith.andi %while3A_395, %gt3A_399 : vector<16xi1>
              scf.yield %and3A_400 : vector<16xi1>
            }
          } else {
          }
        } else {
        }
        %scan3A_364 = arith.constant 0 : i32
        scf.yield %scan3A_364 : i32
      }
      %scan3A_100 = arith.constant 25 : i32
      %add3A_101 = arith.constant 3 : i32
      %add3A_102 = arith.addi %mul3A_67, %add3A_101 : i32
      %lt3A_103 = arith.constant 160 : i32
      %lt3A_104 = arith.cmpi slt, %add3A_102, %lt3A_103 : i32
      %convert_element_type3A_105 = arith.extui %lt3A_104 : i1 to i32
      %cond3A_106 = arith.constant 0 : i32
      %cond3A_107 = arith.cmpi ne, %convert_element_type3A_105, %cond3A_106 : i32
      scf.if %cond3A_107 {
        %add3A_109 = arith.constant 3 : i32
        %add3A_110 = arith.addi %mul3A_67, %add3A_109 : i32
        %mul3A_111 = arith.constant 2000 : i32
        %mul3A_112 = arith.muli %add3A_110, %mul3A_111 : i32
        %dma_start3A_113 = tpu.memref_slice %arg3[%mul3A_112] : memref<320000xi32, #tpu.memory_space<hbm>> -> memref<2000xi32, #tpu.memory_space<hbm>>
        %dma_start3A_114 = tpu.memref_slice %arg3[%mul3A_112] : memref<320000xi32, #tpu.memory_space<hbm>> -> memref<2000xi32, #tpu.memory_space<hbm>>
        tpu.enqueue_dma source(%dma_start3A_114 : memref<2000xi32, #tpu.memory_space<hbm>>) target(%arg16 : memref<2000xi32, #tpu.memory_space<vmem>>) target_semaphore(%arg20 : memref<!tpu.dma_semaphore, #tpu.memory_space<semaphore_mem>>)
        %dma_start3A_115 = tpu.memref_slice %arg4[%mul3A_112] : memref<320000xi32, #tpu.memory_space<hbm>> -> memref<2000xi32, #tpu.memory_space<hbm>>
        %dma_start3A_116 = tpu.memref_slice %arg4[%mul3A_112] : memref<320000xi32, #tpu.memory_space<hbm>> -> memref<2000xi32, #tpu.memory_space<hbm>>
        tpu.enqueue_dma source(%dma_start3A_116 : memref<2000xi32, #tpu.memory_space<hbm>>) target(%arg17 : memref<2000xi32, #tpu.memory_space<vmem>>) target_semaphore(%arg21 : memref<!tpu.dma_semaphore, #tpu.memory_space<semaphore_mem>>)
      } else {
      }
      %scan3A_108 = arith.constant 0 : i32
      scf.yield %scan3A_108 : i32
    }
    %scan3A_47 = arith.constant 80 : i32
    %add3A_48 = arith.constant 0 : i32
    %add3A_49 = arith.addi %mul3A_2, %add3A_48 : i32
    %mul3A_50 = arith.constant 10000 : i32
    %mul3A_51 = arith.muli %add3A_49, %mul3A_50 : i32
    "tpu.region"() ({
      %run_scoped3A = tpu.sem_alloc : memref<!tpu.dma_semaphore, #tpu.memory_space<semaphore_mem>>
      %dma_start3A_64 = tpu.memref_slice %arg5[%mul3A_51] : memref<1280000xf32, #tpu.memory_space<hbm>> -> memref<10000xf32, #tpu.memory_space<hbm>>
      %dma_start3A_65 = tpu.memref_slice %arg5[%mul3A_51] : memref<1280000xf32, #tpu.memory_space<hbm>> -> memref<10000xf32, #tpu.memory_space<hbm>>
      tpu.enqueue_dma source(%arg10 : memref<10000xf32, #tpu.memory_space<vmem>>) target(%dma_start3A_65 : memref<10000xf32, #tpu.memory_space<hbm>>) target_semaphore(%run_scoped3A : memref<!tpu.dma_semaphore, #tpu.memory_space<semaphore_mem>>)
      %dma_wait3A = tpu.memref_slice %arg5[%mul3A_51] : memref<1280000xf32, #tpu.memory_space<hbm>> -> memref<10000xf32, #tpu.memory_space<hbm>>
      %dma_wait3A_66 = tpu.memref_slice %arg5[%mul3A_51] : memref<1280000xf32, #tpu.memory_space<hbm>> -> memref<10000xf32, #tpu.memory_space<hbm>>
      tpu.wait_dma2 semaphore(%run_scoped3A : memref<!tpu.dma_semaphore, #tpu.memory_space<semaphore_mem>>) src(%arg10 : memref<10000xf32, #tpu.memory_space<vmem>>) dst(%dma_wait3A_66 : memref<10000xf32, #tpu.memory_space<hbm>>)
      tpu.yield
    }) : () -> ()
    %add3A_52 = arith.constant 1 : i32
    %add3A_53 = arith.addi %mul3A_2, %add3A_52 : i32
    %mul3A_54 = arith.constant 10000 : i32
    %mul3A_55 = arith.muli %add3A_53, %mul3A_54 : i32
    "tpu.region"() ({
      %run_scoped3A = tpu.sem_alloc : memref<!tpu.dma_semaphore, #tpu.memory_space<semaphore_mem>>
      %dma_start3A_64 = tpu.memref_slice %arg5[%mul3A_55] : memref<1280000xf32, #tpu.memory_space<hbm>> -> memref<10000xf32, #tpu.memory_space<hbm>>
      %dma_start3A_65 = tpu.memref_slice %arg5[%mul3A_55] : memref<1280000xf32, #tpu.memory_space<hbm>> -> memref<10000xf32, #tpu.memory_space<hbm>>
      tpu.enqueue_dma source(%arg11 : memref<10000xf32, #tpu.memory_space<vmem>>) target(%dma_start3A_65 : memref<10000xf32, #tpu.memory_space<hbm>>) target_semaphore(%run_scoped3A : memref<!tpu.dma_semaphore, #tpu.memory_space<semaphore_mem>>)
      %dma_wait3A = tpu.memref_slice %arg5[%mul3A_55] : memref<1280000xf32, #tpu.memory_space<hbm>> -> memref<10000xf32, #tpu.memory_space<hbm>>
      %dma_wait3A_66 = tpu.memref_slice %arg5[%mul3A_55] : memref<1280000xf32, #tpu.memory_space<hbm>> -> memref<10000xf32, #tpu.memory_space<hbm>>
      tpu.wait_dma2 semaphore(%run_scoped3A : memref<!tpu.dma_semaphore, #tpu.memory_space<semaphore_mem>>) src(%arg11 : memref<10000xf32, #tpu.memory_space<vmem>>) dst(%dma_wait3A_66 : memref<10000xf32, #tpu.memory_space<hbm>>)
      tpu.yield
    }) : () -> ()
    %add3A_56 = arith.constant 2 : i32
    %add3A_57 = arith.addi %mul3A_2, %add3A_56 : i32
    %mul3A_58 = arith.constant 10000 : i32
    %mul3A_59 = arith.muli %add3A_57, %mul3A_58 : i32
    "tpu.region"() ({
      %run_scoped3A = tpu.sem_alloc : memref<!tpu.dma_semaphore, #tpu.memory_space<semaphore_mem>>
      %dma_start3A_64 = tpu.memref_slice %arg5[%mul3A_59] : memref<1280000xf32, #tpu.memory_space<hbm>> -> memref<10000xf32, #tpu.memory_space<hbm>>
      %dma_start3A_65 = tpu.memref_slice %arg5[%mul3A_59] : memref<1280000xf32, #tpu.memory_space<hbm>> -> memref<10000xf32, #tpu.memory_space<hbm>>
      tpu.enqueue_dma source(%arg12 : memref<10000xf32, #tpu.memory_space<vmem>>) target(%dma_start3A_65 : memref<10000xf32, #tpu.memory_space<hbm>>) target_semaphore(%run_scoped3A : memref<!tpu.dma_semaphore, #tpu.memory_space<semaphore_mem>>)
      %dma_wait3A = tpu.memref_slice %arg5[%mul3A_59] : memref<1280000xf32, #tpu.memory_space<hbm>> -> memref<10000xf32, #tpu.memory_space<hbm>>
      %dma_wait3A_66 = tpu.memref_slice %arg5[%mul3A_59] : memref<1280000xf32, #tpu.memory_space<hbm>> -> memref<10000xf32, #tpu.memory_space<hbm>>
      tpu.wait_dma2 semaphore(%run_scoped3A : memref<!tpu.dma_semaphore, #tpu.memory_space<semaphore_mem>>) src(%arg12 : memref<10000xf32, #tpu.memory_space<vmem>>) dst(%dma_wait3A_66 : memref<10000xf32, #tpu.memory_space<hbm>>)
      tpu.yield
    }) : () -> ()
    %add3A_60 = arith.constant 3 : i32
    %add3A_61 = arith.addi %mul3A_2, %add3A_60 : i32
    %mul3A_62 = arith.constant 10000 : i32
    %mul3A_63 = arith.muli %add3A_61, %mul3A_62 : i32
    "tpu.region"() ({
      %run_scoped3A = tpu.sem_alloc : memref<!tpu.dma_semaphore, #tpu.memory_space<semaphore_mem>>
      %dma_start3A_64 = tpu.memref_slice %arg5[%mul3A_63] : memref<1280000xf32, #tpu.memory_space<hbm>> -> memref<10000xf32, #tpu.memory_space<hbm>>
      %dma_start3A_65 = tpu.memref_slice %arg5[%mul3A_63] : memref<1280000xf32, #tpu.memory_space<hbm>> -> memref<10000xf32, #tpu.memory_space<hbm>>
      tpu.enqueue_dma source(%arg13 : memref<10000xf32, #tpu.memory_space<vmem>>) target(%dma_start3A_65 : memref<10000xf32, #tpu.memory_space<hbm>>) target_semaphore(%run_scoped3A : memref<!tpu.dma_semaphore, #tpu.memory_space<semaphore_mem>>)
      %dma_wait3A = tpu.memref_slice %arg5[%mul3A_63] : memref<1280000xf32, #tpu.memory_space<hbm>> -> memref<10000xf32, #tpu.memory_space<hbm>>
      %dma_wait3A_66 = tpu.memref_slice %arg5[%mul3A_63] : memref<1280000xf32, #tpu.memory_space<hbm>> -> memref<10000xf32, #tpu.memory_space<hbm>>
      tpu.wait_dma2 semaphore(%run_scoped3A : memref<!tpu.dma_semaphore, #tpu.memory_space<semaphore_mem>>) src(%arg13 : memref<10000xf32, #tpu.memory_space<vmem>>) dst(%dma_wait3A_66 : memref<10000xf32, #tpu.memory_space<hbm>>)
      tpu.yield
    }) : () -> ()
    return
  }
}

module attributes {stable_mosaic.version = 14 : i64} {
  func.func @_fc1_bn_relu_body(%arg0: memref<128x10000xf32, #tpu.memory_space<vmem>>, %arg1: memref<128x128xf32, #tpu.memory_space<vmem>>, %arg2: memref<128x1xf32, #tpu.memory_space<vmem>>, %arg3: memref<128x1xf32, #tpu.memory_space<vmem>>, %arg4: memref<128x1xf32, #tpu.memory_space<vmem>>, %arg5: memref<128x10000xf32, #tpu.memory_space<vmem>>) attributes {dimension_semantics = [], scalar_prefetch = 0 : i64, scratch_operands = 0 : i64, tpu.core_type = #tpu.core_type<tc>} {
    %get3A = arith.constant 0 : index
    %get3A_0 = arith.constant 0 : index
    %get3A_1 = vector.load %arg1[%get3A, %get3A_0] : memref<128x128xf32, #tpu.memory_space<vmem>>, vector<128x128xf32>
    %get3A_2 = arith.constant 0 : index
    %get3A_3 = arith.constant 0 : index
    %get3A_4 = vector.load %arg0[%get3A_2, %get3A_3] : memref<128x10000xf32, #tpu.memory_space<vmem>>, vector<128x10000xf32>
    %dot_general3A = arith.constant dense<0.000000e+00> : vector<128x10000xf32>
    %dot_general3A_5 = tpu.matmul %get3A_1, %get3A_4, %dot_general3A {dimension_numbers = #tpu.dot_dimension_numbers<[1], [0], [0], [1], [0, 0, 1, 1], [], []>, transpose_lhs_hint = false} : vector<128x128xf32>, vector<128x10000xf32>, vector<128x10000xf32> -> vector<128x10000xf32>
    %get3A_6 = arith.constant 0 : index
    %get3A_7 = arith.constant 0 : index
    %get3A_8 = vector.load %arg2[%get3A_6, %get3A_7] : memref<128x1xf32, #tpu.memory_space<vmem>>, vector<128x1xf32>
    %add3A = vector.broadcast %get3A_8 : vector<128x1xf32> to vector<128x10000xf32>
    %add3A_9 = arith.addf %dot_general3A_5, %add3A : vector<128x10000xf32>
    %reduce_sum3A = arith.constant dense<0.000000e+00> : vector<128xf32>
    %reduce_sum3A_10 = vector.multi_reduction <add>, %add3A_9, %reduce_sum3A [1] : vector<128x10000xf32> to vector<128xf32>
    %broadcast_in_dim3A = vector.shape_cast %reduce_sum3A_10 : vector<128xf32> to vector<128x1xf32>
    %div3A = arith.constant 1.000000e+04 : f32
    %div3A_11 = vector.broadcast %div3A : f32 to vector<128x1xf32>
    %div3A_12 = arith.divf %broadcast_in_dim3A, %div3A_11 : vector<128x1xf32>
    %sub3A = vector.broadcast %div3A_12 : vector<128x1xf32> to vector<128x10000xf32>
    %sub3A_13 = arith.subf %add3A_9, %sub3A : vector<128x10000xf32>
    %integer_pow3A = arith.mulf %sub3A_13, %sub3A_13 : vector<128x10000xf32>
    %reduce_sum3A_14 = arith.constant dense<0.000000e+00> : vector<128xf32>
    %reduce_sum3A_15 = vector.multi_reduction <add>, %integer_pow3A, %reduce_sum3A_14 [1] : vector<128x10000xf32> to vector<128xf32>
    %broadcast_in_dim3A_16 = vector.shape_cast %reduce_sum3A_15 : vector<128xf32> to vector<128x1xf32>
    %div3A_17 = arith.constant 1.000000e+04 : f32
    %div3A_18 = vector.broadcast %div3A_17 : f32 to vector<128x1xf32>
    %div3A_19 = arith.divf %broadcast_in_dim3A_16, %div3A_18 : vector<128x1xf32>
    %get3A_20 = arith.constant 0 : index
    %get3A_21 = arith.constant 0 : index
    %get3A_22 = vector.load %arg3[%get3A_20, %get3A_21] : memref<128x1xf32, #tpu.memory_space<vmem>>, vector<128x1xf32>
    %sub3A_23 = vector.broadcast %div3A_12 : vector<128x1xf32> to vector<128x10000xf32>
    %sub3A_24 = arith.subf %add3A_9, %sub3A_23 : vector<128x10000xf32>
    %mul3A = vector.broadcast %get3A_22 : vector<128x1xf32> to vector<128x10000xf32>
    %mul3A_25 = arith.mulf %mul3A, %sub3A_24 : vector<128x10000xf32>
    %add3A_26 = arith.constant 9.99999974E-6 : f32
    %add3A_27 = vector.broadcast %add3A_26 : f32 to vector<128x1xf32>
    %add3A_28 = arith.addf %div3A_19, %add3A_27 : vector<128x1xf32>
    %rsqrt3A = math.rsqrt %add3A_28 : vector<128x1xf32>
    %mul3A_29 = vector.broadcast %rsqrt3A : vector<128x1xf32> to vector<128x10000xf32>
    %mul3A_30 = arith.mulf %mul3A_25, %mul3A_29 : vector<128x10000xf32>
    %get3A_31 = arith.constant 0 : index
    %get3A_32 = arith.constant 0 : index
    %get3A_33 = vector.load %arg4[%get3A_31, %get3A_32] : memref<128x1xf32, #tpu.memory_space<vmem>>, vector<128x1xf32>
    %add3A_34 = vector.broadcast %get3A_33 : vector<128x1xf32> to vector<128x10000xf32>
    %add3A_35 = arith.addf %mul3A_30, %add3A_34 : vector<128x10000xf32>
    %max3A = arith.constant 0.000000e+00 : f32
    %max3A_36 = vector.broadcast %max3A : f32 to vector<128x10000xf32>
    %max3A_37 = arith.maximumf %add3A_35, %max3A_36 : vector<128x10000xf32>
    %swap3A = arith.constant 0 : index
    %swap3A_38 = arith.constant 0 : index
    %swap3A_39 = vector.load %arg5[%swap3A, %swap3A_38] : memref<128x10000xf32, #tpu.memory_space<vmem>>, vector<128x10000xf32>
    tpu.vector_store %arg5[%swap3A, %swap3A_38], %max3A_37 {strides = array<i32>} : memref<128x10000xf32, #tpu.memory_space<vmem>>, vector<128x10000xf32>,
    return
  }
}

module attributes {stable_mosaic.version = 14 : i64} {
  func.func @_stage_c_body(%arg0: memref<128x10000xf32, #tpu.memory_space<vmem>>, %arg1: memref<128x10000xf32, #tpu.memory_space<vmem>>, %arg2: memref<128x10000xf32, #tpu.memory_space<vmem>>, %arg3: memref<256x128xf32, #tpu.memory_space<vmem>>, %arg4: memref<256x128xf32, #tpu.memory_space<vmem>>, %arg5: memref<256x1xf32, #tpu.memory_space<vmem>>, %arg6: memref<128x256xf32, #tpu.memory_space<vmem>>, %arg7: memref<128x1xf32, #tpu.memory_space<vmem>>, %arg8: memref<128x1xf32, #tpu.memory_space<vmem>>, %arg9: memref<128x1xf32, #tpu.memory_space<vmem>>, %arg10: memref<128x10000xf32, #tpu.memory_space<vmem>>) attributes {dimension_semantics = [], scalar_prefetch = 0 : i64, scratch_operands = 0 : i64, tpu.core_type = #tpu.core_type<tc>} {
    %get3A = arith.constant 0 : index
    %get3A_0 = arith.constant 0 : index
    %get3A_1 = vector.load %arg0[%get3A, %get3A_0] : memref<128x10000xf32, #tpu.memory_space<vmem>>, vector<128x10000xf32>
    %get3A_2 = arith.constant 0 : index
    %get3A_3 = arith.constant 0 : index
    %get3A_4 = vector.load %arg1[%get3A_2, %get3A_3] : memref<128x10000xf32, #tpu.memory_space<vmem>>, vector<128x10000xf32>
    %ge3A = arith.constant 1.500000e+38 : f32
    %ge3A_5 = vector.broadcast %ge3A : f32 to vector<128x10000xf32>
    %ge3A_6 = arith.cmpf oge, %get3A_4, %ge3A_5 : vector<128x10000xf32>
    %sub3A = arith.subf %get3A_1, %get3A_4 : vector<128x10000xf32>
    %jit3A = arith.constant 0.000000e+00 : f32
    %broadcast_in_dim3A = vector.broadcast %jit3A : f32 to vector<128x10000xf32>
    %select_n3A = arith.select %ge3A_6, %broadcast_in_dim3A, %sub3A : vector<128x10000xi1>, vector<128x10000xf32>
    %get3A_7 = arith.constant 0 : index
    %get3A_8 = arith.constant 0 : index
    %get3A_9 = vector.load %arg3[%get3A_7, %get3A_8] : memref<256x128xf32, #tpu.memory_space<vmem>>, vector<256x128xf32>
    %dot_general3A = arith.constant dense<0.000000e+00> : vector<256x10000xf32>
    %dot_general3A_10 = tpu.matmul %get3A_9, %get3A_1, %dot_general3A {dimension_numbers = #tpu.dot_dimension_numbers<[1], [0], [0], [1], [0, 0, 1, 1], [], []>, transpose_lhs_hint = false} : vector<256x128xf32>, vector<128x10000xf32>, vector<256x10000xf32> -> vector<256x10000xf32>
    %get3A_11 = arith.constant 0 : index
    %get3A_12 = arith.constant 0 : index
    %get3A_13 = vector.load %arg4[%get3A_11, %get3A_12] : memref<256x128xf32, #tpu.memory_space<vmem>>, vector<256x128xf32>
    %dot_general3A_14 = arith.constant dense<0.000000e+00> : vector<256x10000xf32>
    %dot_general3A_15 = tpu.matmul %get3A_13, %select_n3A, %dot_general3A_14 {dimension_numbers = #tpu.dot_dimension_numbers<[1], [0], [0], [1], [0, 0, 1, 1], [], []>, transpose_lhs_hint = false} : vector<256x128xf32>, vector<128x10000xf32>, vector<256x10000xf32> -> vector<256x10000xf32>
    %add3A = arith.addf %dot_general3A_10, %dot_general3A_15 : vector<256x10000xf32>
    %get3A_16 = arith.constant 0 : index
    %get3A_17 = arith.constant 0 : index
    %get3A_18 = vector.load %arg5[%get3A_16, %get3A_17] : memref<256x1xf32, #tpu.memory_space<vmem>>, vector<256x1xf32>
    %add3A_19 = vector.broadcast %get3A_18 : vector<256x1xf32> to vector<256x10000xf32>
    %add3A_20 = arith.addf %add3A, %add3A_19 : vector<256x10000xf32>
    %max3A = arith.constant 0.000000e+00 : f32
    %max3A_21 = vector.broadcast %max3A : f32 to vector<256x10000xf32>
    %max3A_22 = arith.maximumf %add3A_20, %max3A_21 : vector<256x10000xf32>
    %get3A_23 = arith.constant 0 : index
    %get3A_24 = arith.constant 0 : index
    %get3A_25 = vector.load %arg6[%get3A_23, %get3A_24] : memref<128x256xf32, #tpu.memory_space<vmem>>, vector<128x256xf32>
    %dot_general3A_26 = arith.constant dense<0.000000e+00> : vector<128x10000xf32>
    %dot_general3A_27 = tpu.matmul %get3A_25, %max3A_22, %dot_general3A_26 {dimension_numbers = #tpu.dot_dimension_numbers<[1], [0], [0], [1], [0, 0, 1, 1], [], []>, transpose_lhs_hint = false} : vector<128x256xf32>, vector<256x10000xf32>, vector<128x10000xf32> -> vector<128x10000xf32>
    %get3A_28 = arith.constant 0 : index
    %get3A_29 = arith.constant 0 : index
    %get3A_30 = vector.load %arg7[%get3A_28, %get3A_29] : memref<128x1xf32, #tpu.memory_space<vmem>>, vector<128x1xf32>
    %add3A_31 = vector.broadcast %get3A_30 : vector<128x1xf32> to vector<128x10000xf32>
    %add3A_32 = arith.addf %dot_general3A_27, %add3A_31 : vector<128x10000xf32>
    %reduce_sum3A = arith.constant dense<0.000000e+00> : vector<128xf32>
    %reduce_sum3A_33 = vector.multi_reduction <add>, %add3A_32, %reduce_sum3A [1] : vector<128x10000xf32> to vector<128xf32>
    %broadcast_in_dim3A_34 = vector.shape_cast %reduce_sum3A_33 : vector<128xf32> to vector<128x1xf32>
    %div3A = arith.constant 1.000000e+04 : f32
    %div3A_35 = vector.broadcast %div3A : f32 to vector<128x1xf32>
    %div3A_36 = arith.divf %broadcast_in_dim3A_34, %div3A_35 : vector<128x1xf32>
    %sub3A_37 = vector.broadcast %div3A_36 : vector<128x1xf32> to vector<128x10000xf32>
    %sub3A_38 = arith.subf %add3A_32, %sub3A_37 : vector<128x10000xf32>
    %integer_pow3A = arith.mulf %sub3A_38, %sub3A_38 : vector<128x10000xf32>
    %reduce_sum3A_39 = arith.constant dense<0.000000e+00> : vector<128xf32>
    %reduce_sum3A_40 = vector.multi_reduction <add>, %integer_pow3A, %reduce_sum3A_39 [1] : vector<128x10000xf32> to vector<128xf32>
    %broadcast_in_dim3A_41 = vector.shape_cast %reduce_sum3A_40 : vector<128xf32> to vector<128x1xf32>
    %div3A_42 = arith.constant 1.000000e+04 : f32
    %div3A_43 = vector.broadcast %div3A_42 : f32 to vector<128x1xf32>
    %div3A_44 = arith.divf %broadcast_in_dim3A_41, %div3A_43 : vector<128x1xf32>
    %get3A_45 = arith.constant 0 : index
    %get3A_46 = arith.constant 0 : index
    %get3A_47 = vector.load %arg8[%get3A_45, %get3A_46] : memref<128x1xf32, #tpu.memory_space<vmem>>, vector<128x1xf32>
    %sub3A_48 = vector.broadcast %div3A_36 : vector<128x1xf32> to vector<128x10000xf32>
    %sub3A_49 = arith.subf %add3A_32, %sub3A_48 : vector<128x10000xf32>
    %mul3A = vector.broadcast %get3A_47 : vector<128x1xf32> to vector<128x10000xf32>
    %mul3A_50 = arith.mulf %mul3A, %sub3A_49 : vector<128x10000xf32>
    %add3A_51 = arith.constant 9.99999974E-6 : f32
    %add3A_52 = vector.broadcast %add3A_51 : f32 to vector<128x1xf32>
    %add3A_53 = arith.addf %div3A_44, %add3A_52 : vector<128x1xf32>
    %rsqrt3A = math.rsqrt %add3A_53 : vector<128x1xf32>
    %mul3A_54 = vector.broadcast %rsqrt3A : vector<128x1xf32> to vector<128x10000xf32>
    %mul3A_55 = arith.mulf %mul3A_50, %mul3A_54 : vector<128x10000xf32>
    %get3A_56 = arith.constant 0 : index
    %get3A_57 = arith.constant 0 : index
    %get3A_58 = vector.load %arg9[%get3A_56, %get3A_57] : memref<128x1xf32, #tpu.memory_space<vmem>>, vector<128x1xf32>
    %add3A_59 = vector.broadcast %get3A_58 : vector<128x1xf32> to vector<128x10000xf32>
    %add3A_60 = arith.addf %mul3A_55, %add3A_59 : vector<128x10000xf32>
    %get3A_61 = arith.constant 0 : index
    %get3A_62 = arith.constant 0 : index
    %get3A_63 = vector.load %arg2[%get3A_61, %get3A_62] : memref<128x10000xf32, #tpu.memory_space<vmem>>, vector<128x10000xf32>
    %add3A_64 = arith.addf %add3A_60, %get3A_63 : vector<128x10000xf32>
    %max3A_65 = arith.constant 0.000000e+00 : f32
    %max3A_66 = vector.broadcast %max3A_65 : f32 to vector<128x10000xf32>
    %max3A_67 = arith.maximumf %add3A_64, %max3A_66 : vector<128x10000xf32>
    %swap3A = arith.constant 0 : index
    %swap3A_68 = arith.constant 0 : index
    %swap3A_69 = vector.load %arg10[%swap3A, %swap3A_68] : memref<128x10000xf32, #tpu.memory_space<vmem>>, vector<128x10000xf32>
    tpu.vector_store %arg10[%swap3A, %swap3A_68], %max3A_67 {strides = array<i32>} : memref<128x10000xf32, #tpu.memory_space<vmem>>, vector<128x10000xf32>,
    return
  }
}

</mosaic_0001>

<sc_bundles>
// kernel: kernel.5.cloned.1.call-start
scs
__scs_entry_jumppad:
0x0: {  	(pc) =	sbr.rel $0x88, $3  }
0x1: {  	(tag) =	ssettag $0x0;
	lr =	simm.s32 $0x1  }
0x2: {  	[smem:$0x3F95] =	sst lr;
	_ =	strace $0xD0000000  }
0x3: {  	_ = 	snop  }
0x4: {  	_ = 	snop  }
0x5: {  	_ = 	snop  }
0x6: {  	_ = 	snop  }
0x7: {  	_ = 	snop  }
__scs_overlays_trampoline_lowered:
0x8: {  	[smem:$0x3FA4] =	sst s0  }
0x9: {  	[smem:$0x3FA5] =	sst s1  }
0xa: {  	[smem:$0x3FA6] =	sst s2  }
0xb: {  	[smem:$0x3FA7] =	sst s3  }
0xc: {  	[smem:$0x3FA8] =	sst s4  }
0xd: {  	[smem:$0x3FA9] =	sst s5  }
0xe: {  	[smem:$0x3FAA] =	sst s6  }
0xf: {  	[smem:$0x3FAB] =	sst s7  }
0x10: {  	[smem:$0x3FAC] =	sst s8  }
0x11: {  	[smem:$0x3FAD] =	sst s9;
	s0 =	simm.s32 @!p0 $0x0  }
0x12: {  	s1 =	sld [smem:$0x3F93];
	s0 =	simm.s32 @p0 $0x1  }
0x13: {  	[smem:$0x3FAE] =	sst s0;
	s0 =	simm.s32 @!p1 $0x0  }
0x14: {  	s2 =	sld [smem:$0x3F92];
	s0 =	simm.s32 @p1 $0x1  }
0x15: {  	[smem:$0x3FAF] =	sst s0;
	s0 =	simm.s32 @!p2 $0x0  }
0x16: {  	s3 =	sld [smem:$0x3FDB];
	s0 =	simm.s32 @p2 $0x1  }
0x17: {  	s4 =	simm.s32 $0x1BF5;
	[smem:$0x3FB1] =	sst s0  }
0x18: {  	s0 =	sld [smem:$0x3F94];
	_ =	swait.ge [sflag:s4], $0x0  }
0x19: {  	s7 =	sld [smem:$0x3F95]  }
0x1a: {  	s8 =	sadd.s32 $0xFFFFE003, lr  }
0x1b: {  	s9 =	sadd.s32 $0xFFFFFEF7, lr;
	s5 =	simm.s32 $0xFFFFFFFF;
	p2 =	slt.u32 s8, $0xFFFFF086  }
0x1c: {  	p1 =	slt.u32 s9, $0xF7A;
	s5 =	simm.s32 @!p2 $0x0  }
0x1d: {  	s5 =	simm.s32 @p1 $0x1;
	p0 =	seq.s32 s7, s2  }
0x1e: {  	s7 =	smul.u32 @!p0 $0xF7A, s2;
	p2 =	seq.s32 @!p0 s5, $0x0  }
0x1f: {  	s9 =	smul.u32 $0xF7A, s1;
	s8 =	simm.s32 @!p0 $0x1BF5;
	p2 =	por !p2, p0  }
0x20: {  	[sflag:s8] =	ssyncset.s32 @!p0 $0xFFFFF086;
	s6 =	sadd.s32 @!p0 s3, s7;
	s7 =	simm.s32 @!p0 $0x108  }
0x21: {  	s3 =	sadd.s32 s3, s9;
	s6 =	sadd.s32 @!p0 $0x88, s6;
	s7 =	simm.s32 @p2 $0x1082  }
0x22: {  	[simem:s7], [sflag:s8] =	dma.local @!p0 [hbm:s6], $0xF7A  }
0x23: {  	s9 =	sor.u32 $0xD0000000, s2;
	s6 =	simm.s32 $0x108;
	_ =	swait.ge @!p0 [sflag:s8], $0x0  }
0x24: {  	s3 =	sadd.s32 $0x88, s3;
	s6 =	simm.s32 @!p1 $0x1082;
	[sflag:s4] =	ssyncset.s32 $0xFFFFF086  }
0x25: {  	[simem:s6], [sflag:s4] =	dma.local [hbm:s3], $0xF7A  }
0x26: {  	[smem:$0x3F95] =	sst s1;
	(tag) =	ssettag s2;
	_ =	strace s9  }
0x27: {  	s1 =	sld [smem:$0x3FA5]  }
0x28: {  	s2 =	sld [smem:$0x3FA6]  }
0x29: {  	s4 =	sld [smem:$0x3FA8]  }
0x2a: {  	p0 =	seq.s32 s5, $0x0;
	s5 =	sld [smem:$0x3FA9]  }
0x2b: {  	s6 =	sld [smem:$0x3FAA]  }
0x2c: {  	s7 =	sld [smem:$0x3FAB]  }
0x2d: {  	s3 =	simm.s32 $0x108;
	s8 =	sld [smem:$0x3FAC]  }
0x2e: {  	s3 =	simm.s32 @!p0 $0x1082;
	s9 =	sld [smem:$0x3FAD]  }
0x2f: {  	lr =	sadd.s32 s0, s3;
	s0 =	sld [smem:$0x3FA4]  }
0x30: {  	s3 =	sld [smem:$0x3FA7]  }
0x31: {  	[smem:$0x3FB0] =	sst s10  }
0x32: {  	s10 =	sld [smem:$0x3FAE];
	_ =	sdelay $0x3  }
0x33: {  	p0 =	seq.s32 s10, $0x1;
	s10 =	sld [smem:$0x3FB0];
	_ =	sdelay $0x3  }
0x34: {  	[smem:$0x3FB0] =	sst s10  }
0x35: {  	s10 =	sld [smem:$0x3FAF];
	_ =	sdelay $0x3  }
0x36: {  	p1 =	seq.s32 s10, $0x1;
	s10 =	sld [smem:$0x3FB0];
	_ =	sdelay $0x3  }
0x37: {  	[smem:$0x3FB0] =	sst s10  }
0x38: {  	s10 =	sld [smem:$0x3FB1]  }
0x39: {  	_ = 	snop;
	(pc) =	sbr.ind lr, $3  }
0x3a: {  	_ = 	snop  }
0x3b: {  	_ = 	snop  }
0x3c: {  	p2 =	seq.s32 s10, $0x1;
	s10 =	sld [smem:$0x3FB0]  }
0x3d: {  	_ =	shalt  }
0x3e: {  	_ =	shalt  }
0x3f: {  	_ =	shalt  }
0x40: {  	_ =	shalt  }
0x41: {  	_ =	shalt  }
0x42: {  	_ =	shalt  }
0x43: {  	_ =	shalt  }
0x44: {  	_ =	shalt  }
0x45: {  	_ =	shalt  }
0x46: {  	_ =	shalt  }
0x47: {  	_ =	shalt  }
0x48: {  	_ =	shalt  }
0x49: {  	_ =	shalt  }
0x4a: {  	_ =	shalt  }
0x4b: {  	_ =	shalt  }
0x4c: {  	_ =	shalt  }
0x4d: {  	_ =	shalt  }
0x4e: {  	_ =	shalt  }
0x4f: {  	_ =	shalt  }
0x50: {  	_ =	shalt  }
0x51: {  	_ =	shalt  }
0x52: {  	_ =	shalt  }
0x53: {  	_ =	shalt  }
0x54: {  	_ =	shalt  }
0x55: {  	_ =	shalt  }
0x56: {  	_ =	shalt  }
0x57: {  	_ =	shalt  }
0x58: {  	_ =	shalt  }
0x59: {  	_ =	shalt  }
0x5a: {  	_ =	shalt  }
0x5b: {  	_ =	shalt  }
0x5c: {  	_ =	shalt  }
0x5d: {  	_ =	shalt  }
0x5e: {  	_ =	shalt  }
0x5f: {  	_ =	shalt  }
0x60: {  	_ =	shalt  }
0x61: {  	_ =	shalt  }
0x62: {  	_ =	shalt  }
0x63: {  	_ =	shalt  }
0x64: {  	_ =	shalt  }
0x65: {  	_ =	shalt  }
0x66: {  	_ =	shalt  }
0x67: {  	_ =	shalt  }
0x68: {  	_ =	shalt  }
0x69: {  	_ =	shalt  }
0x6a: {  	_ =	shalt  }
0x6b: {  	_ =	shalt  }
0x6c: {  	_ =	shalt  }
0x6d: {  	_ =	shalt  }
0x6e: {  	_ =	shalt  }
0x6f: {  	_ =	shalt  }
0x70: {  	_ =	shalt  }
0x71: {  	_ =	shalt  }
0x72: {  	_ =	shalt  }
0x73: {  	_ =	shalt  }
0x74: {  	_ =	shalt  }
0x75: {  	_ =	shalt  }
0x76: {  	_ =	shalt  }
0x77: {  	_ =	shalt  }
0x78: {  	_ =	shalt  }
0x79: {  	_ =	shalt  }
0x7a: {  	_ =	shalt  }
0x7b: {  	_ =	shalt  }
0x7c: {  	_ =	shalt  }
0x7d: {  	_ =	shalt  }
0x7e: {  	_ =	shalt  }
0x7f: {  	_ =	shalt  }
0x80: {  	_ =	shalt  }
0x81: {  	_ =	shalt  }
0x82: {  	_ =	shalt  }
0x83: {  	_ =	shalt  }
0x84: {  	_ =	shalt  }
0x85: {  	_ =	shalt  }
0x86: {  	_ =	shalt  }
0x87: {  	_ =	shalt  }
.Lfunc_end0:
.L_simem_size_0:
called_computation_lowered:
.L_overlay_start_0:
0x88: {  	s2 =	sld [smem:$0x3FD9]  }
0x89: {  	s3 =	sld [smem:$0x3FFE];
	_ =	sdelay $0x1  }
0x8a: {  	s1 =	srdreg.scid  }
0x8b: {  	s0 =	sand.u32 $0x1, s1  }
0x8c: {  	s17 =	sshll.u32 s0, $0xA;
	s2 =	sadd.s32 s3, s2  }
0x8d: {  	s2 =	sadd.s32 s2, s17  }
0x8e: {  	[smem:$0x3FBC] =	sst s2  }
0x8f: {  	_ = 	snop  }
0x90: {  	s2 =	sld [smem:$0x3FD0];
	(tm) =	ssettm $0x1  }
0x91: {  	s18 =	sld [smem:$0x3FFB];
	_ =	sdelay $0x3  }
0x92: {  	_ =	strace s18  }
0x93: {  	s3 =	sld [smem:$0x3FFC];
	_ =	sdelay $0x3  }
0x94: {  	_ =	strace s3  }
0x95: {  	s3 =	sld [smem:$0x3FFD];
	_ =	sdelay $0x3  }
0x96: {  	_ =	strace s3  }
0x97: {  	_ =	strace $0x8FFFFFFF  }
0x98: {  	s19 =	sld [smem:$0x3FDB];
	_ =	sdelay $0x1  }
0x99: {  	s4 =	simm.s32 $_scs_section_size  }
0x9a: {  	s5 =	simm.s32 $_size__tile_overlayer_lowered;
	s6 =	simm.s32 $_tile_overlayer_lowered  }
0x9b: {  	s22 =	simm.s32 $0x1BFF;
	s21 =	sshll.u32 s6, $0x1;
	s3 =	sadd.s32 s4, s19  }
0x9c: {  	s7 =	simm.s32 $0x0;
	s20 =	sshll.u32 s5, $0x1;
	s5 =	sadd.s32 s21, s3  }
0x9d: {  	[timem:s7], [sflag:s22] =	dma.local [hbm:s5], s20  }
0x9e: {  	_ =	swait.ge [sflag:s22], s20  }
0x9f: {  	s4 =	ssub.s32 $0x0, s20;
	[sflag:s22] =	ssyncset.done $0x0  }
0xa0: {  	[sflag:s22] =	ssyncadd.s32 s4;
	_ =	sdelay $0x1  }
0xa1: {  	s23 =	simm.s32 $0x1B8B  }
0xa2: {  	_ =	swait.ge [sflag:s23], $0x1  }
0xa3: {  	[sflag:s23] =	ssyncset.done $0x0  }
0xa4: {  	s25 =	simm.s32 $0x1B8E;
	s24 =	sld [smem:$0x3FFE];
	[sflag:s23] =	ssyncadd.s32 $0xFFFFFFFF  }
0xa5: {  	s26 =	simm.s32 $execute0_lowered;
	[smem:$0x3FD2] =	sst s25  }
0xa6: {  	s5 =	sshll.u32 s26, $0x1;
	_ =	strace $0x80000046;
	[dreg:$0x1] =	wrdreg $0xFFFFFFFF  }
0xa7: {  	s28 =	simm.s32 $_size_execute0_lowered;
	s3 =	sadd.s32 s3, s5;
	[dreg:$0x0] =	wrdreg $0x0  }
0xa8: {  	s5 =	sshll.u32 s28, $0x1;
	[dreg:$0x2] =	wrdreg s3  }
0xa9: {  	[dreg:$0x3] =	wrdreg s5  }
0xaa: {  	[dreg:$0x4] =	wrdreg $0xC0  }
0xab: {  	_ =	task [dreg:s7], $0x5FFFF  }
0xac: {  	[dreg:$0x1] =	wrdreg $0xFFFFFFFF  }
0xad: {  	[dreg:$0x0] =	wrdreg $0x60  }
0xae: {  	[dreg:$0x2] =	wrdreg s2  }
0xaf: {  	[dreg:$0x3] =	wrdreg s24  }
0xb0: {  	[dreg:$0x4] =	wrdreg $0x9  }
0xb1: {  	_ =	task.clear_ibuf [dreg:s7], $0x5FFFF;
	_ =	strace $0x90000046  }
0xb2: {  	s29 =	simm.s32 $0x9;
	_ =	strace $0x80000048  }
0xb3: {  	_ =	swait.ge [sflag:s29], $0x1  }
0xb4: {  	[sflag:s29] =	ssyncadd.s32 $0xFFFFFFFF  }
0xb5: {  	_ =	strace $0x90000048  }
0xb6: {  	_ =	sfence  }
0xb7: {  	s30 =	sld [smem:$0x0];
	_ =	sdelay $0x2  }
0xb8: {  	s31 =	sshll.u32 s1, $0xD;
	s1 =	sshrl.u32 s1, $0x2  }
0xb9: {  	s3 =	sand.u32 $0x4000, s31;
	s1 =	sadd.s32 s1, s30  }
0xba: {  	s0 =	sor.u32 s3, s0;
	s1 =	sshll.u32 s1, $0x11  }
0xbb: {  	s0 =	sor.u32 s1, s0  }
0xbc: {  	s0 =	sadd.s32 $0x8F2B, s0  }
0xbd: {  	[sflag:s0] =	ssyncadd.remote.s32 $0x1  }
0xbe: {  	_ =	sfence.sel $0xFFFF  }
0xbf: {  	[dreg:$0x0] =	wrdreg $0xFFFFFFFF;
	(pc) =	sbr.abs _section_cstart, $3  }
0xc0: {  	[dreg:$0x1] =	wrdreg $0xFFFFFFFF  }
0xc1: {  	_ =	task.clear_ibuf [dreg:s7], $0x2FFFF;
	_ =	strace $0x9FFFFFFF  }
0xc2: {  	(tm) =	ssettm $0x7FFFFFFF  }
0xc3: {  	_ =	shalt  }
tec
execute0_lowered:
.L_overlay_start_1:
0x0: {  	(tag) =	ssettag $0x1  }
0x1: {  	s0 =	rddreg [dreg:$0x0]  }
0x2: {  	s1 =	rddreg [dreg:$0x1];
	s2 =	simm.s32 $0x0  }
0x3: {  	s3 =	srdreg.scid;
	s4 =	stileid.u32;
	s18 =	simm.s32 $0x14C00  }
0x4: {  	s19 =	simm.s32 $0x15400;
	s20 =	simm.s32 $0x5;
	s21 =	simm.s32 $0x2780  }
0x5: {  	s28 =	simm.s32 $0xC580;
	s29 =	simm.s32 $0xED00;
	s30 =	simm.s32 $0x11480  }
0x6: {  	s31 =	simm.s32 $0x3;
	[smem:$0x7FF] =	sst s2;
	s5 =	sand.u32 $0x1, s3  }
0x7: {  	s4 =	sshll.u32 s4, $0x1;
	s3 =	sadd.s32 $0xB200, s1;
	s8 =	sadd.s32 $0x15000, s1  }
0x8: {  	s22 =	sadd.s32 $0xB2FA, s1;
	_ =	strace $0x80000047;
	s6 =	sor.u32 s5, s4  }
0x9: {  	s4 =	sadd.s32 $0x1400, s1;
	s5 =	ssub.s32 $0x2, s5;
	[dreg:$0x3] =	wrdreg s22  }
0xa: {  	s1 =	sadd.s32 $0x14FA, s1;
	s22 =	simm.s32 $0x4F00;
	s7 =	smul.u32 $0x9C40, s6  }
0xb: {  	s9 =	sshrl.u32 s5, $0x1;
	s6 =	smul.u32 $0x1388, s6;
	[dreg:$0x4] =	wrdreg s1  }
0xc: {  	s1 =	simm.s32 $0x0;
	s5 =	ssub.s32 s5, s9;
	s7 =	sshrl.u32 s7, $0x3  }
0xd: {  	v0 =	vimm.s32 $0xEDCBA987;
	s23 =	sadd.s32 s0, s6;
	s11 =	sadd.s32 s8, s6;
	s15 =	smax.u32 s5, $0x1  }
0xe: {  	v1 =	vimm.s32 $0x65432100;
	v0 =	vunpack.c.l.s4.s8 v0;
	[dreg:$0x5] =	wrdreg s23;
	s24 =	sadd.s32 $0x4E2, s7;
	s13 =	sadd.s32 $0x9C4, s7  }
.Ltmp0:
0xf: {  	v1 =	vunpack.c.l.s4.s8 v1;
	s7 =	sadd.s32 $0xEA6, s7;
	s23 =	simm.s32 $0x7680;
	(pc) =	sbr.rel .LBB2_1-.Ltmp0, $4  }
0x10: {  	v0 =	vunpack.c.0.s8.s32 v0;
	s25 =	sadd.s32 s0, s24;
	s26 =	sadd.s32 s0, s13;
	s10 =	sadd.s32 s0, s7  }
0x11: {  	v2 =	vimm.f32 $1.000000000e+00;
	v1 =	vunpack.c.0.s8.s32 v1;
	s12 =	sadd.s32 s8, s24;
	s13 =	sadd.s32 s8, s13;
	s14 =	sadd.s32 s8, s7  }
0x12: {  	vm0 =	vcmask $0x300;
	v3 =	vimm.f32 $0.0e+00;
	v0 =	vand.u32 $0xF, v0;
	s24 =	simm.s32 $0x1;
	s0 =	simm.s32 $0x4;
	[dreg:$0x6] =	wrdreg s25  }
0x13: {  	v2 =	vsel vm0, $0x0, v2;
	v0 =	vcombine.low v1, v0;
	v1 =	vimm.f32 $3.000000010e+38;
	[dreg:$0x7] =	wrdreg s26;
	s25 =	simm.s32 $0x2;
	s26 =	simm.s32 $0x9E00  }
.LBB2_102:
0x14: {  	[hbm4b:s11+s2] =	stream.linear.scatter [tilespmem:s26], [sflag:$0x5], $0x2710, $0x38;
	[tilespmem:$0x15C00] =	vst v63  }
0x15: {  	_ =	swait.ge [sflag:s20], $0x2710  }
0x16: {  	[sflag:s20] =	ssyncset.done $0x0  }
0x17: {  	[sflag:s20] =	ssyncadd.s32 $0xFFFFD8F0  }
0x18: {  	[hbm4b:s12+s2] =	stream.linear.scatter [tilespmem:s28], [sflag:$0x5], $0x2710, $0x38;
	[tilespmem:$0x15C00] =	vst v63  }
0x19: {  	_ =	swait.ge [sflag:s20], $0x2710  }
0x1a: {  	[sflag:s20] =	ssyncset.done $0x0  }
0x1b: {  	[sflag:s20] =	ssyncadd.s32 $0xFFFFD8F0  }
0x1c: {  	[hbm4b:s13+s2] =	stream.linear.scatter [tilespmem:s29], [sflag:$0x5], $0x2710, $0x38;
	[tilespmem:$0x15C00] =	vst v63  }
0x1d: {  	s1 =	sadd.s32 $0x1, s1;
	_ =	swait.ge [sflag:s20], $0x2710  }
0x1e: {  	p0 =	sne.s32 s1, s15;
	[sflag:s20] =	ssyncset.done $0x0  }
.Ltmp1:
0x1f: {  	[sflag:s20] =	ssyncadd.s32 $0xFFFFD8F0;
	(pc) =	sbr.rel @!p0 .LBB2_103-.Ltmp1, $4  }
0x20: {  	[hbm4b:s14+s2] =	stream.linear.scatter [tilespmem:s30], [sflag:$0x5], $0x2710, $0x38;
	[tilespmem:$0x15C00] =	vst v63  }
0x21: {  	_ =	swait.ge [sflag:s20], $0x2710  }
0x22: {  	[sflag:s20] =	ssyncset.done $0x0  }
0x23: {  	[sflag:s20] =	ssyncadd.s32 $0xFFFFD8F0  }
.LBB2_1:
0x24: {  	s5 =	simm.s32 $0x13C00  }
0x25: {  	[tilespmem:s5], [sflag:$0x1] =	stream.linear.gather [hbm4b:s3+s2], $0x7D0, $0x38;
	[tilespmem:$0x15C00] =	vst v63  }
0x26: {  	s6 =	simm.s32 $0x14400  }
0x27: {  	[tilespmem:s6], [sflag:$0x2] =	stream.linear.gather [hbm4b:s4+s2], $0x7D0, $0x38;
	[tilespmem:$0x15C00] =	vst v63  }
0x28: {  	s7 =	rddreg [dreg:$0x3]  }
0x29: {  	[tilespmem:s18], [sflag:$0x3] =	stream.linear.gather [hbm4b:s7+s2], $0x7D0, $0x38;
	[tilespmem:$0x15C00] =	vst v63  }
0x2a: {  	s8 =	rddreg [dreg:$0x4]  }
0x2b: {  	[tilespmem:s19], [sflag:$0x4] =	stream.linear.gather [hbm4b:s8+s2], $0x7D0, $0x38;
	[tilespmem:$0x15C00] =	vst v63  }
0x2c: {  	s9 =	rddreg [dreg:$0x5]  }
0x2d: {  	[tilespmem:s2], [sflag:$0x5] =	stream.linear.gather [hbm4b:s9+s2], $0x2710, $0x38;
	[tilespmem:$0x15C00] =	vst v63  }
0x2e: {  	_ =	swait.ge [sflag:s20], $0x2710  }
0x2f: {  	[sflag:s20] =	ssyncset.done $0x0  }
0x30: {  	s16 =	rddreg [dreg:$0x6];
	[sflag:s20] =	ssyncadd.s32 $0xFFFFD8F0  }
0x31: {  	[tilespmem:s21], [sflag:$0x5] =	stream.linear.gather [hbm4b:s16+s2], $0x2710, $0x38;
	[tilespmem:$0x15C00] =	vst v63  }
0x32: {  	_ =	swait.ge [sflag:s20], $0x2710  }
0x33: {  	[sflag:s20] =	ssyncset.done $0x0  }
0x34: {  	s17 =	rddreg [dreg:$0x7];
	[sflag:s20] =	ssyncadd.s32 $0xFFFFD8F0  }
0x35: {  	[tilespmem:s22], [sflag:$0x5] =	stream.linear.gather [hbm4b:s17+s2], $0x2710, $0x38;
	[tilespmem:$0x15C00] =	vst v63  }
0x36: {  	_ =	swait.ge [sflag:s20], $0x2710  }
0x37: {  	[sflag:s20] =	ssyncset.done $0x0  }
0x38: {  	[sflag:s20] =	ssyncadd.s32 $0xFFFFD8F0  }
0x39: {  	[tilespmem:s23], [sflag:$0x5] =	stream.linear.gather [hbm4b:s10+s2], $0x2710, $0x38;
	[tilespmem:$0x15C00] =	vst v63  }
0x3a: {  	_ =	swait.ge [sflag:s20], $0x2710  }
0x3b: {  	[sflag:s20] =	ssyncset.done $0x0  }
0x3c: {  	s5 =	simm.s32 $0x0;
	s6 =	simm.s32 $0x40;
	[sflag:s20] =	ssyncadd.s32 $0xFFFFD8F0  }
.LBB2_2:
0x3d: {  	p0 =	sne.s32 s6, $0x9C00;
	[tilespmem:s5+$0x11480] =	vst v1;
	s7 =	smov.u32 s6;
	s6 =	sadd.s32 $0x40, s6  }
.Ltmp2:
0x3e: {  	[tilespmem:s5+$0xED00] =	vst v1;
	(pc) =	sbr.rel @p0 .LBB2_2-.Ltmp2, $3  }
0x3f: {  	[tilespmem:s5+$0x9E00] =	vst v1  }
0x40: {  	[tilespmem:s5+$0xC580] =	vst v1;
	_ =	sdelay $0x1  }
0x41: {  	s5 =	sshra.s32 s7, $0x2  }
0x42: {  	[tilespmem:s5+$0x11480] =	vst v1  }
0x43: {  	[tilespmem:s5+$0xED00] =	vst v1  }
0x44: {  	[tilespmem:s5+$0x9E00] =	vst v1  }
0x45: {  	s16 =	simm.s32 $0x0;
	[tilespmem:s5+$0xC580] =	vst v1  }
.LBB2_4:
0x46: {  	_ =	swait.ge [sflag:s24], $0x7D0  }
.Ltmp3:
0x47: {  	[sflag:s24] =	ssyncset.done $0x0;
	(pc) =	sbr.rel .LBB2_5-.Ltmp3, $4  }
0x48: {  	[sflag:s24] =	ssyncadd.s32 $0xFFFFF830  }
0x49: {  	_ =	swait.ge [sflag:s25], $0x7D0  }
0x4a: {  	[sflag:s25] =	ssyncset.done $0x0  }
0x4b: {  	s17 =	simm.s32 $0x0;
	[sflag:s25] =	ssyncadd.s32 $0xFFFFF830  }
.LBB2_51:
0x4c: {  	s17 =	sadd.s32 $0x1, s17  }
0x4d: {  	p0 =	sne.s32 s17, $0x19  }
.Ltmp4:
0x4e: {  	_ = 	snop;
	(pc) =	sbr.rel @!p0 .LBB2_52-.Ltmp4, $1  }
0x4f: {  	_ =	sdelay $0x3  }
.LBB2_5:
0x50: {  	s5 =	smul.u32 $0x50, s17;
	_ =	sdelay $0x1  }
0x51: {  	v13 =	vld [tilespmem:s5+$0x13C00]  }
0x52: {  	v12 =	vld [tilespmem:s5+$0x14400];
	_ =	sdelay $0x6  }
0x53: {  	v4 =	vld.idx.msk [tilespmem:v13+s2+$0x0], $0xffff  }
0x54: {  	v5 =	vld.idx.msk [tilespmem:v12+s26+$0x0], $0xffff;
	_ =	sdelay $0x4  }
0x55: {  	v4 =	vmin.f32 v4, v5  }
0x56: {  	[tilespmem:v12+s26+$0x0] =	vst.idx.msk $0xffff, v4  }
0x57: {  	v4 =	vld.idx.msk [tilespmem:v13+s21+$0x0], $0xffff  }
0x58: {  	v5 =	vld.idx.msk [tilespmem:v12+s28+$0x0], $0xffff;
	_ =	sdelay $0x4  }
0x59: {  	v4 =	vmin.f32 v4, v5  }
0x5a: {  	[tilespmem:v12+s28+$0x0] =	vst.idx.msk $0xffff, v4  }
0x5b: {  	v4 =	vld.idx.msk [tilespmem:v13+s22+$0x0], $0xffff  }
0x5c: {  	v5 =	vld.idx.msk [tilespmem:v12+s29+$0x0], $0xffff;
	_ =	sdelay $0x4  }
0x5d: {  	v4 =	vmin.f32 v4, v5  }
0x5e: {  	[tilespmem:v12+s29+$0x0] =	vst.idx.msk $0xffff, v4  }
0x5f: {  	v4 =	vld.idx.msk [tilespmem:v13+s23+$0x0], $0xffff  }
0x60: {  	v5 =	vld.idx.msk [tilespmem:v12+s30+$0x0], $0xffff;
	_ =	sdelay $0x4  }
0x61: {  	v4 =	vmin.f32 v4, v5  }
0x62: {  	[tilespmem:v12+s30+$0x0] =	vst.idx.msk $0xffff, v4  }
0x63: {  	v11 =	vld [tilespmem:s5+$0x13C10]  }
0x64: {  	v10 =	vld [tilespmem:s5+$0x14410];
	_ =	sdelay $0x6  }
0x65: {  	v4 =	vld.idx.msk [tilespmem:v11+s2+$0x0], $0xffff  }
0x66: {  	v5 =	vld.idx.msk [tilespmem:v10+s26+$0x0], $0xffff;
	_ =	sdelay $0x4  }
0x67: {  	v4 =	vmin.f32 v4, v5  }
0x68: {  	[tilespmem:v10+s26+$0x0] =	vst.idx.msk $0xffff, v4  }
0x69: {  	v4 =	vld.idx.msk [tilespmem:v11+s21+$0x0], $0xffff  }
0x6a: {  	v5 =	vld.idx.msk [tilespmem:v10+s28+$0x0], $0xffff;
	_ =	sdelay $0x4  }
0x6b: {  	v4 =	vmin.f32 v4, v5  }
0x6c: {  	[tilespmem:v10+s28+$0x0] =	vst.idx.msk $0xffff, v4  }
0x6d: {  	v4 =	vld.idx.msk [tilespmem:v11+s22+$0x0], $0xffff  }
0x6e: {  	v5 =	vld.idx.msk [tilespmem:v10+s29+$0x0], $0xffff;
	_ =	sdelay $0x4  }
0x6f: {  	v4 =	vmin.f32 v4, v5  }
0x70: {  	[tilespmem:v10+s29+$0x0] =	vst.idx.msk $0xffff, v4  }
0x71: {  	v4 =	vld.idx.msk [tilespmem:v11+s23+$0x0], $0xffff  }
0x72: {  	v5 =	vld.idx.msk [tilespmem:v10+s30+$0x0], $0xffff;
	_ =	sdelay $0x4  }
0x73: {  	v4 =	vmin.f32 v4, v5  }
0x74: {  	[tilespmem:v10+s30+$0x0] =	vst.idx.msk $0xffff, v4  }
0x75: {  	v9 =	vld [tilespmem:s5+$0x13C20]  }
0x76: {  	v8 =	vld [tilespmem:s5+$0x14420];
	_ =	sdelay $0x6  }
0x77: {  	v4 =	vld.idx.msk [tilespmem:v9+s2+$0x0], $0xffff  }
0x78: {  	v5 =	vld.idx.msk [tilespmem:v8+s26+$0x0], $0xffff;
	_ =	sdelay $0x4  }
0x79: {  	v4 =	vmin.f32 v4, v5  }
0x7a: {  	[tilespmem:v8+s26+$0x0] =	vst.idx.msk $0xffff, v4  }
0x7b: {  	v4 =	vld.idx.msk [tilespmem:v9+s21+$0x0], $0xffff  }
0x7c: {  	v5 =	vld.idx.msk [tilespmem:v8+s28+$0x0], $0xffff;
	_ =	sdelay $0x4  }
0x7d: {  	v4 =	vmin.f32 v4, v5  }
0x7e: {  	[tilespmem:v8+s28+$0x0] =	vst.idx.msk $0xffff, v4  }
0x7f: {  	v4 =	vld.idx.msk [tilespmem:v9+s22+$0x0], $0xffff  }
0x80: {  	v5 =	vld.idx.msk [tilespmem:v8+s29+$0x0], $0xffff;
	_ =	sdelay $0x4  }
0x81: {  	v4 =	vmin.f32 v4, v5  }
0x82: {  	[tilespmem:v8+s29+$0x0] =	vst.idx.msk $0xffff, v4  }
0x83: {  	v4 =	vld.idx.msk [tilespmem:v9+s23+$0x0], $0xffff  }
0x84: {  	v5 =	vld.idx.msk [tilespmem:v8+s30+$0x0], $0xffff;
	_ =	sdelay $0x4  }
0x85: {  	v4 =	vmin.f32 v4, v5  }
0x86: {  	[tilespmem:v8+s30+$0x0] =	vst.idx.msk $0xffff, v4  }
0x87: {  	v7 =	vld [tilespmem:s5+$0x13C30]  }
0x88: {  	v6 =	vld [tilespmem:s5+$0x14430];
	_ =	sdelay $0x6  }
0x89: {  	v4 =	vld.idx.msk [tilespmem:v7+s2+$0x0], $0xffff  }
0x8a: {  	v5 =	vld.idx.msk [tilespmem:v6+s26+$0x0], $0xffff;
	_ =	sdelay $0x4  }
0x8b: {  	v4 =	vmin.f32 v4, v5  }
0x8c: {  	[tilespmem:v6+s26+$0x0] =	vst.idx.msk $0xffff, v4  }
0x8d: {  	v4 =	vld.idx.msk [tilespmem:v7+s21+$0x0], $0xffff  }
0x8e: {  	v5 =	vld.idx.msk [tilespmem:v6+s28+$0x0], $0xffff;
	_ =	sdelay $0x4  }
0x8f: {  	v4 =	vmin.f32 v4, v5  }
0x90: {  	[tilespmem:v6+s28+$0x0] =	vst.idx.msk $0xffff, v4  }
0x91: {  	v4 =	vld.idx.msk [tilespmem:v7+s22+$0x0], $0xffff  }
0x92: {  	v5 =	vld.idx.msk [tilespmem:v6+s29+$0x0], $0xffff;
	_ =	sdelay $0x4  }
0x93: {  	v4 =	vmin.f32 v4, v5  }
0x94: {  	(xrf1) =	vsort.ascd.msk.u32 $0xffff, v12, v12;
	[tilespmem:v6+s29+$0x0] =	vst.idx.msk $0xffff, v4  }
0x95: {  	v4 =	vld.idx.msk [tilespmem:v7+s23+$0x0], $0xffff  }
0x96: {  	v5 =	vld.idx.msk [tilespmem:v6+s30+$0x0], $0xffff;
	_ =	sdelay $0x1  }
0x97: {  	(xrf1) =	vsort.ascd.msk.u32 $0xffff, v10, v10;
	_ =	sdelay $0x2  }
0x98: {  	(xrf1) =	vsort.ascd.msk.u32 $0xffff, v8, v8;
	v4 =	vmin.f32 v4, v5  }
0x99: {  	[tilespmem:v6+s30+$0x0] =	vst.idx.msk $0xffff, v4  }
0x9a: {  	v4 =	vld [tilespmem:s5+$0x14440];
	_ =	sdelay $0x1  }
0x9b: {  	(xrf1) =	vsort.ascd.msk.u32 $0xffff, v6, v6;
	_ =	sdelay $0x2  }
0x9c: {  	v5, _, _ =	vpop (xrf1);
	(xrf1) =	vsort.ascd.msk.u32 $0xffff, v4, v4  }
0x9d: {  	v14 =	vperm.xlane v5, v0;
	_ =	sdelay $0x1  }
0x9e: {  	vm0 =	veq.s32 v5, v14  }
0x9f: {  	v15, _, _ =	vpop (xrf1);
	v14 =	vnsel vm0, $0x0, v2  }
0xa0: {  	v16 =	vperm.xlane v15, v0  }
0xa1: {  	v5 =	vld [tilespmem:s5+$0x13C40]  }
0xa2: {  	vm12 =	veq.s32 v15, v16;
	(xrf0) =	vmax.scan.msk.f32 $0xffff, v14;
	v14, _, _ =	vpop (xrf1)  }
0xa3: {  	v15 =	vnsel vm12, $0x0, v2;
	v59 =	vperm.xlane v14, v0;
	_ =	sdelay $0x1  }
0xa4: {  	(xrf0) =	vmax.scan.msk.f32 $0xffff, v15;
	vm13 =	veq.s32 v14, v59  }
0xa5: {  	v15, _, _ =	vpop (xrf1);
	v14 =	vnsel vm13, $0x0, v2  }
0xa6: {  	v60 =	vperm.xlane v15, v0  }
0xa7: {  	v18 =	vld.idx.msk [tilespmem:v4+s26+$0x0], $0xffff;
	v17, _, _ =	vpop (xrf0);
	(xrf0) =	vmax.scan.msk.f32 $0xffff, v14  }
0xa8: {  	vm14 =	veq.s32 v15, v60;
	v15 =	vld.idx.msk [tilespmem:v5+s2+$0x0], $0xffff;
	v14, _, _ =	vpop (xrf1)  }
0xa9: {  	(v2sf) =	vpush v17, $0xF;
	v16 =	vnsel vm14, $0x0, v2;
	v61 =	vperm.xlane v14, v0  }
0xaa: {  	v19, _, _ =	vpop (xrf0);
	(xrf0) =	vmax.scan.msk.f32 $0xffff, v16  }
0xab: {  	(v2sf) =	vpush v19, $0xF;
	vm15 =	veq.s32 v14, v61  }
0xac: {  	v14 =	vnsel vm15, $0x0, v2  }
0xad: {  	v62, _, _ =	vpop (xrf0);
	(xrf0) =	vmax.scan.msk.f32 $0xffff, v14;
	v14 =	vmin.f32 v15, v18  }
0xae: {  	(v2sf) =	vpush v62, $0xF;
	_ =	sdelay $0x1  }
0xaf: {  	[tilespmem:v4+s26+$0x0] =	vst.idx.msk $0xffff, v14;
	v14, _, _ =	vpop (xrf0)  }
0xb0: {  	(v2sf) =	vpush v14, $0xF;
	_ =	sdelay $0x1  }
0xb1: {  	v63, _, _ =	vpop (xrf0)  }
0xb2: {  	v15 =	vld.idx.msk [tilespmem:v5+s21+$0x0], $0xffff;
	(v2sf) =	vpush v63, $0xF  }
0xb3: {  	v14 =	vld.idx.msk [tilespmem:v4+s28+$0x0], $0xffff;
	_ =	sdelay $0x2  }
0xb4: {  	s9 =	spop (v2sf)  }
0xb5: {  	p0 =	sgt.f32 s9, $0.0e+00  }
0xb6: {  	s8 =	spop (v2sf);
	v14 =	vmin.f32 v15, v14  }
0xb7: {  	p1 =	sgt.f32 @!p0 s8, $0.0e+00;
	[tilespmem:v4+s28+$0x0] =	vst.idx.msk $0xffff, v14  }
0xb8: {  	v14 =	vld.idx.msk [tilespmem:v5+s22+$0x0], $0xffff  }
0xb9: {  	p1 =	por p0, p1;
	s7 =	spop (v2sf);
	v15 =	vld.idx.msk [tilespmem:v4+s29+$0x0], $0xffff  }
0xba: {  	p2 =	sgt.f32 @!p1 s7, $0.0e+00;
	_ =	sdelay $0x1  }
0xbb: {  	p1 =	por p1, p2;
	s6 =	spop (v2sf)  }
0xbc: {  	p2 =	sgt.f32 @!p1 s6, $0.0e+00  }
0xbd: {  	v14 =	vmin.f32 v14, v15  }
0xbe: {  	[tilespmem:v4+s29+$0x0] =	vst.idx.msk $0xffff, v14;
	s5 =	spop (v2sf);
	p1 =	por p1, p2  }
0xbf: {  	v14 =	vld.idx.msk [tilespmem:v5+s23+$0x0], $0xffff;
	p2 =	sgt.f32 @!p1 s5, $0.0e+00  }
0xc0: {  	v15 =	vld.idx.msk [tilespmem:v4+s30+$0x0], $0xffff  }
0xc1: {  	p1 =	por p1, p2  }
.Ltmp5:
0xc2: {  	_ = 	snop;
	(pc) =	sbr.rel @!p1 .LBB2_51-.Ltmp5, $3  }
0xc3: {  	_ =	sdelay $0x1  }
0xc4: {  	v14 =	vmin.f32 v14, v15  }
0xc5: {  	[tilespmem:v4+s30+$0x0] =	vst.idx.msk $0xffff, v14  }
.Ltmp6:
0xc6: {  	(pc) =	sbr.rel @!p0 .LBB2_15-.Ltmp6, $1  }
0xc7: {  	_ =	sdelay $0x3  }
0xc8: {  	_ =	sdelay $0x3  }
0xc9: {  	v14 =	vld.idx.msk [tilespmem:v13+s2+$0x0], $0xffff  }
0xca: {  	v15 =	vld.idx.msk [tilespmem:v12+s26+$0x0], $0xffff;
	_ =	sdelay $0x4  }
0xcb: {  	vm0 =	vgt.f32 v15, v14  }
0xcc: {  	v15 =	vsel vm0, $0x3F800000, v3  }
0xcd: {  	(xrf0) =	vmax.scan.msk.f32 $0xffff, v15;
	_ =	sdelay $0x5  }
0xce: {  	v15, _, _ =	vpop (xrf0)  }
0xcf: {  	(v2sf) =	vpush v15, $0xF;
	_ =	sdelay $0xe  }
0xd0: {  	s9 =	spop (v2sf)  }
0xd1: {  	p0 =	sgt.f32 s9, $0.0e+00  }
.Ltmp7:
0xd2: {  	_ = 	snop;
	(pc) =	sbr.rel @!p0 .LBB2_9-.Ltmp7, $1  }
0xd3: {  	_ =	sdelay $0x3  }
.LBB2_8:
0xd4: {  	v15 =	vld.idx.msk [tilespmem:v12+s26+$0x0], $0xffff;
	_ =	sdelay $0x4  }
0xd5: {  	v15 =	vmin.f32 v14, v15  }
0xd6: {  	[tilespmem:v12+s26+$0x0] =	vst.idx.msk vm0, v15  }
0xd7: {  	v15 =	vld.idx.msk [tilespmem:v12+s26+$0x0], $0xffff;
	_ =	sdelay $0x4  }
0xd8: {  	vm1 =	vgt.f32 v15, v14  }
0xd9: {  	vm0 =	vmand vm0, vm1  }
0xda: {  	v15 =	vsel vm0, $0x3F800000, v3  }
0xdb: {  	(xrf0) =	vmax.scan.msk.f32 $0xffff, v15;
	_ =	sdelay $0x5  }
0xdc: {  	v15, _, _ =	vpop (xrf0)  }
0xdd: {  	(v2sf) =	vpush v15, $0xF;
	_ =	sdelay $0xe  }
0xde: {  	s9 =	spop (v2sf)  }
0xdf: {  	p0 =	sgt.f32 s9, $0.0e+00  }
.Ltmp8:
0xe0: {  	_ = 	snop;
	(pc) =	sbr.rel @p0 .LBB2_8-.Ltmp8, $1  }
0xe1: {  	_ =	sdelay $0x3  }
.LBB2_9:
0xe2: {  	_ =	sdelay $0x3  }
0xe3: {  	v14 =	vld.idx.msk [tilespmem:v13+s21+$0x0], $0xffff  }
0xe4: {  	v15 =	vld.idx.msk [tilespmem:v12+s28+$0x0], $0xffff;
	_ =	sdelay $0x4  }
0xe5: {  	vm0 =	vgt.f32 v15, v14  }
0xe6: {  	v15 =	vsel vm0, $0x3F800000, v3  }
0xe7: {  	(xrf0) =	vmax.scan.msk.f32 $0xffff, v15;
	_ =	sdelay $0x5  }
0xe8: {  	v15, _, _ =	vpop (xrf0)  }
0xe9: {  	(v2sf) =	vpush v15, $0xF;
	_ =	sdelay $0xe  }
0xea: {  	s9 =	spop (v2sf)  }
0xeb: {  	p0 =	sgt.f32 s9, $0.0e+00  }
.Ltmp9:
0xec: {  	_ = 	snop;
	(pc) =	sbr.rel @!p0 .LBB2_11-.Ltmp9, $1  }
0xed: {  	_ =	sdelay $0x3  }
.LBB2_10:
0xee: {  	v15 =	vld.idx.msk [tilespmem:v12+s28+$0x0], $0xffff;
	_ =	sdelay $0x4  }
0xef: {  	v15 =	vmin.f32 v14, v15  }
0xf0: {  	[tilespmem:v12+s28+$0x0] =	vst.idx.msk vm0, v15  }
0xf1: {  	v15 =	vld.idx.msk [tilespmem:v12+s28+$0x0], $0xffff;
	_ =	sdelay $0x4  }
0xf2: {  	vm1 =	vgt.f32 v15, v14  }
0xf3: {  	vm0 =	vmand vm0, vm1  }
0xf4: {  	v15 =	vsel vm0, $0x3F800000, v3  }
0xf5: {  	(xrf0) =	vmax.scan.msk.f32 $0xffff, v15;
	_ =	sdelay $0x5  }
0xf6: {  	v15, _, _ =	vpop (xrf0)  }
0xf7: {  	(v2sf) =	vpush v15, $0xF;
	_ =	sdelay $0xe  }
0xf8: {  	s9 =	spop (v2sf)  }
0xf9: {  	p0 =	sgt.f32 s9, $0.0e+00  }
.Ltmp10:
0xfa: {  	_ = 	snop;
	(pc) =	sbr.rel @p0 .LBB2_10-.Ltmp10, $1  }
0xfb: {  	_ =	sdelay $0x3  }
.LBB2_11:
0xfc: {  	_ =	sdelay $0x3  }
0xfd: {  	v14 =	vld.idx.msk [tilespmem:v13+s22+$0x0], $0xffff  }
0xfe: {  	v15 =	vld.idx.msk [tilespmem:v12+s29+$0x0], $0xffff;
	_ =	sdelay $0x4  }
0xff: {  	vm0 =	vgt.f32 v15, v14  }
0x100: {  	v15 =	vsel vm0, $0x3F800000, v3  }
0x101: {  	(xrf0) =	vmax.scan.msk.f32 $0xffff, v15;
	_ =	sdelay $0x5  }
0x102: {  	v15, _, _ =	vpop (xrf0)  }
0x103: {  	(v2sf) =	vpush v15, $0xF;
	_ =	sdelay $0xe  }
0x104: {  	s9 =	spop (v2sf)  }
0x105: {  	p0 =	sgt.f32 s9, $0.0e+00  }
.Ltmp11:
0x106: {  	_ = 	snop;
	(pc) =	sbr.rel @!p0 .LBB2_13-.Ltmp11, $1  }
0x107: {  	_ =	sdelay $0x3  }
.LBB2_12:
0x108: {  	v15 =	vld.idx.msk [tilespmem:v12+s29+$0x0], $0xffff;
	_ =	sdelay $0x4  }
0x109: {  	v15 =	vmin.f32 v14, v15  }
0x10a: {  	[tilespmem:v12+s29+$0x0] =	vst.idx.msk vm0, v15  }
0x10b: {  	v15 =	vld.idx.msk [tilespmem:v12+s29+$0x0], $0xffff;
	_ =	sdelay $0x4  }
0x10c: {  	vm1 =	vgt.f32 v15, v14  }
0x10d: {  	vm0 =	vmand vm0, vm1  }
0x10e: {  	v15 =	vsel vm0, $0x3F800000, v3  }
0x10f: {  	(xrf0) =	vmax.scan.msk.f32 $0xffff, v15;
	_ =	sdelay $0x5  }
0x110: {  	v15, _, _ =	vpop (xrf0)  }
0x111: {  	(v2sf) =	vpush v15, $0xF;
	_ =	sdelay $0xe  }
0x112: {  	s9 =	spop (v2sf)  }
0x113: {  	p0 =	sgt.f32 s9, $0.0e+00  }
.Ltmp12:
0x114: {  	_ = 	snop;
	(pc) =	sbr.rel @p0 .LBB2_12-.Ltmp12, $1  }
0x115: {  	_ =	sdelay $0x3  }
.LBB2_13:
0x116: {  	_ =	sdelay $0x3  }
0x117: {  	v13 =	vld.idx.msk [tilespmem:v13+s23+$0x0], $0xffff  }
0x118: {  	v14 =	vld.idx.msk [tilespmem:v12+s30+$0x0], $0xffff;
	_ =	sdelay $0x4  }
0x119: {  	vm0 =	vgt.f32 v14, v13  }
0x11a: {  	v14 =	vsel vm0, $0x3F800000, v3  }
0x11b: {  	(xrf0) =	vmax.scan.msk.f32 $0xffff, v14;
	_ =	sdelay $0x5  }
0x11c: {  	v14, _, _ =	vpop (xrf0)  }
0x11d: {  	(v2sf) =	vpush v14, $0xF;
	_ =	sdelay $0xe  }
0x11e: {  	s9 =	spop (v2sf)  }
0x11f: {  	p0 =	sgt.f32 s9, $0.0e+00  }
.Ltmp13:
0x120: {  	_ = 	snop;
	(pc) =	sbr.rel @!p0 .LBB2_15-.Ltmp13, $1  }
0x121: {  	_ =	sdelay $0x3  }
.LBB2_14:
0x122: {  	v14 =	vld.idx.msk [tilespmem:v12+s30+$0x0], $0xffff;
	_ =	sdelay $0x4  }
0x123: {  	v14 =	vmin.f32 v13, v14  }
0x124: {  	[tilespmem:v12+s30+$0x0] =	vst.idx.msk vm0, v14  }
0x125: {  	v14 =	vld.idx.msk [tilespmem:v12+s30+$0x0], $0xffff;
	_ =	sdelay $0x4  }
0x126: {  	vm1 =	vgt.f32 v14, v13  }
0x127: {  	vm0 =	vmand vm0, vm1  }
0x128: {  	v14 =	vsel vm0, $0x3F800000, v3  }
0x129: {  	(xrf0) =	vmax.scan.msk.f32 $0xffff, v14;
	_ =	sdelay $0x5  }
0x12a: {  	v14, _, _ =	vpop (xrf0)  }
0x12b: {  	(v2sf) =	vpush v14, $0xF;
	_ =	sdelay $0xe  }
0x12c: {  	s9 =	spop (v2sf)  }
0x12d: {  	p0 =	sgt.f32 s9, $0.0e+00  }
.Ltmp14:
0x12e: {  	_ = 	snop;
	(pc) =	sbr.rel @p0 .LBB2_14-.Ltmp14, $1  }
0x12f: {  	_ =	sdelay $0x3  }
.LBB2_15:
0x130: {  	p0 =	sgt.f32 s8, $0.0e+00  }
.Ltmp15:
0x131: {  	_ = 	snop;
	(pc) =	sbr.rel @!p0 .LBB2_24-.Ltmp15, $1  }
0x132: {  	_ =	sdelay $0x3  }
0x133: {  	_ =	sdelay $0x3  }
0x134: {  	v12 =	vld.idx.msk [tilespmem:v11+s2+$0x0], $0xffff  }
0x135: {  	v13 =	vld.idx.msk [tilespmem:v10+s26+$0x0], $0xffff;
	_ =	sdelay $0x4  }
0x136: {  	vm0 =	vgt.f32 v13, v12  }
0x137: {  	v13 =	vsel vm0, $0x3F800000, v3  }
0x138: {  	(xrf0) =	vmax.scan.msk.f32 $0xffff, v13;
	_ =	sdelay $0x5  }
0x139: {  	v13, _, _ =	vpop (xrf0)  }
0x13a: {  	(v2sf) =	vpush v13, $0xF;
	_ =	sdelay $0xe  }
0x13b: {  	s8 =	spop (v2sf)  }
0x13c: {  	p0 =	sgt.f32 s8, $0.0e+00  }
.Ltmp16:
0x13d: {  	_ = 	snop;
	(pc) =	sbr.rel @!p0 .LBB2_18-.Ltmp16, $1  }
0x13e: {  	_ =	sdelay $0x3  }
.LBB2_17:
0x13f: {  	v13 =	vld.idx.msk [tilespmem:v10+s26+$0x0], $0xffff;
	_ =	sdelay $0x4  }
0x140: {  	v13 =	vmin.f32 v12, v13  }
0x141: {  	[tilespmem:v10+s26+$0x0] =	vst.idx.msk vm0, v13  }
0x142: {  	v13 =	vld.idx.msk [tilespmem:v10+s26+$0x0], $0xffff;
	_ =	sdelay $0x4  }
0x143: {  	vm1 =	vgt.f32 v13, v12  }
0x144: {  	vm0 =	vmand vm0, vm1  }
0x145: {  	v13 =	vsel vm0, $0x3F800000, v3  }
0x146: {  	(xrf0) =	vmax.scan.msk.f32 $0xffff, v13;
	_ =	sdelay $0x5  }
0x147: {  	v13, _, _ =	vpop (xrf0)  }
0x148: {  	(v2sf) =	vpush v13, $0xF;
	_ =	sdelay $0xe  }
0x149: {  	s8 =	spop (v2sf)  }
0x14a: {  	p0 =	sgt.f32 s8, $0.0e+00  }
.Ltmp17:
0x14b: {  	_ = 	snop;
	(pc) =	sbr.rel @p0 .LBB2_17-.Ltmp17, $1  }
0x14c: {  	_ =	sdelay $0x3  }
.LBB2_18:
0x14d: {  	_ =	sdelay $0x3  }
0x14e: {  	v12 =	vld.idx.msk [tilespmem:v11+s21+$0x0], $0xffff  }
0x14f: {  	v13 =	vld.idx.msk [tilespmem:v10+s28+$0x0], $0xffff;
	_ =	sdelay $0x4  }
0x150: {  	vm0 =	vgt.f32 v13, v12  }
0x151: {  	v13 =	vsel vm0, $0x3F800000, v3  }
0x152: {  	(xrf0) =	vmax.scan.msk.f32 $0xffff, v13;
	_ =	sdelay $0x5  }
0x153: {  	v13, _, _ =	vpop (xrf0)  }
0x154: {  	(v2sf) =	vpush v13, $0xF;
	_ =	sdelay $0xe  }
0x155: {  	s8 =	spop (v2sf)  }
0x156: {  	p0 =	sgt.f32 s8, $0.0e+00  }
.Ltmp18:
0x157: {  	_ = 	snop;
	(pc) =	sbr.rel @!p0 .LBB2_20-.Ltmp18, $1  }
0x158: {  	_ =	sdelay $0x3  }
.LBB2_19:
0x159: {  	v13 =	vld.idx.msk [tilespmem:v10+s28+$0x0], $0xffff;
	_ =	sdelay $0x4  }
0x15a: {  	v13 =	vmin.f32 v12, v13  }
0x15b: {  	[tilespmem:v10+s28+$0x0] =	vst.idx.msk vm0, v13  }
0x15c: {  	v13 =	vld.idx.msk [tilespmem:v10+s28+$0x0], $0xffff;
	_ =	sdelay $0x4  }
0x15d: {  	vm1 =	vgt.f32 v13, v12  }
0x15e: {  	vm0 =	vmand vm0, vm1  }
0x15f: {  	v13 =	vsel vm0, $0x3F800000, v3  }
0x160: {  	(xrf0) =	vmax.scan.msk.f32 $0xffff, v13;
	_ =	sdelay $0x5  }
0x161: {  	v13, _, _ =	vpop (xrf0)  }
0x162: {  	(v2sf) =	vpush v13, $0xF;
	_ =	sdelay $0xe  }
0x163: {  	s8 =	spop (v2sf)  }
0x164: {  	p0 =	sgt.f32 s8, $0.0e+00  }
.Ltmp19:
0x165: {  	_ = 	snop;
	(pc) =	sbr.rel @p0 .LBB2_19-.Ltmp19, $1  }
0x166: {  	_ =	sdelay $0x3  }
.LBB2_20:
0x167: {  	_ =	sdelay $0x3  }
0x168: {  	v12 =	vld.idx.msk [tilespmem:v11+s22+$0x0], $0xffff  }
0x169: {  	v13 =	vld.idx.msk [tilespmem:v10+s29+$0x0], $0xffff;
	_ =	sdelay $0x4  }
0x16a: {  	vm0 =	vgt.f32 v13, v12  }
0x16b: {  	v13 =	vsel vm0, $0x3F800000, v3  }
0x16c: {  	(xrf0) =	vmax.scan.msk.f32 $0xffff, v13;
	_ =	sdelay $0x5  }
0x16d: {  	v13, _, _ =	vpop (xrf0)  }
0x16e: {  	(v2sf) =	vpush v13, $0xF;
	_ =	sdelay $0xe  }
0x16f: {  	s8 =	spop (v2sf)  }
0x170: {  	p0 =	sgt.f32 s8, $0.0e+00  }
.Ltmp20:
0x171: {  	_ = 	snop;
	(pc) =	sbr.rel @!p0 .LBB2_22-.Ltmp20, $1  }
0x172: {  	_ =	sdelay $0x3  }
.LBB2_21:
0x173: {  	v13 =	vld.idx.msk [tilespmem:v10+s29+$0x0], $0xffff;
	_ =	sdelay $0x4  }
0x174: {  	v13 =	vmin.f32 v12, v13  }
0x175: {  	[tilespmem:v10+s29+$0x0] =	vst.idx.msk vm0, v13  }
0x176: {  	v13 =	vld.idx.msk [tilespmem:v10+s29+$0x0], $0xffff;
	_ =	sdelay $0x4  }
0x177: {  	vm1 =	vgt.f32 v13, v12  }
0x178: {  	vm0 =	vmand vm0, vm1  }
0x179: {  	v13 =	vsel vm0, $0x3F800000, v3  }
0x17a: {  	(xrf0) =	vmax.scan.msk.f32 $0xffff, v13;
	_ =	sdelay $0x5  }
0x17b: {  	v13, _, _ =	vpop (xrf0)  }
0x17c: {  	(v2sf) =	vpush v13, $0xF;
	_ =	sdelay $0xe  }
0x17d: {  	s8 =	spop (v2sf)  }
0x17e: {  	p0 =	sgt.f32 s8, $0.0e+00  }
.Ltmp21:
0x17f: {  	_ = 	snop;
	(pc) =	sbr.rel @p0 .LBB2_21-.Ltmp21, $1  }
0x180: {  	_ =	sdelay $0x3  }
.LBB2_22:
0x181: {  	_ =	sdelay $0x3  }
0x182: {  	v11 =	vld.idx.msk [tilespmem:v11+s23+$0x0], $0xffff  }
0x183: {  	v12 =	vld.idx.msk [tilespmem:v10+s30+$0x0], $0xffff;
	_ =	sdelay $0x4  }
0x184: {  	vm0 =	vgt.f32 v12, v11  }
0x185: {  	v12 =	vsel vm0, $0x3F800000, v3  }
0x186: {  	(xrf0) =	vmax.scan.msk.f32 $0xffff, v12;
	_ =	sdelay $0x5  }
0x187: {  	v12, _, _ =	vpop (xrf0)  }
0x188: {  	(v2sf) =	vpush v12, $0xF;
	_ =	sdelay $0xe  }
0x189: {  	s8 =	spop (v2sf)  }
0x18a: {  	p0 =	sgt.f32 s8, $0.0e+00  }
.Ltmp22:
0x18b: {  	_ = 	snop;
	(pc) =	sbr.rel @!p0 .LBB2_24-.Ltmp22, $1  }
0x18c: {  	_ =	sdelay $0x3  }
.LBB2_23:
0x18d: {  	v12 =	vld.idx.msk [tilespmem:v10+s30+$0x0], $0xffff;
	_ =	sdelay $0x4  }
0x18e: {  	v12 =	vmin.f32 v11, v12  }
0x18f: {  	[tilespmem:v10+s30+$0x0] =	vst.idx.msk vm0, v12  }
0x190: {  	v12 =	vld.idx.msk [tilespmem:v10+s30+$0x0], $0xffff;
	_ =	sdelay $0x4  }
0x191: {  	vm1 =	vgt.f32 v12, v11  }
0x192: {  	vm0 =	vmand vm0, vm1  }
0x193: {  	v63 =	vsel vm0, $0x3F800000, v3  }
0x194: {  	(xrf0) =	vmax.scan.msk.f32 $0xffff, v63;
	_ =	sdelay $0x5  }
0x195: {  	v12, _, _ =	vpop (xrf0)  }
0x196: {  	(v2sf) =	vpush v12, $0xF;
	_ =	sdelay $0xe  }
0x197: {  	s8 =	spop (v2sf)  }
0x198: {  	p0 =	sgt.f32 s8, $0.0e+00  }
.Ltmp23:
0x199: {  	_ = 	snop;
	(pc) =	sbr.rel @p0 .LBB2_23-.Ltmp23, $1  }
0x19a: {  	_ =	sdelay $0x3  }
.LBB2_24:
0x19b: {  	p0 =	sgt.f32 s7, $0.0e+00  }
.Ltmp24:
0x19c: {  	_ = 	snop;
	(pc) =	sbr.rel @!p0 .LBB2_33-.Ltmp24, $1  }
0x19d: {  	_ =	sdelay $0x3  }
0x19e: {  	_ =	sdelay $0x3  }
0x19f: {  	v10 =	vld.idx.msk [tilespmem:v9+s2+$0x0], $0xffff  }
0x1a0: {  	v11 =	vld.idx.msk [tilespmem:v8+s26+$0x0], $0xffff;
	_ =	sdelay $0x4  }
0x1a1: {  	vm0 =	vgt.f32 v11, v10  }
0x1a2: {  	v11 =	vsel vm0, $0x3F800000, v3  }
0x1a3: {  	(xrf0) =	vmax.scan.msk.f32 $0xffff, v11;
	_ =	sdelay $0x5  }
0x1a4: {  	v11, _, _ =	vpop (xrf0)  }
0x1a5: {  	(v2sf) =	vpush v11, $0xF;
	_ =	sdelay $0xe  }
0x1a6: {  	s7 =	spop (v2sf)  }
0x1a7: {  	p0 =	sgt.f32 s7, $0.0e+00  }
.Ltmp25:
0x1a8: {  	_ = 	snop;
	(pc) =	sbr.rel @!p0 .LBB2_27-.Ltmp25, $1  }
0x1a9: {  	_ =	sdelay $0x3  }
.LBB2_26:
0x1aa: {  	v11 =	vld.idx.msk [tilespmem:v8+s26+$0x0], $0xffff;
	_ =	sdelay $0x4  }
0x1ab: {  	v11 =	vmin.f32 v10, v11  }
0x1ac: {  	[tilespmem:v8+s26+$0x0] =	vst.idx.msk vm0, v11  }
0x1ad: {  	v11 =	vld.idx.msk [tilespmem:v8+s26+$0x0], $0xffff;
	_ =	sdelay $0x4  }
0x1ae: {  	vm1 =	vgt.f32 v11, v10  }
0x1af: {  	vm0 =	vmand vm0, vm1  }
0x1b0: {  	v11 =	vsel vm0, $0x3F800000, v3  }
0x1b1: {  	(xrf0) =	vmax.scan.msk.f32 $0xffff, v11;
	_ =	sdelay $0x5  }
0x1b2: {  	v11, _, _ =	vpop (xrf0)  }
0x1b3: {  	(v2sf) =	vpush v11, $0xF;
	_ =	sdelay $0xe  }
0x1b4: {  	s7 =	spop (v2sf)  }
0x1b5: {  	p0 =	sgt.f32 s7, $0.0e+00  }
.Ltmp26:
0x1b6: {  	_ = 	snop;
	(pc) =	sbr.rel @p0 .LBB2_26-.Ltmp26, $1  }
0x1b7: {  	_ =	sdelay $0x3  }
.LBB2_27:
0x1b8: {  	_ =	sdelay $0x3  }
0x1b9: {  	v10 =	vld.idx.msk [tilespmem:v9+s21+$0x0], $0xffff  }
0x1ba: {  	v11 =	vld.idx.msk [tilespmem:v8+s28+$0x0], $0xffff;
	_ =	sdelay $0x4  }
0x1bb: {  	vm0 =	vgt.f32 v11, v10  }
0x1bc: {  	v11 =	vsel vm0, $0x3F800000, v3  }
0x1bd: {  	(xrf0) =	vmax.scan.msk.f32 $0xffff, v11;
	_ =	sdelay $0x5  }
0x1be: {  	v11, _, _ =	vpop (xrf0)  }
0x1bf: {  	(v2sf) =	vpush v11, $0xF;
	_ =	sdelay $0xe  }
0x1c0: {  	s7 =	spop (v2sf)  }
0x1c1: {  	p0 =	sgt.f32 s7, $0.0e+00  }
.Ltmp27:
0x1c2: {  	_ = 	snop;
	(pc) =	sbr.rel @!p0 .LBB2_29-.Ltmp27, $1  }
0x1c3: {  	_ =	sdelay $0x3  }
.LBB2_28:
0x1c4: {  	v11 =	vld.idx.msk [tilespmem:v8+s28+$0x0], $0xffff;
	_ =	sdelay $0x4  }
0x1c5: {  	v11 =	vmin.f32 v10, v11  }
0x1c6: {  	[tilespmem:v8+s28+$0x0] =	vst.idx.msk vm0, v11  }
0x1c7: {  	v11 =	vld.idx.msk [tilespmem:v8+s28+$0x0], $0xffff;
	_ =	sdelay $0x4  }
0x1c8: {  	vm1 =	vgt.f32 v11, v10  }
0x1c9: {  	vm0 =	vmand vm0, vm1  }
0x1ca: {  	v11 =	vsel vm0, $0x3F800000, v3  }
0x1cb: {  	(xrf0) =	vmax.scan.msk.f32 $0xffff, v11;
	_ =	sdelay $0x5  }
0x1cc: {  	v11, _, _ =	vpop (xrf0)  }
0x1cd: {  	(v2sf) =	vpush v11, $0xF;
	_ =	sdelay $0xe  }
0x1ce: {  	s7 =	spop (v2sf)  }
0x1cf: {  	p0 =	sgt.f32 s7, $0.0e+00  }
.Ltmp28:
0x1d0: {  	_ = 	snop;
	(pc) =	sbr.rel @p0 .LBB2_28-.Ltmp28, $1  }
0x1d1: {  	_ =	sdelay $0x3  }
.LBB2_29:
0x1d2: {  	_ =	sdelay $0x3  }
0x1d3: {  	v10 =	vld.idx.msk [tilespmem:v9+s22+$0x0], $0xffff  }
0x1d4: {  	v11 =	vld.idx.msk [tilespmem:v8+s29+$0x0], $0xffff;
	_ =	sdelay $0x4  }
0x1d5: {  	vm0 =	vgt.f32 v11, v10  }
0x1d6: {  	v11 =	vsel vm0, $0x3F800000, v3  }
0x1d7: {  	(xrf0) =	vmax.scan.msk.f32 $0xffff, v11;
	_ =	sdelay $0x5  }
0x1d8: {  	v11, _, _ =	vpop (xrf0)  }
0x1d9: {  	(v2sf) =	vpush v11, $0xF;
	_ =	sdelay $0xe  }
0x1da: {  	s7 =	spop (v2sf)  }
0x1db: {  	p0 =	sgt.f32 s7, $0.0e+00  }
.Ltmp29:
0x1dc: {  	_ = 	snop;
	(pc) =	sbr.rel @!p0 .LBB2_31-.Ltmp29, $1  }
0x1dd: {  	_ =	sdelay $0x3  }
.LBB2_30:
0x1de: {  	v11 =	vld.idx.msk [tilespmem:v8+s29+$0x0], $0xffff;
	_ =	sdelay $0x4  }
0x1df: {  	v11 =	vmin.f32 v10, v11  }
0x1e0: {  	[tilespmem:v8+s29+$0x0] =	vst.idx.msk vm0, v11  }
0x1e1: {  	v11 =	vld.idx.msk [tilespmem:v8+s29+$0x0], $0xffff;
	_ =	sdelay $0x4  }
0x1e2: {  	vm1 =	vgt.f32 v11, v10  }
0x1e3: {  	vm0 =	vmand vm0, vm1  }
0x1e4: {  	v11 =	vsel vm0, $0x3F800000, v3  }
0x1e5: {  	(xrf0) =	vmax.scan.msk.f32 $0xffff, v11;
	_ =	sdelay $0x5  }
0x1e6: {  	v11, _, _ =	vpop (xrf0)  }
0x1e7: {  	(v2sf) =	vpush v11, $0xF;
	_ =	sdelay $0xe  }
0x1e8: {  	s7 =	spop (v2sf)  }
0x1e9: {  	p0 =	sgt.f32 s7, $0.0e+00  }
.Ltmp30:
0x1ea: {  	_ = 	snop;
	(pc) =	sbr.rel @p0 .LBB2_30-.Ltmp30, $1  }
0x1eb: {  	_ =	sdelay $0x3  }
.LBB2_31:
0x1ec: {  	_ =	sdelay $0x3  }
0x1ed: {  	v9 =	vld.idx.msk [tilespmem:v9+s23+$0x0], $0xffff  }
0x1ee: {  	v10 =	vld.idx.msk [tilespmem:v8+s30+$0x0], $0xffff;
	_ =	sdelay $0x4  }
0x1ef: {  	vm0 =	vgt.f32 v10, v9  }
0x1f0: {  	v10 =	vsel vm0, $0x3F800000, v3  }
0x1f1: {  	(xrf0) =	vmax.scan.msk.f32 $0xffff, v10;
	_ =	sdelay $0x5  }
0x1f2: {  	v10, _, _ =	vpop (xrf0)  }
0x1f3: {  	(v2sf) =	vpush v10, $0xF;
	_ =	sdelay $0xe  }
0x1f4: {  	s7 =	spop (v2sf)  }
0x1f5: {  	p0 =	sgt.f32 s7, $0.0e+00  }
.Ltmp31:
0x1f6: {  	_ = 	snop;
	(pc) =	sbr.rel @!p0 .LBB2_33-.Ltmp31, $1  }
0x1f7: {  	_ =	sdelay $0x3  }
.LBB2_32:
0x1f8: {  	v10 =	vld.idx.msk [tilespmem:v8+s30+$0x0], $0xffff;
	_ =	sdelay $0x4  }
0x1f9: {  	v10 =	vmin.f32 v9, v10  }
0x1fa: {  	[tilespmem:v8+s30+$0x0] =	vst.idx.msk vm0, v10  }
0x1fb: {  	v10 =	vld.idx.msk [tilespmem:v8+s30+$0x0], $0xffff;
	_ =	sdelay $0x4  }
0x1fc: {  	vm1 =	vgt.f32 v10, v9  }
0x1fd: {  	vm0 =	vmand vm0, vm1  }
0x1fe: {  	v10 =	vsel vm0, $0x3F800000, v3  }
0x1ff: {  	(xrf0) =	vmax.scan.msk.f32 $0xffff, v10;
	_ =	sdelay $0x5  }
0x200: {  	v10, _, _ =	vpop (xrf0)  }
0x201: {  	(v2sf) =	vpush v10, $0xF;
	_ =	sdelay $0xe  }
0x202: {  	s7 =	spop (v2sf)  }
0x203: {  	p0 =	sgt.f32 s7, $0.0e+00  }
.Ltmp32:
0x204: {  	_ = 	snop;
	(pc) =	sbr.rel @p0 .LBB2_32-.Ltmp32, $1  }
0x205: {  	_ =	sdelay $0x3  }
.LBB2_33:
0x206: {  	p0 =	sgt.f32 s6, $0.0e+00  }
.Ltmp33:
0x207: {  	_ = 	snop;
	(pc) =	sbr.rel @!p0 .LBB2_42-.Ltmp33, $1  }
0x208: {  	_ =	sdelay $0x3  }
0x209: {  	_ =	sdelay $0x3  }
0x20a: {  	v8 =	vld.idx.msk [tilespmem:v7+s2+$0x0], $0xffff  }
0x20b: {  	v9 =	vld.idx.msk [tilespmem:v6+s26+$0x0], $0xffff;
	_ =	sdelay $0x4  }
0x20c: {  	vm0 =	vgt.f32 v9, v8  }
0x20d: {  	v9 =	vsel vm0, $0x3F800000, v3  }
0x20e: {  	(xrf0) =	vmax.scan.msk.f32 $0xffff, v9;
	_ =	sdelay $0x5  }
0x20f: {  	v9, _, _ =	vpop (xrf0)  }
0x210: {  	(v2sf) =	vpush v9, $0xF;
	_ =	sdelay $0xe  }
0x211: {  	s6 =	spop (v2sf)  }
0x212: {  	p0 =	sgt.f32 s6, $0.0e+00  }
.Ltmp34:
0x213: {  	_ = 	snop;
	(pc) =	sbr.rel @!p0 .LBB2_36-.Ltmp34, $1  }
0x214: {  	_ =	sdelay $0x3  }
.LBB2_35:
0x215: {  	v9 =	vld.idx.msk [tilespmem:v6+s26+$0x0], $0xffff;
	_ =	sdelay $0x4  }
0x216: {  	v9 =	vmin.f32 v8, v9  }
0x217: {  	[tilespmem:v6+s26+$0x0] =	vst.idx.msk vm0, v9  }
0x218: {  	v9 =	vld.idx.msk [tilespmem:v6+s26+$0x0], $0xffff;
	_ =	sdelay $0x4  }
0x219: {  	vm1 =	vgt.f32 v9, v8  }
0x21a: {  	vm0 =	vmand vm0, vm1  }
0x21b: {  	v9 =	vsel vm0, $0x3F800000, v3  }
0x21c: {  	(xrf0) =	vmax.scan.msk.f32 $0xffff, v9;
	_ =	sdelay $0x5  }
0x21d: {  	v9, _, _ =	vpop (xrf0)  }
0x21e: {  	(v2sf) =	vpush v9, $0xF;
	_ =	sdelay $0xe  }
0x21f: {  	s6 =	spop (v2sf)  }
0x220: {  	p0 =	sgt.f32 s6, $0.0e+00  }
.Ltmp35:
0x221: {  	_ = 	snop;
	(pc) =	sbr.rel @p0 .LBB2_35-.Ltmp35, $1  }
0x222: {  	_ =	sdelay $0x3  }
.LBB2_36:
0x223: {  	_ =	sdelay $0x3  }
0x224: {  	v8 =	vld.idx.msk [tilespmem:v7+s21+$0x0], $0xffff  }
0x225: {  	v9 =	vld.idx.msk [tilespmem:v6+s28+$0x0], $0xffff;
	_ =	sdelay $0x4  }
0x226: {  	vm0 =	vgt.f32 v9, v8  }
0x227: {  	v9 =	vsel vm0, $0x3F800000, v3  }
0x228: {  	(xrf0) =	vmax.scan.msk.f32 $0xffff, v9;
	_ =	sdelay $0x5  }
0x229: {  	v9, _, _ =	vpop (xrf0)  }
0x22a: {  	(v2sf) =	vpush v9, $0xF;
	_ =	sdelay $0xe  }
0x22b: {  	s6 =	spop (v2sf)  }
0x22c: {  	p0 =	sgt.f32 s6, $0.0e+00  }
.Ltmp36:
0x22d: {  	_ = 	snop;
	(pc) =	sbr.rel @!p0 .LBB2_38-.Ltmp36, $1  }
0x22e: {  	_ =	sdelay $0x3  }
.LBB2_37:
0x22f: {  	v9 =	vld.idx.msk [tilespmem:v6+s28+$0x0], $0xffff;
	_ =	sdelay $0x4  }
0x230: {  	v9 =	vmin.f32 v8, v9  }
0x231: {  	[tilespmem:v6+s28+$0x0] =	vst.idx.msk vm0, v9  }
0x232: {  	v9 =	vld.idx.msk [tilespmem:v6+s28+$0x0], $0xffff;
	_ =	sdelay $0x4  }
0x233: {  	vm1 =	vgt.f32 v9, v8  }
0x234: {  	vm0 =	vmand vm0, vm1  }
0x235: {  	v9 =	vsel vm0, $0x3F800000, v3  }
0x236: {  	(xrf0) =	vmax.scan.msk.f32 $0xffff, v9;
	_ =	sdelay $0x5  }
0x237: {  	v9, _, _ =	vpop (xrf0)  }
0x238: {  	(v2sf) =	vpush v9, $0xF;
	_ =	sdelay $0xe  }
0x239: {  	s6 =	spop (v2sf)  }
0x23a: {  	p0 =	sgt.f32 s6, $0.0e+00  }
.Ltmp37:
0x23b: {  	_ = 	snop;
	(pc) =	sbr.rel @p0 .LBB2_37-.Ltmp37, $1  }
0x23c: {  	_ =	sdelay $0x3  }
.LBB2_38:
0x23d: {  	_ =	sdelay $0x3  }
0x23e: {  	v8 =	vld.idx.msk [tilespmem:v7+s22+$0x0], $0xffff  }
0x23f: {  	v9 =	vld.idx.msk [tilespmem:v6+s29+$0x0], $0xffff;
	_ =	sdelay $0x4  }
0x240: {  	vm0 =	vgt.f32 v9, v8  }
0x241: {  	v9 =	vsel vm0, $0x3F800000, v3  }
0x242: {  	(xrf0) =	vmax.scan.msk.f32 $0xffff, v9;
	_ =	sdelay $0x5  }
0x243: {  	v9, _, _ =	vpop (xrf0)  }
0x244: {  	(v2sf) =	vpush v9, $0xF;
	_ =	sdelay $0xe  }
0x245: {  	s6 =	spop (v2sf)  }
0x246: {  	p0 =	sgt.f32 s6, $0.0e+00  }
.Ltmp38:
0x247: {  	_ = 	snop;
	(pc) =	sbr.rel @!p0 .LBB2_40-.Ltmp38, $1  }
0x248: {  	_ =	sdelay $0x3  }
.LBB2_39:
0x249: {  	v9 =	vld.idx.msk [tilespmem:v6+s29+$0x0], $0xffff;
	_ =	sdelay $0x4  }
0x24a: {  	v9 =	vmin.f32 v8, v9  }
0x24b: {  	[tilespmem:v6+s29+$0x0] =	vst.idx.msk vm0, v9  }
0x24c: {  	v9 =	vld.idx.msk [tilespmem:v6+s29+$0x0], $0xffff;
	_ =	sdelay $0x4  }
0x24d: {  	vm1 =	vgt.f32 v9, v8  }
0x24e: {  	vm0 =	vmand vm0, vm1  }
0x24f: {  	v9 =	vsel vm0, $0x3F800000, v3  }
0x250: {  	(xrf0) =	vmax.scan.msk.f32 $0xffff, v9;
	_ =	sdelay $0x5  }
0x251: {  	v9, _, _ =	vpop (xrf0)  }
0x252: {  	(v2sf) =	vpush v9, $0xF;
	_ =	sdelay $0xe  }
0x253: {  	s6 =	spop (v2sf)  }
0x254: {  	p0 =	sgt.f32 s6, $0.0e+00  }
.Ltmp39:
0x255: {  	_ = 	snop;
	(pc) =	sbr.rel @p0 .LBB2_39-.Ltmp39, $1  }
0x256: {  	_ =	sdelay $0x3  }
.LBB2_40:
0x257: {  	_ =	sdelay $0x3  }
0x258: {  	v7 =	vld.idx.msk [tilespmem:v7+s23+$0x0], $0xffff  }
0x259: {  	v8 =	vld.idx.msk [tilespmem:v6+s30+$0x0], $0xffff;
	_ =	sdelay $0x4  }
0x25a: {  	vm0 =	vgt.f32 v8, v7  }
0x25b: {  	v8 =	vsel vm0, $0x3F800000, v3  }
0x25c: {  	(xrf0) =	vmax.scan.msk.f32 $0xffff, v8;
	_ =	sdelay $0x5  }
0x25d: {  	v8, _, _ =	vpop (xrf0)  }
0x25e: {  	(v2sf) =	vpush v8, $0xF;
	_ =	sdelay $0xe  }
0x25f: {  	s6 =	spop (v2sf)  }
0x260: {  	p0 =	sgt.f32 s6, $0.0e+00  }
.Ltmp40:
0x261: {  	_ = 	snop;
	(pc) =	sbr.rel @!p0 .LBB2_42-.Ltmp40, $1  }
0x262: {  	_ =	sdelay $0x3  }
.LBB2_41:
0x263: {  	v8 =	vld.idx.msk [tilespmem:v6+s30+$0x0], $0xffff;
	_ =	sdelay $0x4  }
0x264: {  	v8 =	vmin.f32 v7, v8  }
0x265: {  	[tilespmem:v6+s30+$0x0] =	vst.idx.msk vm0, v8  }
0x266: {  	v8 =	vld.idx.msk [tilespmem:v6+s30+$0x0], $0xffff;
	_ =	sdelay $0x4  }
0x267: {  	vm1 =	vgt.f32 v8, v7  }
0x268: {  	vm0 =	vmand vm0, vm1  }
0x269: {  	v8 =	vsel vm0, $0x3F800000, v3  }
0x26a: {  	(xrf0) =	vmax.scan.msk.f32 $0xffff, v8;
	_ =	sdelay $0x5  }
0x26b: {  	v8, _, _ =	vpop (xrf0)  }
0x26c: {  	(v2sf) =	vpush v8, $0xF;
	_ =	sdelay $0xe  }
0x26d: {  	s6 =	spop (v2sf)  }
0x26e: {  	p0 =	sgt.f32 s6, $0.0e+00  }
.Ltmp41:
0x26f: {  	_ = 	snop;
	(pc) =	sbr.rel @p0 .LBB2_41-.Ltmp41, $1  }
0x270: {  	_ =	sdelay $0x3  }
.LBB2_42:
0x271: {  	p0 =	sgt.f32 s5, $0.0e+00  }
.Ltmp42:
0x272: {  	_ = 	snop;
	(pc) =	sbr.rel @!p0 .LBB2_51-.Ltmp42, $1  }
0x273: {  	_ =	sdelay $0x3  }
0x274: {  	_ =	sdelay $0x3  }
0x275: {  	v6 =	vld.idx.msk [tilespmem:v5+s2+$0x0], $0xffff  }
0x276: {  	v7 =	vld.idx.msk [tilespmem:v4+s26+$0x0], $0xffff;
	_ =	sdelay $0x4  }
0x277: {  	vm0 =	vgt.f32 v7, v6  }
0x278: {  	v7 =	vsel vm0, $0x3F800000, v3  }
0x279: {  	(xrf0) =	vmax.scan.msk.f32 $0xffff, v7;
	_ =	sdelay $0x5  }
0x27a: {  	v7, _, _ =	vpop (xrf0)  }
0x27b: {  	(v2sf) =	vpush v7, $0xF;
	_ =	sdelay $0xe  }
0x27c: {  	s5 =	spop (v2sf)  }
0x27d: {  	p0 =	sgt.f32 s5, $0.0e+00  }
.Ltmp43:
0x27e: {  	_ = 	snop;
	(pc) =	sbr.rel @!p0 .LBB2_45-.Ltmp43, $1  }
0x27f: {  	_ =	sdelay $0x3  }
.LBB2_44:
0x280: {  	v7 =	vld.idx.msk [tilespmem:v4+s26+$0x0], $0xffff;
	_ =	sdelay $0x4  }
0x281: {  	v7 =	vmin.f32 v6, v7  }
0x282: {  	[tilespmem:v4+s26+$0x0] =	vst.idx.msk vm0, v7  }
0x283: {  	v7 =	vld.idx.msk [tilespmem:v4+s26+$0x0], $0xffff;
	_ =	sdelay $0x4  }
0x284: {  	vm1 =	vgt.f32 v7, v6  }
0x285: {  	vm0 =	vmand vm0, vm1  }
0x286: {  	v7 =	vsel vm0, $0x3F800000, v3  }
0x287: {  	(xrf0) =	vmax.scan.msk.f32 $0xffff, v7;
	_ =	sdelay $0x5  }
0x288: {  	v7, _, _ =	vpop (xrf0)  }
0x289: {  	(v2sf) =	vpush v7, $0xF;
	_ =	sdelay $0xe  }
0x28a: {  	s5 =	spop (v2sf)  }
0x28b: {  	p0 =	sgt.f32 s5, $0.0e+00  }
.Ltmp44:
0x28c: {  	_ = 	snop;
	(pc) =	sbr.rel @p0 .LBB2_44-.Ltmp44, $1  }
0x28d: {  	_ =	sdelay $0x3  }
.LBB2_45:
0x28e: {  	_ =	sdelay $0x3  }
0x28f: {  	v6 =	vld.idx.msk [tilespmem:v5+s21+$0x0], $0xffff  }
0x290: {  	v7 =	vld.idx.msk [tilespmem:v4+s28+$0x0], $0xffff;
	_ =	sdelay $0x4  }
0x291: {  	vm0 =	vgt.f32 v7, v6  }
0x292: {  	v7 =	vsel vm0, $0x3F800000, v3  }
0x293: {  	(xrf0) =	vmax.scan.msk.f32 $0xffff, v7;
	_ =	sdelay $0x5  }
0x294: {  	v7, _, _ =	vpop (xrf0)  }
0x295: {  	(v2sf) =	vpush v7, $0xF;
	_ =	sdelay $0xe  }
0x296: {  	s5 =	spop (v2sf)  }
0x297: {  	p0 =	sgt.f32 s5, $0.0e+00  }
.Ltmp45:
0x298: {  	_ = 	snop;
	(pc) =	sbr.rel @!p0 .LBB2_47-.Ltmp45, $1  }
0x299: {  	_ =	sdelay $0x3  }
.LBB2_46:
0x29a: {  	v7 =	vld.idx.msk [tilespmem:v4+s28+$0x0], $0xffff;
	_ =	sdelay $0x4  }
0x29b: {  	v7 =	vmin.f32 v6, v7  }
0x29c: {  	[tilespmem:v4+s28+$0x0] =	vst.idx.msk vm0, v7  }
0x29d: {  	v7 =	vld.idx.msk [tilespmem:v4+s28+$0x0], $0xffff;
	_ =	sdelay $0x4  }
0x29e: {  	vm1 =	vgt.f32 v7, v6  }
0x29f: {  	vm0 =	vmand vm0, vm1  }
0x2a0: {  	v7 =	vsel vm0, $0x3F800000, v3  }
0x2a1: {  	(xrf0) =	vmax.scan.msk.f32 $0xffff, v7;
	_ =	sdelay $0x5  }
0x2a2: {  	v7, _, _ =	vpop (xrf0)  }
0x2a3: {  	(v2sf) =	vpush v7, $0xF;
	_ =	sdelay $0xe  }
0x2a4: {  	s5 =	spop (v2sf)  }
0x2a5: {  	p0 =	sgt.f32 s5, $0.0e+00  }
.Ltmp46:
0x2a6: {  	_ = 	snop;
	(pc) =	sbr.rel @p0 .LBB2_46-.Ltmp46, $1  }
0x2a7: {  	_ =	sdelay $0x3  }
.LBB2_47:
0x2a8: {  	_ =	sdelay $0x3  }
0x2a9: {  	v6 =	vld.idx.msk [tilespmem:v5+s22+$0x0], $0xffff  }
0x2aa: {  	v7 =	vld.idx.msk [tilespmem:v4+s29+$0x0], $0xffff;
	_ =	sdelay $0x4  }
0x2ab: {  	vm0 =	vgt.f32 v7, v6  }
0x2ac: {  	v7 =	vsel vm0, $0x3F800000, v3  }
0x2ad: {  	(xrf0) =	vmax.scan.msk.f32 $0xffff, v7;
	_ =	sdelay $0x5  }
0x2ae: {  	v7, _, _ =	vpop (xrf0)  }
0x2af: {  	(v2sf) =	vpush v7, $0xF;
	_ =	sdelay $0xe  }
0x2b0: {  	s5 =	spop (v2sf)  }
0x2b1: {  	p0 =	sgt.f32 s5, $0.0e+00  }
.Ltmp47:
0x2b2: {  	_ = 	snop;
	(pc) =	sbr.rel @!p0 .LBB2_49-.Ltmp47, $1  }
0x2b3: {  	_ =	sdelay $0x3  }
.LBB2_48:
0x2b4: {  	v7 =	vld.idx.msk [tilespmem:v4+s29+$0x0], $0xffff;
	_ =	sdelay $0x4  }
0x2b5: {  	v7 =	vmin.f32 v6, v7  }
0x2b6: {  	[tilespmem:v4+s29+$0x0] =	vst.idx.msk vm0, v7  }
0x2b7: {  	v7 =	vld.idx.msk [tilespmem:v4+s29+$0x0], $0xffff;
	_ =	sdelay $0x4  }
0x2b8: {  	vm1 =	vgt.f32 v7, v6  }
0x2b9: {  	vm0 =	vmand vm0, vm1  }
0x2ba: {  	v7 =	vsel vm0, $0x3F800000, v3  }
0x2bb: {  	(xrf0) =	vmax.scan.msk.f32 $0xffff, v7;
	_ =	sdelay $0x5  }
0x2bc: {  	v7, _, _ =	vpop (xrf0)  }
0x2bd: {  	(v2sf) =	vpush v7, $0xF;
	_ =	sdelay $0xe  }
0x2be: {  	s5 =	spop (v2sf)  }
0x2bf: {  	p0 =	sgt.f32 s5, $0.0e+00  }
.Ltmp48:
0x2c0: {  	_ = 	snop;
	(pc) =	sbr.rel @p0 .LBB2_48-.Ltmp48, $1  }
0x2c1: {  	_ =	sdelay $0x3  }
.LBB2_49:
0x2c2: {  	_ =	sdelay $0x3  }
0x2c3: {  	v5 =	vld.idx.msk [tilespmem:v5+s23+$0x0], $0xffff  }
0x2c4: {  	v6 =	vld.idx.msk [tilespmem:v4+s30+$0x0], $0xffff;
	_ =	sdelay $0x4  }
0x2c5: {  	vm0 =	vgt.f32 v6, v5  }
0x2c6: {  	v6 =	vsel vm0, $0x3F800000, v3  }
0x2c7: {  	(xrf0) =	vmax.scan.msk.f32 $0xffff, v6;
	_ =	sdelay $0x5  }
0x2c8: {  	v6, _, _ =	vpop (xrf0)  }
0x2c9: {  	(v2sf) =	vpush v6, $0xF;
	_ =	sdelay $0xe  }
0x2ca: {  	s5 =	spop (v2sf)  }
0x2cb: {  	p0 =	sgt.f32 s5, $0.0e+00  }
.Ltmp49:
0x2cc: {  	_ = 	snop;
	(pc) =	sbr.rel @!p0 .LBB2_51-.Ltmp49, $1  }
0x2cd: {  	_ =	sdelay $0x3  }
.LBB2_50:
0x2ce: {  	v6 =	vld.idx.msk [tilespmem:v4+s30+$0x0], $0xffff;
	_ =	sdelay $0x4  }
0x2cf: {  	v6 =	vmin.f32 v5, v6  }
0x2d0: {  	[tilespmem:v4+s30+$0x0] =	vst.idx.msk vm0, v6  }
0x2d1: {  	v6 =	vld.idx.msk [tilespmem:v4+s30+$0x0], $0xffff;
	_ =	sdelay $0x4  }
0x2d2: {  	vm1 =	vgt.f32 v6, v5  }
0x2d3: {  	vm0 =	vmand vm0, vm1  }
0x2d4: {  	v6 =	vsel vm0, $0x3F800000, v3  }
0x2d5: {  	(xrf0) =	vmax.scan.msk.f32 $0xffff, v6;
	_ =	sdelay $0x5  }
0x2d6: {  	v6, _, _ =	vpop (xrf0)  }
0x2d7: {  	(v2sf) =	vpush v6, $0xF;
	_ =	sdelay $0xe  }
0x2d8: {  	s5 =	spop (v2sf)  }
0x2d9: {  	p0 =	sgt.f32 s5, $0.0e+00  }
.Ltmp50:
0x2da: {  	_ = 	snop;
	(pc) =	sbr.rel @p0 .LBB2_50-.Ltmp50, $1  }
0x2db: {  	_ =	sdelay $0x3  }
.Ltmp51:
0x2dc: {  	_ = 	snop;
	(pc) =	sbr.rel .LBB2_51-.Ltmp51, $1  }
0x2dd: {  	_ =	sdelay $0x3  }
.LBB2_52:
0x2de: {  	p0 =	seq.s32 s16, $0x4F  }
0x2df: {  	s5 =	smul.u32 @!p0 $0xFA0, s16;
	_ =	sdelay $0x1  }
0x2e0: {  	s5 =	sshrl.u32 @!p0 s5, $0x3  }
0x2e1: {  	s5 =	sadd.s32 @!p0 $0x1F4, s5  }
0x2e2: {  	s7 =	simm.s32 @!p0 $0x0;
	s8 =	simm.s32 @!p0 $0x13C00;
	s6 =	sadd.s32 @!p0 s3, s5  }
0x2e3: {  	[tilespmem:s8], [sflag:$0x1] =	stream.linear.gather @!p0 [hbm4b:s6+s7], $0x7D0, $0x38;
	[tilespmem:$0x15C00] =	vst v63  }
0x2e4: {  	s5 =	sadd.s32 @!p0 s4, s5;
	s6 =	simm.s32 @!p0 $0x14400  }
0x2e5: {  	[tilespmem:s6], [sflag:$0x2] =	stream.linear.gather @!p0 [hbm4b:s5+s7], $0x7D0, $0x38;
	[tilespmem:$0x15C00] =	vst v63  }
0x2e6: {  	_ =	swait.ge [sflag:s31], $0x7D0  }
.Ltmp52:
0x2e7: {  	[sflag:s31] =	ssyncset.done $0x0;
	(pc) =	sbr.rel .LBB2_53-.Ltmp52, $4  }
0x2e8: {  	[sflag:s31] =	ssyncadd.s32 $0xFFFFF830  }
0x2e9: {  	_ =	swait.ge [sflag:s0], $0x7D0  }
0x2ea: {  	[sflag:s0] =	ssyncset.done $0x0  }
0x2eb: {  	s17 =	simm.s32 $0x0;
	[sflag:s0] =	ssyncadd.s32 $0xFFFFF830  }
.LBB2_99:
0x2ec: {  	s17 =	sadd.s32 $0x1, s17  }
0x2ed: {  	p1 =	sne.s32 s17, $0x19  }
.Ltmp53:
0x2ee: {  	_ = 	snop;
	(pc) =	sbr.rel @!p1 .LBB2_100-.Ltmp53, $1  }
0x2ef: {  	_ =	sdelay $0x3  }
.LBB2_53:
0x2f0: {  	s5 =	smul.u32 $0x50, s17;
	_ =	sdelay $0x1  }
0x2f1: {  	v13 =	vld [tilespmem:s5+$0x14C00]  }
0x2f2: {  	v12 =	vld [tilespmem:s5+$0x15400];
	_ =	sdelay $0x6  }
0x2f3: {  	v4 =	vld.idx.msk [tilespmem:v13+s2+$0x0], $0xffff  }
0x2f4: {  	v5 =	vld.idx.msk [tilespmem:v12+s26+$0x0], $0xffff;
	_ =	sdelay $0x4  }
0x2f5: {  	v4 =	vmin.f32 v4, v5  }
0x2f6: {  	[tilespmem:v12+s26+$0x0] =	vst.idx.msk $0xffff, v4  }
0x2f7: {  	v4 =	vld.idx.msk [tilespmem:v13+s21+$0x0], $0xffff  }
0x2f8: {  	v5 =	vld.idx.msk [tilespmem:v12+s28+$0x0], $0xffff;
	_ =	sdelay $0x4  }
0x2f9: {  	v4 =	vmin.f32 v4, v5  }
0x2fa: {  	[tilespmem:v12+s28+$0x0] =	vst.idx.msk $0xffff, v4  }
0x2fb: {  	v4 =	vld.idx.msk [tilespmem:v13+s22+$0x0], $0xffff  }
0x2fc: {  	v5 =	vld.idx.msk [tilespmem:v12+s29+$0x0], $0xffff;
	_ =	sdelay $0x4  }
0x2fd: {  	v4 =	vmin.f32 v4, v5  }
0x2fe: {  	[tilespmem:v12+s29+$0x0] =	vst.idx.msk $0xffff, v4  }
0x2ff: {  	v4 =	vld.idx.msk [tilespmem:v13+s23+$0x0], $0xffff  }
0x300: {  	v5 =	vld.idx.msk [tilespmem:v12+s30+$0x0], $0xffff;
	_ =	sdelay $0x4  }
0x301: {  	v4 =	vmin.f32 v4, v5  }
0x302: {  	[tilespmem:v12+s30+$0x0] =	vst.idx.msk $0xffff, v4  }
0x303: {  	v11 =	vld [tilespmem:s5+$0x14C10]  }
0x304: {  	v10 =	vld [tilespmem:s5+$0x15410];
	_ =	sdelay $0x6  }
0x305: {  	v4 =	vld.idx.msk [tilespmem:v11+s2+$0x0], $0xffff  }
0x306: {  	v5 =	vld.idx.msk [tilespmem:v10+s26+$0x0], $0xffff;
	_ =	sdelay $0x4  }
0x307: {  	v4 =	vmin.f32 v4, v5  }
0x308: {  	[tilespmem:v10+s26+$0x0] =	vst.idx.msk $0xffff, v4  }
0x309: {  	v4 =	vld.idx.msk [tilespmem:v11+s21+$0x0], $0xffff  }
0x30a: {  	v5 =	vld.idx.msk [tilespmem:v10+s28+$0x0], $0xffff;
	_ =	sdelay $0x4  }
0x30b: {  	v4 =	vmin.f32 v4, v5  }
0x30c: {  	[tilespmem:v10+s28+$0x0] =	vst.idx.msk $0xffff, v4  }
0x30d: {  	v4 =	vld.idx.msk [tilespmem:v11+s22+$0x0], $0xffff  }
0x30e: {  	v5 =	vld.idx.msk [tilespmem:v10+s29+$0x0], $0xffff;
	_ =	sdelay $0x4  }
0x30f: {  	v4 =	vmin.f32 v4, v5  }
0x310: {  	[tilespmem:v10+s29+$0x0] =	vst.idx.msk $0xffff, v4  }
0x311: {  	v4 =	vld.idx.msk [tilespmem:v11+s23+$0x0], $0xffff  }
0x312: {  	v5 =	vld.idx.msk [tilespmem:v10+s30+$0x0], $0xffff;
	_ =	sdelay $0x4  }
0x313: {  	v4 =	vmin.f32 v4, v5  }
0x314: {  	[tilespmem:v10+s30+$0x0] =	vst.idx.msk $0xffff, v4  }
0x315: {  	v9 =	vld [tilespmem:s5+$0x14C20]  }
0x316: {  	v8 =	vld [tilespmem:s5+$0x15420];
	_ =	sdelay $0x6  }
0x317: {  	v4 =	vld.idx.msk [tilespmem:v9+s2+$0x0], $0xffff  }
0x318: {  	v5 =	vld.idx.msk [tilespmem:v8+s26+$0x0], $0xffff;
	_ =	sdelay $0x4  }
0x319: {  	v4 =	vmin.f32 v4, v5  }
0x31a: {  	[tilespmem:v8+s26+$0x0] =	vst.idx.msk $0xffff, v4  }
0x31b: {  	v4 =	vld.idx.msk [tilespmem:v9+s21+$0x0], $0xffff  }
0x31c: {  	v5 =	vld.idx.msk [tilespmem:v8+s28+$0x0], $0xffff;
	_ =	sdelay $0x4  }
0x31d: {  	v4 =	vmin.f32 v4, v5  }
0x31e: {  	[tilespmem:v8+s28+$0x0] =	vst.idx.msk $0xffff, v4  }
0x31f: {  	v4 =	vld.idx.msk [tilespmem:v9+s22+$0x0], $0xffff  }
0x320: {  	v5 =	vld.idx.msk [tilespmem:v8+s29+$0x0], $0xffff;
	_ =	sdelay $0x4  }
0x321: {  	v4 =	vmin.f32 v4, v5  }
0x322: {  	[tilespmem:v8+s29+$0x0] =	vst.idx.msk $0xffff, v4  }
0x323: {  	v4 =	vld.idx.msk [tilespmem:v9+s23+$0x0], $0xffff  }
0x324: {  	v5 =	vld.idx.msk [tilespmem:v8+s30+$0x0], $0xffff;
	_ =	sdelay $0x4  }
0x325: {  	v4 =	vmin.f32 v4, v5  }
0x326: {  	[tilespmem:v8+s30+$0x0] =	vst.idx.msk $0xffff, v4  }
0x327: {  	v7 =	vld [tilespmem:s5+$0x14C30]  }
0x328: {  	v6 =	vld [tilespmem:s5+$0x15430];
	_ =	sdelay $0x6  }
0x329: {  	v4 =	vld.idx.msk [tilespmem:v7+s2+$0x0], $0xffff  }
0x32a: {  	v5 =	vld.idx.msk [tilespmem:v6+s26+$0x0], $0xffff;
	_ =	sdelay $0x4  }
0x32b: {  	v4 =	vmin.f32 v4, v5  }
0x32c: {  	[tilespmem:v6+s26+$0x0] =	vst.idx.msk $0xffff, v4  }
0x32d: {  	v4 =	vld.idx.msk [tilespmem:v7+s21+$0x0], $0xffff  }
0x32e: {  	v5 =	vld.idx.msk [tilespmem:v6+s28+$0x0], $0xffff;
	_ =	sdelay $0x4  }
0x32f: {  	v4 =	vmin.f32 v4, v5  }
0x330: {  	[tilespmem:v6+s28+$0x0] =	vst.idx.msk $0xffff, v4  }
0x331: {  	v4 =	vld.idx.msk [tilespmem:v7+s22+$0x0], $0xffff  }
0x332: {  	v5 =	vld.idx.msk [tilespmem:v6+s29+$0x0], $0xffff;
	_ =	sdelay $0x4  }
0x333: {  	v4 =	vmin.f32 v4, v5  }
0x334: {  	(xrf1) =	vsort.ascd.msk.u32 $0xffff, v12, v12;
	[tilespmem:v6+s29+$0x0] =	vst.idx.msk $0xffff, v4  }
0x335: {  	v4 =	vld.idx.msk [tilespmem:v7+s23+$0x0], $0xffff  }
0x336: {  	v5 =	vld.idx.msk [tilespmem:v6+s30+$0x0], $0xffff;
	_ =	sdelay $0x1  }
0x337: {  	(xrf1) =	vsort.ascd.msk.u32 $0xffff, v10, v10;
	_ =	sdelay $0x2  }
0x338: {  	(xrf1) =	vsort.ascd.msk.u32 $0xffff, v8, v8;
	v4 =	vmin.f32 v4, v5  }
0x339: {  	[tilespmem:v6+s30+$0x0] =	vst.idx.msk $0xffff, v4  }
0x33a: {  	v4 =	vld [tilespmem:s5+$0x15440];
	_ =	sdelay $0x1  }
0x33b: {  	(xrf1) =	vsort.ascd.msk.u32 $0xffff, v6, v6;
	_ =	sdelay $0x2  }
0x33c: {  	v5, _, _ =	vpop (xrf1);
	(xrf1) =	vsort.ascd.msk.u32 $0xffff, v4, v4  }
0x33d: {  	v14 =	vperm.xlane v5, v0;
	_ =	sdelay $0x1  }
0x33e: {  	vm0 =	veq.s32 v5, v14  }
0x33f: {  	v15, _, _ =	vpop (xrf1);
	v14 =	vnsel vm0, $0x0, v2  }
0x340: {  	v16 =	vperm.xlane v15, v0  }
0x341: {  	v5 =	vld [tilespmem:s5+$0x14C40]  }
0x342: {  	vm12 =	veq.s32 v15, v16;
	(xrf0) =	vmax.scan.msk.f32 $0xffff, v14;
	v14, _, _ =	vpop (xrf1)  }
0x343: {  	v15 =	vnsel vm12, $0x0, v2;
	v59 =	vperm.xlane v14, v0;
	_ =	sdelay $0x1  }
0x344: {  	(xrf0) =	vmax.scan.msk.f32 $0xffff, v15;
	vm13 =	veq.s32 v14, v59  }
0x345: {  	v15, _, _ =	vpop (xrf1);
	v14 =	vnsel vm13, $0x0, v2  }
0x346: {  	v60 =	vperm.xlane v15, v0  }
0x347: {  	v18 =	vld.idx.msk [tilespmem:v4+s26+$0x0], $0xffff;
	v17, _, _ =	vpop (xrf0);
	(xrf0) =	vmax.scan.msk.f32 $0xffff, v14  }
0x348: {  	vm14 =	veq.s32 v15, v60;
	v15 =	vld.idx.msk [tilespmem:v5+s2+$0x0], $0xffff;
	v14, _, _ =	vpop (xrf1)  }
0x349: {  	(v2sf) =	vpush v17, $0xF;
	v16 =	vnsel vm14, $0x0, v2;
	v61 =	vperm.xlane v14, v0  }
0x34a: {  	v19, _, _ =	vpop (xrf0);
	(xrf0) =	vmax.scan.msk.f32 $0xffff, v16  }
0x34b: {  	(v2sf) =	vpush v19, $0xF;
	vm15 =	veq.s32 v14, v61  }
0x34c: {  	v14 =	vnsel vm15, $0x0, v2  }
0x34d: {  	v62, _, _ =	vpop (xrf0);
	(xrf0) =	vmax.scan.msk.f32 $0xffff, v14;
	v14 =	vmin.f32 v15, v18  }
0x34e: {  	(v2sf) =	vpush v62, $0xF;
	_ =	sdelay $0x1  }
0x34f: {  	[tilespmem:v4+s26+$0x0] =	vst.idx.msk $0xffff, v14;
	v14, _, _ =	vpop (xrf0)  }
0x350: {  	(v2sf) =	vpush v14, $0xF;
	_ =	sdelay $0x1  }
0x351: {  	v63, _, _ =	vpop (xrf0)  }
0x352: {  	v15 =	vld.idx.msk [tilespmem:v5+s21+$0x0], $0xffff;
	(v2sf) =	vpush v63, $0xF  }
0x353: {  	v14 =	vld.idx.msk [tilespmem:v4+s28+$0x0], $0xffff;
	_ =	sdelay $0x2  }
0x354: {  	s9 =	spop (v2sf)  }
0x355: {  	p1 =	sgt.f32 s9, $0.0e+00  }
0x356: {  	s8 =	spop (v2sf);
	v14 =	vmin.f32 v15, v14  }
0x357: {  	p2 =	sgt.f32 @!p1 s8, $0.0e+00;
	[tilespmem:v4+s28+$0x0] =	vst.idx.msk $0xffff, v14  }
0x358: {  	v14 =	vld.idx.msk [tilespmem:v5+s22+$0x0], $0xffff  }
0x359: {  	p2 =	por p1, p2;
	s7 =	spop (v2sf);
	v15 =	vld.idx.msk [tilespmem:v4+s29+$0x0], $0xffff  }
0x35a: {  	p3 =	sgt.f32 @!p2 s7, $0.0e+00;
	_ =	sdelay $0x1  }
0x35b: {  	p2 =	por p2, p3;
	s6 =	spop (v2sf)  }
0x35c: {  	p3 =	sgt.f32 @!p2 s6, $0.0e+00  }
0x35d: {  	v14 =	vmin.f32 v14, v15  }
0x35e: {  	[tilespmem:v4+s29+$0x0] =	vst.idx.msk $0xffff, v14;
	s5 =	spop (v2sf);
	p2 =	por p2, p3  }
0x35f: {  	v14 =	vld.idx.msk [tilespmem:v5+s23+$0x0], $0xffff;
	p3 =	sgt.f32 @!p2 s5, $0.0e+00  }
0x360: {  	v15 =	vld.idx.msk [tilespmem:v4+s30+$0x0], $0xffff  }
0x361: {  	p2 =	por p2, p3  }
.Ltmp54:
0x362: {  	_ = 	snop;
	(pc) =	sbr.rel @!p2 .LBB2_99-.Ltmp54, $3  }
0x363: {  	_ =	sdelay $0x1  }
0x364: {  	v14 =	vmin.f32 v14, v15  }
0x365: {  	[tilespmem:v4+s30+$0x0] =	vst.idx.msk $0xffff, v14  }
.Ltmp55:
0x366: {  	(pc) =	sbr.rel @!p1 .LBB2_63-.Ltmp55, $1  }
0x367: {  	_ =	sdelay $0x3  }
0x368: {  	_ =	sdelay $0x3  }
0x369: {  	v14 =	vld.idx.msk [tilespmem:v13+s2+$0x0], $0xffff  }
0x36a: {  	v15 =	vld.idx.msk [tilespmem:v12+s26+$0x0], $0xffff;
	_ =	sdelay $0x4  }
0x36b: {  	vm0 =	vgt.f32 v15, v14  }
0x36c: {  	v15 =	vsel vm0, $0x3F800000, v3  }
0x36d: {  	(xrf0) =	vmax.scan.msk.f32 $0xffff, v15;
	_ =	sdelay $0x5  }
0x36e: {  	v15, _, _ =	vpop (xrf0)  }
0x36f: {  	(v2sf) =	vpush v15, $0xF;
	_ =	sdelay $0xe  }
0x370: {  	s9 =	spop (v2sf)  }
0x371: {  	p1 =	sgt.f32 s9, $0.0e+00  }
.Ltmp56:
0x372: {  	_ = 	snop;
	(pc) =	sbr.rel @!p1 .LBB2_57-.Ltmp56, $1  }
0x373: {  	_ =	sdelay $0x3  }
.LBB2_56:
0x374: {  	v15 =	vld.idx.msk [tilespmem:v12+s26+$0x0], $0xffff;
	_ =	sdelay $0x4  }
0x375: {  	v15 =	vmin.f32 v14, v15  }
0x376: {  	[tilespmem:v12+s26+$0x0] =	vst.idx.msk vm0, v15  }
0x377: {  	v15 =	vld.idx.msk [tilespmem:v12+s26+$0x0], $0xffff;
	_ =	sdelay $0x4  }
0x378: {  	vm1 =	vgt.f32 v15, v14  }
0x379: {  	vm0 =	vmand vm0, vm1  }
0x37a: {  	v15 =	vsel vm0, $0x3F800000, v3  }
0x37b: {  	(xrf0) =	vmax.scan.msk.f32 $0xffff, v15;
	_ =	sdelay $0x5  }
0x37c: {  	v15, _, _ =	vpop (xrf0)  }
0x37d: {  	(v2sf) =	vpush v15, $0xF;
	_ =	sdelay $0xe  }
0x37e: {  	s9 =	spop (v2sf)  }
0x37f: {  	p1 =	sgt.f32 s9, $0.0e+00  }
.Ltmp57:
0x380: {  	_ = 	snop;
	(pc) =	sbr.rel @p1 .LBB2_56-.Ltmp57, $1  }
0x381: {  	_ =	sdelay $0x3  }
.LBB2_57:
0x382: {  	_ =	sdelay $0x3  }
0x383: {  	v14 =	vld.idx.msk [tilespmem:v13+s21+$0x0], $0xffff  }
0x384: {  	v15 =	vld.idx.msk [tilespmem:v12+s28+$0x0], $0xffff;
	_ =	sdelay $0x4  }
0x385: {  	vm0 =	vgt.f32 v15, v14  }
0x386: {  	v15 =	vsel vm0, $0x3F800000, v3  }
0x387: {  	(xrf0) =	vmax.scan.msk.f32 $0xffff, v15;
	_ =	sdelay $0x5  }
0x388: {  	v15, _, _ =	vpop (xrf0)  }
0x389: {  	(v2sf) =	vpush v15, $0xF;
	_ =	sdelay $0xe  }
0x38a: {  	s9 =	spop (v2sf)  }
0x38b: {  	p1 =	sgt.f32 s9, $0.0e+00  }
.Ltmp58:
0x38c: {  	_ = 	snop;
	(pc) =	sbr.rel @!p1 .LBB2_59-.Ltmp58, $1  }
0x38d: {  	_ =	sdelay $0x3  }
.LBB2_58:
0x38e: {  	v15 =	vld.idx.msk [tilespmem:v12+s28+$0x0], $0xffff;
	_ =	sdelay $0x4  }
0x38f: {  	v15 =	vmin.f32 v14, v15  }
0x390: {  	[tilespmem:v12+s28+$0x0] =	vst.idx.msk vm0, v15  }
0x391: {  	v15 =	vld.idx.msk [tilespmem:v12+s28+$0x0], $0xffff;
	_ =	sdelay $0x4  }
0x392: {  	vm1 =	vgt.f32 v15, v14  }
0x393: {  	vm0 =	vmand vm0, vm1  }
0x394: {  	v15 =	vsel vm0, $0x3F800000, v3  }
0x395: {  	(xrf0) =	vmax.scan.msk.f32 $0xffff, v15;
	_ =	sdelay $0x5  }
0x396: {  	v15, _, _ =	vpop (xrf0)  }
0x397: {  	(v2sf) =	vpush v15, $0xF;
	_ =	sdelay $0xe  }
0x398: {  	s9 =	spop (v2sf)  }
0x399: {  	p1 =	sgt.f32 s9, $0.0e+00  }
.Ltmp59:
0x39a: {  	_ = 	snop;
	(pc) =	sbr.rel @p1 .LBB2_58-.Ltmp59, $1  }
0x39b: {  	_ =	sdelay $0x3  }
.LBB2_59:
0x39c: {  	_ =	sdelay $0x3  }
0x39d: {  	v14 =	vld.idx.msk [tilespmem:v13+s22+$0x0], $0xffff  }
0x39e: {  	v15 =	vld.idx.msk [tilespmem:v12+s29+$0x0], $0xffff;
	_ =	sdelay $0x4  }
0x39f: {  	vm0 =	vgt.f32 v15, v14  }
0x3a0: {  	v15 =	vsel vm0, $0x3F800000, v3  }
0x3a1: {  	(xrf0) =	vmax.scan.msk.f32 $0xffff, v15;
	_ =	sdelay $0x5  }
0x3a2: {  	v15, _, _ =	vpop (xrf0)  }
0x3a3: {  	(v2sf) =	vpush v15, $0xF;
	_ =	sdelay $0xe  }
0x3a4: {  	s9 =	spop (v2sf)  }
0x3a5: {  	p1 =	sgt.f32 s9, $0.0e+00  }
.Ltmp60:
0x3a6: {  	_ = 	snop;
	(pc) =	sbr.rel @!p1 .LBB2_61-.Ltmp60, $1  }
0x3a7: {  	_ =	sdelay $0x3  }
.LBB2_60:
0x3a8: {  	v15 =	vld.idx.msk [tilespmem:v12+s29+$0x0], $0xffff;
	_ =	sdelay $0x4  }
0x3a9: {  	v15 =	vmin.f32 v14, v15  }
0x3aa: {  	[tilespmem:v12+s29+$0x0] =	vst.idx.msk vm0, v15  }
0x3ab: {  	v15 =	vld.idx.msk [tilespmem:v12+s29+$0x0], $0xffff;
	_ =	sdelay $0x4  }
0x3ac: {  	vm1 =	vgt.f32 v15, v14  }
0x3ad: {  	vm0 =	vmand vm0, vm1  }
0x3ae: {  	v15 =	vsel vm0, $0x3F800000, v3  }
0x3af: {  	(xrf0) =	vmax.scan.msk.f32 $0xffff, v15;
	_ =	sdelay $0x5  }
0x3b0: {  	v15, _, _ =	vpop (xrf0)  }
0x3b1: {  	(v2sf) =	vpush v15, $0xF;
	_ =	sdelay $0xe  }
0x3b2: {  	s9 =	spop (v2sf)  }
0x3b3: {  	p1 =	sgt.f32 s9, $0.0e+00  }
.Ltmp61:
0x3b4: {  	_ = 	snop;
	(pc) =	sbr.rel @p1 .LBB2_60-.Ltmp61, $1  }
0x3b5: {  	_ =	sdelay $0x3  }
.LBB2_61:
0x3b6: {  	_ =	sdelay $0x3  }
0x3b7: {  	v13 =	vld.idx.msk [tilespmem:v13+s23+$0x0], $0xffff  }
0x3b8: {  	v14 =	vld.idx.msk [tilespmem:v12+s30+$0x0], $0xffff;
	_ =	sdelay $0x4  }
0x3b9: {  	vm0 =	vgt.f32 v14, v13  }
0x3ba: {  	v14 =	vsel vm0, $0x3F800000, v3  }
0x3bb: {  	(xrf0) =	vmax.scan.msk.f32 $0xffff, v14;
	_ =	sdelay $0x5  }
0x3bc: {  	v14, _, _ =	vpop (xrf0)  }
0x3bd: {  	(v2sf) =	vpush v14, $0xF;
	_ =	sdelay $0xe  }
0x3be: {  	s9 =	spop (v2sf)  }
0x3bf: {  	p1 =	sgt.f32 s9, $0.0e+00  }
.Ltmp62:
0x3c0: {  	_ = 	snop;
	(pc) =	sbr.rel @!p1 .LBB2_63-.Ltmp62, $1  }
0x3c1: {  	_ =	sdelay $0x3  }
.LBB2_62:
0x3c2: {  	v14 =	vld.idx.msk [tilespmem:v12+s30+$0x0], $0xffff;
	_ =	sdelay $0x4  }
0x3c3: {  	v14 =	vmin.f32 v13, v14  }
0x3c4: {  	[tilespmem:v12+s30+$0x0] =	vst.idx.msk vm0, v14  }
0x3c5: {  	v14 =	vld.idx.msk [tilespmem:v12+s30+$0x0], $0xffff;
	_ =	sdelay $0x4  }
0x3c6: {  	vm1 =	vgt.f32 v14, v13  }
0x3c7: {  	vm0 =	vmand vm0, vm1  }
0x3c8: {  	v14 =	vsel vm0, $0x3F800000, v3  }
0x3c9: {  	(xrf0) =	vmax.scan.msk.f32 $0xffff, v14;
	_ =	sdelay $0x5  }
0x3ca: {  	v14, _, _ =	vpop (xrf0)  }
0x3cb: {  	(v2sf) =	vpush v14, $0xF;
	_ =	sdelay $0xe  }
0x3cc: {  	s9 =	spop (v2sf)  }
0x3cd: {  	p1 =	sgt.f32 s9, $0.0e+00  }
.Ltmp63:
0x3ce: {  	_ = 	snop;
	(pc) =	sbr.rel @p1 .LBB2_62-.Ltmp63, $1  }
0x3cf: {  	_ =	sdelay $0x3  }
.LBB2_63:
0x3d0: {  	p1 =	sgt.f32 s8, $0.0e+00  }
.Ltmp64:
0x3d1: {  	_ = 	snop;
	(pc) =	sbr.rel @!p1 .LBB2_72-.Ltmp64, $1  }
0x3d2: {  	_ =	sdelay $0x3  }
0x3d3: {  	_ =	sdelay $0x3  }
0x3d4: {  	v12 =	vld.idx.msk [tilespmem:v11+s2+$0x0], $0xffff  }
0x3d5: {  	v13 =	vld.idx.msk [tilespmem:v10+s26+$0x0], $0xffff;
	_ =	sdelay $0x4  }
0x3d6: {  	vm0 =	vgt.f32 v13, v12  }
0x3d7: {  	v13 =	vsel vm0, $0x3F800000, v3  }
0x3d8: {  	(xrf0) =	vmax.scan.msk.f32 $0xffff, v13;
	_ =	sdelay $0x5  }
0x3d9: {  	v13, _, _ =	vpop (xrf0)  }
0x3da: {  	(v2sf) =	vpush v13, $0xF;
	_ =	sdelay $0xe  }
0x3db: {  	s8 =	spop (v2sf)  }
0x3dc: {  	p1 =	sgt.f32 s8, $0.0e+00  }
.Ltmp65:
0x3dd: {  	_ = 	snop;
	(pc) =	sbr.rel @!p1 .LBB2_66-.Ltmp65, $1  }
0x3de: {  	_ =	sdelay $0x3  }
.LBB2_65:
0x3df: {  	v13 =	vld.idx.msk [tilespmem:v10+s26+$0x0], $0xffff;
	_ =	sdelay $0x4  }
0x3e0: {  	v13 =	vmin.f32 v12, v13  }
0x3e1: {  	[tilespmem:v10+s26+$0x0] =	vst.idx.msk vm0, v13  }
0x3e2: {  	v13 =	vld.idx.msk [tilespmem:v10+s26+$0x0], $0xffff;
	_ =	sdelay $0x4  }
0x3e3: {  	vm1 =	vgt.f32 v13, v12  }
0x3e4: {  	vm0 =	vmand vm0, vm1  }
0x3e5: {  	v13 =	vsel vm0, $0x3F800000, v3  }
0x3e6: {  	(xrf0) =	vmax.scan.msk.f32 $0xffff, v13;
	_ =	sdelay $0x5  }
0x3e7: {  	v13, _, _ =	vpop (xrf0)  }
0x3e8: {  	(v2sf) =	vpush v13, $0xF;
	_ =	sdelay $0xe  }
0x3e9: {  	s8 =	spop (v2sf)  }
0x3ea: {  	p1 =	sgt.f32 s8, $0.0e+00  }
.Ltmp66:
0x3eb: {  	_ = 	snop;
	(pc) =	sbr.rel @p1 .LBB2_65-.Ltmp66, $1  }
0x3ec: {  	_ =	sdelay $0x3  }
.LBB2_66:
0x3ed: {  	_ =	sdelay $0x3  }
0x3ee: {  	v12 =	vld.idx.msk [tilespmem:v11+s21+$0x0], $0xffff  }
0x3ef: {  	v13 =	vld.idx.msk [tilespmem:v10+s28+$0x0], $0xffff;
	_ =	sdelay $0x4  }
0x3f0: {  	vm0 =	vgt.f32 v13, v12  }
0x3f1: {  	v13 =	vsel vm0, $0x3F800000, v3  }
0x3f2: {  	(xrf0) =	vmax.scan.msk.f32 $0xffff, v13;
	_ =	sdelay $0x5  }
0x3f3: {  	v13, _, _ =	vpop (xrf0)  }
0x3f4: {  	(v2sf) =	vpush v13, $0xF;
	_ =	sdelay $0xe  }
0x3f5: {  	s8 =	spop (v2sf)  }
0x3f6: {  	p1 =	sgt.f32 s8, $0.0e+00  }
.Ltmp67:
0x3f7: {  	_ = 	snop;
	(pc) =	sbr.rel @!p1 .LBB2_68-.Ltmp67, $1  }
0x3f8: {  	_ =	sdelay $0x3  }
.LBB2_67:
0x3f9: {  	v13 =	vld.idx.msk [tilespmem:v10+s28+$0x0], $0xffff;
	_ =	sdelay $0x4  }
0x3fa: {  	v13 =	vmin.f32 v12, v13  }
0x3fb: {  	[tilespmem:v10+s28+$0x0] =	vst.idx.msk vm0, v13  }
0x3fc: {  	v13 =	vld.idx.msk [tilespmem:v10+s28+$0x0], $0xffff;
	_ =	sdelay $0x4  }
0x3fd: {  	vm1 =	vgt.f32 v13, v12  }
0x3fe: {  	vm0 =	vmand vm0, vm1  }
0x3ff: {  	v13 =	vsel vm0, $0x3F800000, v3  }
0x400: {  	(xrf0) =	vmax.scan.msk.f32 $0xffff, v13;
	_ =	sdelay $0x5  }
0x401: {  	v13, _, _ =	vpop (xrf0)  }
0x402: {  	(v2sf) =	vpush v13, $0xF;
	_ =	sdelay $0xe  }
0x403: {  	s8 =	spop (v2sf)  }
0x404: {  	p1 =	sgt.f32 s8, $0.0e+00  }
.Ltmp68:
0x405: {  	_ = 	snop;
	(pc) =	sbr.rel @p1 .LBB2_67-.Ltmp68, $1  }
0x406: {  	_ =	sdelay $0x3  }
.LBB2_68:
0x407: {  	_ =	sdelay $0x3  }
0x408: {  	v12 =	vld.idx.msk [tilespmem:v11+s22+$0x0], $0xffff  }
0x409: {  	v13 =	vld.idx.msk [tilespmem:v10+s29+$0x0], $0xffff;
	_ =	sdelay $0x4  }
0x40a: {  	vm0 =	vgt.f32 v13, v12  }
0x40b: {  	v13 =	vsel vm0, $0x3F800000, v3  }
0x40c: {  	(xrf0) =	vmax.scan.msk.f32 $0xffff, v13;
	_ =	sdelay $0x5  }
0x40d: {  	v13, _, _ =	vpop (xrf0)  }
0x40e: {  	(v2sf) =	vpush v13, $0xF;
	_ =	sdelay $0xe  }
0x40f: {  	s8 =	spop (v2sf)  }
0x410: {  	p1 =	sgt.f32 s8, $0.0e+00  }
.Ltmp69:
0x411: {  	_ = 	snop;
	(pc) =	sbr.rel @!p1 .LBB2_70-.Ltmp69, $1  }
0x412: {  	_ =	sdelay $0x3  }
.LBB2_69:
0x413: {  	v13 =	vld.idx.msk [tilespmem:v10+s29+$0x0], $0xffff;
	_ =	sdelay $0x4  }
0x414: {  	v13 =	vmin.f32 v12, v13  }
0x415: {  	[tilespmem:v10+s29+$0x0] =	vst.idx.msk vm0, v13  }
0x416: {  	v13 =	vld.idx.msk [tilespmem:v10+s29+$0x0], $0xffff;
	_ =	sdelay $0x4  }
0x417: {  	vm1 =	vgt.f32 v13, v12  }
0x418: {  	vm0 =	vmand vm0, vm1  }
0x419: {  	v13 =	vsel vm0, $0x3F800000, v3  }
0x41a: {  	(xrf0) =	vmax.scan.msk.f32 $0xffff, v13;
	_ =	sdelay $0x5  }
0x41b: {  	v13, _, _ =	vpop (xrf0)  }
0x41c: {  	(v2sf) =	vpush v13, $0xF;
	_ =	sdelay $0xe  }
0x41d: {  	s8 =	spop (v2sf)  }
0x41e: {  	p1 =	sgt.f32 s8, $0.0e+00  }
.Ltmp70:
0x41f: {  	_ = 	snop;
	(pc) =	sbr.rel @p1 .LBB2_69-.Ltmp70, $1  }
0x420: {  	_ =	sdelay $0x3  }
.LBB2_70:
0x421: {  	_ =	sdelay $0x3  }
0x422: {  	v11 =	vld.idx.msk [tilespmem:v11+s23+$0x0], $0xffff  }
0x423: {  	v12 =	vld.idx.msk [tilespmem:v10+s30+$0x0], $0xffff;
	_ =	sdelay $0x4  }
0x424: {  	vm0 =	vgt.f32 v12, v11  }
0x425: {  	v12 =	vsel vm0, $0x3F800000, v3  }
0x426: {  	(xrf0) =	vmax.scan.msk.f32 $0xffff, v12;
	_ =	sdelay $0x5  }
0x427: {  	v12, _, _ =	vpop (xrf0)  }
0x428: {  	(v2sf) =	vpush v12, $0xF;
	_ =	sdelay $0xe  }
0x429: {  	s8 =	spop (v2sf)  }
0x42a: {  	p1 =	sgt.f32 s8, $0.0e+00  }
.Ltmp71:
0x42b: {  	_ = 	snop;
	(pc) =	sbr.rel @!p1 .LBB2_72-.Ltmp71, $1  }
0x42c: {  	_ =	sdelay $0x3  }
.LBB2_71:
0x42d: {  	v12 =	vld.idx.msk [tilespmem:v10+s30+$0x0], $0xffff;
	_ =	sdelay $0x4  }
0x42e: {  	v12 =	vmin.f32 v11, v12  }
0x42f: {  	[tilespmem:v10+s30+$0x0] =	vst.idx.msk vm0, v12  }
0x430: {  	v12 =	vld.idx.msk [tilespmem:v10+s30+$0x0], $0xffff;
	_ =	sdelay $0x4  }
0x431: {  	vm1 =	vgt.f32 v12, v11  }
0x432: {  	vm0 =	vmand vm0, vm1  }
0x433: {  	v63 =	vsel vm0, $0x3F800000, v3  }
0x434: {  	(xrf0) =	vmax.scan.msk.f32 $0xffff, v63;
	_ =	sdelay $0x5  }
0x435: {  	v12, _, _ =	vpop (xrf0)  }
0x436: {  	(v2sf) =	vpush v12, $0xF;
	_ =	sdelay $0xe  }
0x437: {  	s8 =	spop (v2sf)  }
0x438: {  	p1 =	sgt.f32 s8, $0.0e+00  }
.Ltmp72:
0x439: {  	_ = 	snop;
	(pc) =	sbr.rel @p1 .LBB2_71-.Ltmp72, $1  }
0x43a: {  	_ =	sdelay $0x3  }
.LBB2_72:
0x43b: {  	p1 =	sgt.f32 s7, $0.0e+00  }
.Ltmp73:
0x43c: {  	_ = 	snop;
	(pc) =	sbr.rel @!p1 .LBB2_81-.Ltmp73, $1  }
0x43d: {  	_ =	sdelay $0x3  }
0x43e: {  	_ =	sdelay $0x3  }
0x43f: {  	v10 =	vld.idx.msk [tilespmem:v9+s2+$0x0], $0xffff  }
0x440: {  	v11 =	vld.idx.msk [tilespmem:v8+s26+$0x0], $0xffff;
	_ =	sdelay $0x4  }
0x441: {  	vm0 =	vgt.f32 v11, v10  }
0x442: {  	v11 =	vsel vm0, $0x3F800000, v3  }
0x443: {  	(xrf0) =	vmax.scan.msk.f32 $0xffff, v11;
	_ =	sdelay $0x5  }
0x444: {  	v11, _, _ =	vpop (xrf0)  }
0x445: {  	(v2sf) =	vpush v11, $0xF;
	_ =	sdelay $0xe  }
0x446: {  	s7 =	spop (v2sf)  }
0x447: {  	p1 =	sgt.f32 s7, $0.0e+00  }
.Ltmp74:
0x448: {  	_ = 	snop;
	(pc) =	sbr.rel @!p1 .LBB2_75-.Ltmp74, $1  }
0x449: {  	_ =	sdelay $0x3  }
.LBB2_74:
0x44a: {  	v11 =	vld.idx.msk [tilespmem:v8+s26+$0x0], $0xffff;
	_ =	sdelay $0x4  }
0x44b: {  	v11 =	vmin.f32 v10, v11  }
0x44c: {  	[tilespmem:v8+s26+$0x0] =	vst.idx.msk vm0, v11  }
0x44d: {  	v11 =	vld.idx.msk [tilespmem:v8+s26+$0x0], $0xffff;
	_ =	sdelay $0x4  }
0x44e: {  	vm1 =	vgt.f32 v11, v10  }
0x44f: {  	vm0 =	vmand vm0, vm1  }
0x450: {  	v11 =	vsel vm0, $0x3F800000, v3  }
0x451: {  	(xrf0) =	vmax.scan.msk.f32 $0xffff, v11;
	_ =	sdelay $0x5  }
0x452: {  	v11, _, _ =	vpop (xrf0)  }
0x453: {  	(v2sf) =	vpush v11, $0xF;
	_ =	sdelay $0xe  }
0x454: {  	s7 =	spop (v2sf)  }
0x455: {  	p1 =	sgt.f32 s7, $0.0e+00  }
.Ltmp75:
0x456: {  	_ = 	snop;
	(pc) =	sbr.rel @p1 .LBB2_74-.Ltmp75, $1  }
0x457: {  	_ =	sdelay $0x3  }
.LBB2_75:
0x458: {  	_ =	sdelay $0x3  }
0x459: {  	v10 =	vld.idx.msk [tilespmem:v9+s21+$0x0], $0xffff  }
0x45a: {  	v11 =	vld.idx.msk [tilespmem:v8+s28+$0x0], $0xffff;
	_ =	sdelay $0x4  }
0x45b: {  	vm0 =	vgt.f32 v11, v10  }
0x45c: {  	v11 =	vsel vm0, $0x3F800000, v3  }
0x45d: {  	(xrf0) =	vmax.scan.msk.f32 $0xffff, v11;
	_ =	sdelay $0x5  }
0x45e: {  	v11, _, _ =	vpop (xrf0)  }
0x45f: {  	(v2sf) =	vpush v11, $0xF;
	_ =	sdelay $0xe  }
0x460: {  	s7 =	spop (v2sf)  }
0x461: {  	p1 =	sgt.f32 s7, $0.0e+00  }
.Ltmp76:
0x462: {  	_ = 	snop;
	(pc) =	sbr.rel @!p1 .LBB2_77-.Ltmp76, $1  }
0x463: {  	_ =	sdelay $0x3  }
.LBB2_76:
0x464: {  	v11 =	vld.idx.msk [tilespmem:v8+s28+$0x0], $0xffff;
	_ =	sdelay $0x4  }
0x465: {  	v11 =	vmin.f32 v10, v11  }
0x466: {  	[tilespmem:v8+s28+$0x0] =	vst.idx.msk vm0, v11  }
0x467: {  	v11 =	vld.idx.msk [tilespmem:v8+s28+$0x0], $0xffff;
	_ =	sdelay $0x4  }
0x468: {  	vm1 =	vgt.f32 v11, v10  }
0x469: {  	vm0 =	vmand vm0, vm1  }
0x46a: {  	v11 =	vsel vm0, $0x3F800000, v3  }
0x46b: {  	(xrf0) =	vmax.scan.msk.f32 $0xffff, v11;
	_ =	sdelay $0x5  }
0x46c: {  	v11, _, _ =	vpop (xrf0)  }
0x46d: {  	(v2sf) =	vpush v11, $0xF;
	_ =	sdelay $0xe  }
0x46e: {  	s7 =	spop (v2sf)  }
0x46f: {  	p1 =	sgt.f32 s7, $0.0e+00  }
.Ltmp77:
0x470: {  	_ = 	snop;
	(pc) =	sbr.rel @p1 .LBB2_76-.Ltmp77, $1  }
0x471: {  	_ =	sdelay $0x3  }
.LBB2_77:
0x472: {  	_ =	sdelay $0x3  }
0x473: {  	v10 =	vld.idx.msk [tilespmem:v9+s22+$0x0], $0xffff  }
0x474: {  	v11 =	vld.idx.msk [tilespmem:v8+s29+$0x0], $0xffff;
	_ =	sdelay $0x4  }
0x475: {  	vm0 =	vgt.f32 v11, v10  }
0x476: {  	v11 =	vsel vm0, $0x3F800000, v3  }
0x477: {  	(xrf0) =	vmax.scan.msk.f32 $0xffff, v11;
	_ =	sdelay $0x5  }
0x478: {  	v11, _, _ =	vpop (xrf0)  }
0x479: {  	(v2sf) =	vpush v11, $0xF;
	_ =	sdelay $0xe  }
0x47a: {  	s7 =	spop (v2sf)  }
0x47b: {  	p1 =	sgt.f32 s7, $0.0e+00  }
.Ltmp78:
0x47c: {  	_ = 	snop;
	(pc) =	sbr.rel @!p1 .LBB2_79-.Ltmp78, $1  }
0x47d: {  	_ =	sdelay $0x3  }
.LBB2_78:
0x47e: {  	v11 =	vld.idx.msk [tilespmem:v8+s29+$0x0], $0xffff;
	_ =	sdelay $0x4  }
0x47f: {  	v11 =	vmin.f32 v10, v11  }
0x480: {  	[tilespmem:v8+s29+$0x0] =	vst.idx.msk vm0, v11  }
0x481: {  	v11 =	vld.idx.msk [tilespmem:v8+s29+$0x0], $0xffff;
	_ =	sdelay $0x4  }
0x482: {  	vm1 =	vgt.f32 v11, v10  }
0x483: {  	vm0 =	vmand vm0, vm1  }
0x484: {  	v11 =	vsel vm0, $0x3F800000, v3  }
0x485: {  	(xrf0) =	vmax.scan.msk.f32 $0xffff, v11;
	_ =	sdelay $0x5  }
0x486: {  	v11, _, _ =	vpop (xrf0)  }
0x487: {  	(v2sf) =	vpush v11, $0xF;
	_ =	sdelay $0xe  }
0x488: {  	s7 =	spop (v2sf)  }
0x489: {  	p1 =	sgt.f32 s7, $0.0e+00  }
.Ltmp79:
0x48a: {  	_ = 	snop;
	(pc) =	sbr.rel @p1 .LBB2_78-.Ltmp79, $1  }
0x48b: {  	_ =	sdelay $0x3  }
.LBB2_79:
0x48c: {  	_ =	sdelay $0x3  }
0x48d: {  	v9 =	vld.idx.msk [tilespmem:v9+s23+$0x0], $0xffff  }
0x48e: {  	v10 =	vld.idx.msk [tilespmem:v8+s30+$0x0], $0xffff;
	_ =	sdelay $0x4  }
0x48f: {  	vm0 =	vgt.f32 v10, v9  }
0x490: {  	v10 =	vsel vm0, $0x3F800000, v3  }
0x491: {  	(xrf0) =	vmax.scan.msk.f32 $0xffff, v10;
	_ =	sdelay $0x5  }
0x492: {  	v10, _, _ =	vpop (xrf0)  }
0x493: {  	(v2sf) =	vpush v10, $0xF;
	_ =	sdelay $0xe  }
0x494: {  	s7 =	spop (v2sf)  }
0x495: {  	p1 =	sgt.f32 s7, $0.0e+00  }
.Ltmp80:
0x496: {  	_ = 	snop;
	(pc) =	sbr.rel @!p1 .LBB2_81-.Ltmp80, $1  }
0x497: {  	_ =	sdelay $0x3  }
.LBB2_80:
0x498: {  	v10 =	vld.idx.msk [tilespmem:v8+s30+$0x0], $0xffff;
	_ =	sdelay $0x4  }
0x499: {  	v10 =	vmin.f32 v9, v10  }
0x49a: {  	[tilespmem:v8+s30+$0x0] =	vst.idx.msk vm0, v10  }
0x49b: {  	v10 =	vld.idx.msk [tilespmem:v8+s30+$0x0], $0xffff;
	_ =	sdelay $0x4  }
0x49c: {  	vm1 =	vgt.f32 v10, v9  }
0x49d: {  	vm0 =	vmand vm0, vm1  }
0x49e: {  	v10 =	vsel vm0, $0x3F800000, v3  }
0x49f: {  	(xrf0) =	vmax.scan.msk.f32 $0xffff, v10;
	_ =	sdelay $0x5  }
0x4a0: {  	v10, _, _ =	vpop (xrf0)  }
0x4a1: {  	(v2sf) =	vpush v10, $0xF;
	_ =	sdelay $0xe  }
0x4a2: {  	s7 =	spop (v2sf)  }
0x4a3: {  	p1 =	sgt.f32 s7, $0.0e+00  }
.Ltmp81:
0x4a4: {  	_ = 	snop;
	(pc) =	sbr.rel @p1 .LBB2_80-.Ltmp81, $1  }
0x4a5: {  	_ =	sdelay $0x3  }
.LBB2_81:
0x4a6: {  	p1 =	sgt.f32 s6, $0.0e+00  }
.Ltmp82:
0x4a7: {  	_ = 	snop;
	(pc) =	sbr.rel @!p1 .LBB2_90-.Ltmp82, $1  }
0x4a8: {  	_ =	sdelay $0x3  }
0x4a9: {  	_ =	sdelay $0x3  }
0x4aa: {  	v8 =	vld.idx.msk [tilespmem:v7+s2+$0x0], $0xffff  }
0x4ab: {  	v9 =	vld.idx.msk [tilespmem:v6+s26+$0x0], $0xffff;
	_ =	sdelay $0x4  }
0x4ac: {  	vm0 =	vgt.f32 v9, v8  }
0x4ad: {  	v9 =	vsel vm0, $0x3F800000, v3  }
0x4ae: {  	(xrf0) =	vmax.scan.msk.f32 $0xffff, v9;
	_ =	sdelay $0x5  }
0x4af: {  	v9, _, _ =	vpop (xrf0)  }
0x4b0: {  	(v2sf) =	vpush v9, $0xF;
	_ =	sdelay $0xe  }
0x4b1: {  	s6 =	spop (v2sf)  }
0x4b2: {  	p1 =	sgt.f32 s6, $0.0e+00  }
.Ltmp83:
0x4b3: {  	_ = 	snop;
	(pc) =	sbr.rel @!p1 .LBB2_84-.Ltmp83, $1  }
0x4b4: {  	_ =	sdelay $0x3  }
.LBB2_83:
0x4b5: {  	v9 =	vld.idx.msk [tilespmem:v6+s26+$0x0], $0xffff;
	_ =	sdelay $0x4  }
0x4b6: {  	v9 =	vmin.f32 v8, v9  }
0x4b7: {  	[tilespmem:v6+s26+$0x0] =	vst.idx.msk vm0, v9  }
0x4b8: {  	v9 =	vld.idx.msk [tilespmem:v6+s26+$0x0], $0xffff;
	_ =	sdelay $0x4  }
0x4b9: {  	vm1 =	vgt.f32 v9, v8  }
0x4ba: {  	vm0 =	vmand vm0, vm1  }
0x4bb: {  	v9 =	vsel vm0, $0x3F800000, v3  }
0x4bc: {  	(xrf0) =	vmax.scan.msk.f32 $0xffff, v9;
	_ =	sdelay $0x5  }
0x4bd: {  	v9, _, _ =	vpop (xrf0)  }
0x4be: {  	(v2sf) =	vpush v9, $0xF;
	_ =	sdelay $0xe  }
0x4bf: {  	s6 =	spop (v2sf)  }
0x4c0: {  	p1 =	sgt.f32 s6, $0.0e+00  }
.Ltmp84:
0x4c1: {  	_ = 	snop;
	(pc) =	sbr.rel @p1 .LBB2_83-.Ltmp84, $1  }
0x4c2: {  	_ =	sdelay $0x3  }
.LBB2_84:
0x4c3: {  	_ =	sdelay $0x3  }
0x4c4: {  	v8 =	vld.idx.msk [tilespmem:v7+s21+$0x0], $0xffff  }
0x4c5: {  	v9 =	vld.idx.msk [tilespmem:v6+s28+$0x0], $0xffff;
	_ =	sdelay $0x4  }
0x4c6: {  	vm0 =	vgt.f32 v9, v8  }
0x4c7: {  	v9 =	vsel vm0, $0x3F800000, v3  }
0x4c8: {  	(xrf0) =	vmax.scan.msk.f32 $0xffff, v9;
	_ =	sdelay $0x5  }
0x4c9: {  	v9, _, _ =	vpop (xrf0)  }
0x4ca: {  	(v2sf) =	vpush v9, $0xF;
	_ =	sdelay $0xe  }
0x4cb: {  	s6 =	spop (v2sf)  }
0x4cc: {  	p1 =	sgt.f32 s6, $0.0e+00  }
.Ltmp85:
0x4cd: {  	_ = 	snop;
	(pc) =	sbr.rel @!p1 .LBB2_86-.Ltmp85, $1  }
0x4ce: {  	_ =	sdelay $0x3  }
.LBB2_85:
0x4cf: {  	v9 =	vld.idx.msk [tilespmem:v6+s28+$0x0], $0xffff;
	_ =	sdelay $0x4  }
0x4d0: {  	v9 =	vmin.f32 v8, v9  }
0x4d1: {  	[tilespmem:v6+s28+$0x0] =	vst.idx.msk vm0, v9  }
0x4d2: {  	v9 =	vld.idx.msk [tilespmem:v6+s28+$0x0], $0xffff;
	_ =	sdelay $0x4  }
0x4d3: {  	vm1 =	vgt.f32 v9, v8  }
0x4d4: {  	vm0 =	vmand vm0, vm1  }
0x4d5: {  	v9 =	vsel vm0, $0x3F800000, v3  }
0x4d6: {  	(xrf0) =	vmax.scan.msk.f32 $0xffff, v9;
	_ =	sdelay $0x5  }
0x4d7: {  	v9, _, _ =	vpop (xrf0)  }
0x4d8: {  	(v2sf) =	vpush v9, $0xF;
	_ =	sdelay $0xe  }
0x4d9: {  	s6 =	spop (v2sf)  }
0x4da: {  	p1 =	sgt.f32 s6, $0.0e+00  }
.Ltmp86:
0x4db: {  	_ = 	snop;
	(pc) =	sbr.rel @p1 .LBB2_85-.Ltmp86, $1  }
0x4dc: {  	_ =	sdelay $0x3  }
.LBB2_86:
0x4dd: {  	_ =	sdelay $0x3  }
0x4de: {  	v8 =	vld.idx.msk [tilespmem:v7+s22+$0x0], $0xffff  }
0x4df: {  	v9 =	vld.idx.msk [tilespmem:v6+s29+$0x0], $0xffff;
	_ =	sdelay $0x4  }
0x4e0: {  	vm0 =	vgt.f32 v9, v8  }
0x4e1: {  	v9 =	vsel vm0, $0x3F800000, v3  }
0x4e2: {  	(xrf0) =	vmax.scan.msk.f32 $0xffff, v9;
	_ =	sdelay $0x5  }
0x4e3: {  	v9, _, _ =	vpop (xrf0)  }
0x4e4: {  	(v2sf) =	vpush v9, $0xF;
	_ =	sdelay $0xe  }
0x4e5: {  	s6 =	spop (v2sf)  }
0x4e6: {  	p1 =	sgt.f32 s6, $0.0e+00  }
.Ltmp87:
0x4e7: {  	_ = 	snop;
	(pc) =	sbr.rel @!p1 .LBB2_88-.Ltmp87, $1  }
0x4e8: {  	_ =	sdelay $0x3  }
.LBB2_87:
0x4e9: {  	v9 =	vld.idx.msk [tilespmem:v6+s29+$0x0], $0xffff;
	_ =	sdelay $0x4  }
0x4ea: {  	v9 =	vmin.f32 v8, v9  }
0x4eb: {  	[tilespmem:v6+s29+$0x0] =	vst.idx.msk vm0, v9  }
0x4ec: {  	v9 =	vld.idx.msk [tilespmem:v6+s29+$0x0], $0xffff;
	_ =	sdelay $0x4  }
0x4ed: {  	vm1 =	vgt.f32 v9, v8  }
0x4ee: {  	vm0 =	vmand vm0, vm1  }
0x4ef: {  	v9 =	vsel vm0, $0x3F800000, v3  }
0x4f0: {  	(xrf0) =	vmax.scan.msk.f32 $0xffff, v9;
	_ =	sdelay $0x5  }
0x4f1: {  	v9, _, _ =	vpop (xrf0)  }
0x4f2: {  	(v2sf) =	vpush v9, $0xF;
	_ =	sdelay $0xe  }
0x4f3: {  	s6 =	spop (v2sf)  }
0x4f4: {  	p1 =	sgt.f32 s6, $0.0e+00  }
.Ltmp88:
0x4f5: {  	_ = 	snop;
	(pc) =	sbr.rel @p1 .LBB2_87-.Ltmp88, $1  }
0x4f6: {  	_ =	sdelay $0x3  }
.LBB2_88:
0x4f7: {  	_ =	sdelay $0x3  }
0x4f8: {  	v7 =	vld.idx.msk [tilespmem:v7+s23+$0x0], $0xffff  }
0x4f9: {  	v8 =	vld.idx.msk [tilespmem:v6+s30+$0x0], $0xffff;
	_ =	sdelay $0x4  }
0x4fa: {  	vm0 =	vgt.f32 v8, v7  }
0x4fb: {  	v8 =	vsel vm0, $0x3F800000, v3  }
0x4fc: {  	(xrf0) =	vmax.scan.msk.f32 $0xffff, v8;
	_ =	sdelay $0x5  }
0x4fd: {  	v8, _, _ =	vpop (xrf0)  }
0x4fe: {  	(v2sf) =	vpush v8, $0xF;
	_ =	sdelay $0xe  }
0x4ff: {  	s6 =	spop (v2sf)  }
0x500: {  	p1 =	sgt.f32 s6, $0.0e+00  }
.Ltmp89:
0x501: {  	_ = 	snop;
	(pc) =	sbr.rel @!p1 .LBB2_90-.Ltmp89, $1  }
0x502: {  	_ =	sdelay $0x3  }
.LBB2_89:
0x503: {  	v8 =	vld.idx.msk [tilespmem:v6+s30+$0x0], $0xffff;
	_ =	sdelay $0x4  }
0x504: {  	v8 =	vmin.f32 v7, v8  }
0x505: {  	[tilespmem:v6+s30+$0x0] =	vst.idx.msk vm0, v8  }
0x506: {  	v8 =	vld.idx.msk [tilespmem:v6+s30+$0x0], $0xffff;
	_ =	sdelay $0x4  }
0x507: {  	vm1 =	vgt.f32 v8, v7  }
0x508: {  	vm0 =	vmand vm0, vm1  }
0x509: {  	v8 =	vsel vm0, $0x3F800000, v3  }
0x50a: {  	(xrf0) =	vmax.scan.msk.f32 $0xffff, v8;
	_ =	sdelay $0x5  }
0x50b: {  	v8, _, _ =	vpop (xrf0)  }
0x50c: {  	(v2sf) =	vpush v8, $0xF;
	_ =	sdelay $0xe  }
0x50d: {  	s6 =	spop (v2sf)  }
0x50e: {  	p1 =	sgt.f32 s6, $0.0e+00  }
.Ltmp90:
0x50f: {  	_ = 	snop;
	(pc) =	sbr.rel @p1 .LBB2_89-.Ltmp90, $1  }
0x510: {  	_ =	sdelay $0x3  }
.LBB2_90:
0x511: {  	p1 =	sgt.f32 s5, $0.0e+00  }
.Ltmp91:
0x512: {  	_ = 	snop;
	(pc) =	sbr.rel @!p1 .LBB2_99-.Ltmp91, $1  }
0x513: {  	_ =	sdelay $0x3  }
0x514: {  	_ =	sdelay $0x3  }
0x515: {  	v6 =	vld.idx.msk [tilespmem:v5+s2+$0x0], $0xffff  }
0x516: {  	v7 =	vld.idx.msk [tilespmem:v4+s26+$0x0], $0xffff;
	_ =	sdelay $0x4  }
0x517: {  	vm0 =	vgt.f32 v7, v6  }
0x518: {  	v7 =	vsel vm0, $0x3F800000, v3  }
0x519: {  	(xrf0) =	vmax.scan.msk.f32 $0xffff, v7;
	_ =	sdelay $0x5  }
0x51a: {  	v7, _, _ =	vpop (xrf0)  }
0x51b: {  	(v2sf) =	vpush v7, $0xF;
	_ =	sdelay $0xe  }
0x51c: {  	s5 =	spop (v2sf)  }
0x51d: {  	p1 =	sgt.f32 s5, $0.0e+00  }
.Ltmp92:
0x51e: {  	_ = 	snop;
	(pc) =	sbr.rel @!p1 .LBB2_93-.Ltmp92, $1  }
0x51f: {  	_ =	sdelay $0x3  }
.LBB2_92:
0x520: {  	v7 =	vld.idx.msk [tilespmem:v4+s26+$0x0], $0xffff;
	_ =	sdelay $0x4  }
0x521: {  	v7 =	vmin.f32 v6, v7  }
0x522: {  	[tilespmem:v4+s26+$0x0] =	vst.idx.msk vm0, v7  }
0x523: {  	v7 =	vld.idx.msk [tilespmem:v4+s26+$0x0], $0xffff;
	_ =	sdelay $0x4  }
0x524: {  	vm1 =	vgt.f32 v7, v6  }
0x525: {  	vm0 =	vmand vm0, vm1  }
0x526: {  	v7 =	vsel vm0, $0x3F800000, v3  }
0x527: {  	(xrf0) =	vmax.scan.msk.f32 $0xffff, v7;
	_ =	sdelay $0x5  }
0x528: {  	v7, _, _ =	vpop (xrf0)  }
0x529: {  	(v2sf) =	vpush v7, $0xF;
	_ =	sdelay $0xe  }
0x52a: {  	s5 =	spop (v2sf)  }
0x52b: {  	p1 =	sgt.f32 s5, $0.0e+00  }
.Ltmp93:
0x52c: {  	_ = 	snop;
	(pc) =	sbr.rel @p1 .LBB2_92-.Ltmp93, $1  }
0x52d: {  	_ =	sdelay $0x3  }
.LBB2_93:
0x52e: {  	_ =	sdelay $0x3  }
0x52f: {  	v6 =	vld.idx.msk [tilespmem:v5+s21+$0x0], $0xffff  }
0x530: {  	v7 =	vld.idx.msk [tilespmem:v4+s28+$0x0], $0xffff;
	_ =	sdelay $0x4  }
0x531: {  	vm0 =	vgt.f32 v7, v6  }
0x532: {  	v7 =	vsel vm0, $0x3F800000, v3  }
0x533: {  	(xrf0) =	vmax.scan.msk.f32 $0xffff, v7;
	_ =	sdelay $0x5  }
0x534: {  	v7, _, _ =	vpop (xrf0)  }
0x535: {  	(v2sf) =	vpush v7, $0xF;
	_ =	sdelay $0xe  }
0x536: {  	s5 =	spop (v2sf)  }
0x537: {  	p1 =	sgt.f32 s5, $0.0e+00  }
.Ltmp94:
0x538: {  	_ = 	snop;
	(pc) =	sbr.rel @!p1 .LBB2_95-.Ltmp94, $1  }
0x539: {  	_ =	sdelay $0x3  }
.LBB2_94:
0x53a: {  	v7 =	vld.idx.msk [tilespmem:v4+s28+$0x0], $0xffff;
	_ =	sdelay $0x4  }
0x53b: {  	v7 =	vmin.f32 v6, v7  }
0x53c: {  	[tilespmem:v4+s28+$0x0] =	vst.idx.msk vm0, v7  }
0x53d: {  	v7 =	vld.idx.msk [tilespmem:v4+s28+$0x0], $0xffff;
	_ =	sdelay $0x4  }
0x53e: {  	vm1 =	vgt.f32 v7, v6  }
0x53f: {  	vm0 =	vmand vm0, vm1  }
0x540: {  	v7 =	vsel vm0, $0x3F800000, v3  }
0x541: {  	(xrf0) =	vmax.scan.msk.f32 $0xffff, v7;
	_ =	sdelay $0x5  }
0x542: {  	v7, _, _ =	vpop (xrf0)  }
0x543: {  	(v2sf) =	vpush v7, $0xF;
	_ =	sdelay $0xe  }
0x544: {  	s5 =	spop (v2sf)  }
0x545: {  	p1 =	sgt.f32 s5, $0.0e+00  }
.Ltmp95:
0x546: {  	_ = 	snop;
	(pc) =	sbr.rel @p1 .LBB2_94-.Ltmp95, $1  }
0x547: {  	_ =	sdelay $0x3  }
.LBB2_95:
0x548: {  	_ =	sdelay $0x3  }
0x549: {  	v6 =	vld.idx.msk [tilespmem:v5+s22+$0x0], $0xffff  }
0x54a: {  	v7 =	vld.idx.msk [tilespmem:v4+s29+$0x0], $0xffff;
	_ =	sdelay $0x4  }
0x54b: {  	vm0 =	vgt.f32 v7, v6  }
0x54c: {  	v7 =	vsel vm0, $0x3F800000, v3  }
0x54d: {  	(xrf0) =	vmax.scan.msk.f32 $0xffff, v7;
	_ =	sdelay $0x5  }
0x54e: {  	v7, _, _ =	vpop (xrf0)  }
0x54f: {  	(v2sf) =	vpush v7, $0xF;
	_ =	sdelay $0xe  }
0x550: {  	s5 =	spop (v2sf)  }
0x551: {  	p1 =	sgt.f32 s5, $0.0e+00  }
.Ltmp96:
0x552: {  	_ = 	snop;
	(pc) =	sbr.rel @!p1 .LBB2_97-.Ltmp96, $1  }
0x553: {  	_ =	sdelay $0x3  }
.LBB2_96:
0x554: {  	v7 =	vld.idx.msk [tilespmem:v4+s29+$0x0], $0xffff;
	_ =	sdelay $0x4  }
0x555: {  	v7 =	vmin.f32 v6, v7  }
0x556: {  	[tilespmem:v4+s29+$0x0] =	vst.idx.msk vm0, v7  }
0x557: {  	v7 =	vld.idx.msk [tilespmem:v4+s29+$0x0], $0xffff;
	_ =	sdelay $0x4  }
0x558: {  	vm1 =	vgt.f32 v7, v6  }
0x559: {  	vm0 =	vmand vm0, vm1  }
0x55a: {  	v7 =	vsel vm0, $0x3F800000, v3  }
0x55b: {  	(xrf0) =	vmax.scan.msk.f32 $0xffff, v7;
	_ =	sdelay $0x5  }
0x55c: {  	v7, _, _ =	vpop (xrf0)  }
0x55d: {  	(v2sf) =	vpush v7, $0xF;
	_ =	sdelay $0xe  }
0x55e: {  	s5 =	spop (v2sf)  }
0x55f: {  	p1 =	sgt.f32 s5, $0.0e+00  }
.Ltmp97:
0x560: {  	_ = 	snop;
	(pc) =	sbr.rel @p1 .LBB2_96-.Ltmp97, $1  }
0x561: {  	_ =	sdelay $0x3  }
.LBB2_97:
0x562: {  	_ =	sdelay $0x3  }
0x563: {  	v5 =	vld.idx.msk [tilespmem:v5+s23+$0x0], $0xffff  }
0x564: {  	v6 =	vld.idx.msk [tilespmem:v4+s30+$0x0], $0xffff;
	_ =	sdelay $0x4  }
0x565: {  	vm0 =	vgt.f32 v6, v5  }
0x566: {  	v6 =	vsel vm0, $0x3F800000, v3  }
0x567: {  	(xrf0) =	vmax.scan.msk.f32 $0xffff, v6;
	_ =	sdelay $0x5  }
0x568: {  	v6, _, _ =	vpop (xrf0)  }
0x569: {  	(v2sf) =	vpush v6, $0xF;
	_ =	sdelay $0xe  }
0x56a: {  	s5 =	spop (v2sf)  }
0x56b: {  	p1 =	sgt.f32 s5, $0.0e+00  }
.Ltmp98:
0x56c: {  	_ = 	snop;
	(pc) =	sbr.rel @!p1 .LBB2_99-.Ltmp98, $1  }
0x56d: {  	_ =	sdelay $0x3  }
.LBB2_98:
0x56e: {  	v6 =	vld.idx.msk [tilespmem:v4+s30+$0x0], $0xffff;
	_ =	sdelay $0x4  }
0x56f: {  	v6 =	vmin.f32 v5, v6  }
0x570: {  	[tilespmem:v4+s30+$0x0] =	vst.idx.msk vm0, v6  }
0x571: {  	v6 =	vld.idx.msk [tilespmem:v4+s30+$0x0], $0xffff;
	_ =	sdelay $0x4  }
0x572: {  	vm1 =	vgt.f32 v6, v5  }
0x573: {  	vm0 =	vmand vm0, vm1  }
0x574: {  	v6 =	vsel vm0, $0x3F800000, v3  }
0x575: {  	(xrf0) =	vmax.scan.msk.f32 $0xffff, v6;
	_ =	sdelay $0x5  }
0x576: {  	v6, _, _ =	vpop (xrf0)  }
0x577: {  	(v2sf) =	vpush v6, $0xF;
	_ =	sdelay $0xe  }
0x578: {  	s5 =	spop (v2sf)  }
0x579: {  	p1 =	sgt.f32 s5, $0.0e+00  }
.Ltmp99:
0x57a: {  	_ = 	snop;
	(pc) =	sbr.rel @p1 .LBB2_98-.Ltmp99, $1  }
0x57b: {  	_ =	sdelay $0x3  }
.Ltmp100:
0x57c: {  	_ = 	snop;
	(pc) =	sbr.rel .LBB2_99-.Ltmp100, $1  }
0x57d: {  	_ =	sdelay $0x3  }
.LBB2_100:
.Ltmp101:
0x57e: {  	(pc) =	sbr.rel @p0 .LBB2_102-.Ltmp101, $1  }
0x57f: {  	_ =	sdelay $0x3  }
0x580: {  	s5 =	smul.u32 $0xFA0, s16;
	_ =	sdelay $0x1  }
0x581: {  	s5 =	sshrl.u32 s5, $0x3  }
.Ltmp102:
0x582: {  	s5 =	sadd.s32 $0x2EE, s5;
	(pc) =	sbr.rel .LBB2_4-.Ltmp102, $4  }
0x583: {  	s6 =	sadd.s32 s3, s5  }
0x584: {  	[tilespmem:s18], [sflag:$0x3] =	stream.linear.gather [hbm4b:s6+s2], $0x7D0, $0x38;
	[tilespmem:$0x15C00] =	vst v63  }
0x585: {  	s16 =	sadd.s32 $0x1, s16;
	s5 =	sadd.s32 s4, s5  }
0x586: {  	[tilespmem:s19], [sflag:$0x4] =	stream.linear.gather [hbm4b:s5+s2], $0x7D0, $0x38;
	[tilespmem:$0x15C00] =	vst v63  }
.LBB2_103:
0x587: {  	_ =	sfence.sel $0x180000  }
0x588: {  	[bflag:$0x0] =	sbarrier.arrive $0xFFFF  }
0x589: {  	_ =	strace $0x90000047  }
0x58a: {  	s0 =	stileid.u32;
	[bflag:$0x2] =	sbarrier.arrive $0xFFFF  }
0x58b: {  	p0 =	sne.s32 s0, $0x0;
	s0 =	rddreg [dreg:$0x2]  }
0x58c: {  	s0 =	sadd.s32 @!p0 $0x100000, s0  }
0x58d: {  	[sflag:s0] =	ssyncadd.tile.s32 @!p0 $0x1;
	_ =	shalt  }
.Lfunc_end2:
_tile_overlayer_lowered:
.L_overlay_start_2:
0x58e: {  	(tag) =	ssettag $0x2  }
0x58f: {  	s0 =	rddreg [dreg:$0x0];
	s2 =	stileid.u32  }
0x590: {  	s1 =	rddreg [dreg:$0x1];
	p0 =	sne.s32 s2, $0x0  }
0x591: {  	s3 =	rddreg [dreg:$0x2];
	[bflag:$0x3] =	sbarrier.arrive $0xFFFF;
	s2 =	simm.s32 @!p0 $0x1C05  }
0x592: {  	[timem:s3], [sflag:s2] =	dma.local @!p0 [hbm:s0], s1  }
0x593: {  	s0 =	simm.s32 @!p0 $0x5  }
0x594: {  	_ =	swait.ge @!p0 [sflag:s0], s1  }
0x595: {  	s1 =	ssub.s32 @!p0 $0x0, s1;
	[sflag:s0] =	ssyncset.done @!p0 $0x0  }
0x596: {  	[sflag:s0] =	ssyncadd.s32 @!p0 s1  }
0x597: {  	[bflag:$0x3] =	sbarrier.arrive $0xFFFF  }
0x598: {  	_ =	shalt  }

</sc_bundles>
